<compile_context>
chip_gen: v7x
topology: tpu7x:2x2x1
jax: 0.10.2.dev20260603
libtpu: 0.0.44.dev20260713+nightly
codegen_flags: <defaults>
</compile_context>

<pallas_src>
import functools

import jax
import jax.numpy as jnp
from jax import lax
from jax.experimental import pallas as pl
from jax.experimental.pallas import tpu as pltpu
from jax.experimental.pallas import tpu_sc as plsc

N = 10000
F_IN = 128
H_DIM = 32
B = 100

CHUNK = 640
TAIL = N - 15 * CHUNK
B_PAD = 112
ACC = 16 * B_PAD
BLK = 2000


def _dense_body(x_ref, wz0_ref, wz1_ref, wh0_ref, wh1_ref, bz_ref, bh_ref,
                wl_ref, bl_ref, out_ref):
    xb = x_ref[...]

    def dot(w_ref):
        return jnp.dot(xb, w_ref[...], preferred_element_type=jnp.float32)

    z = jax.nn.sigmoid(dot(wz0_ref) + dot(wz1_ref) + bz_ref[...])
    t = jnp.tanh(dot(wh0_ref) + dot(wh1_ref) + bh_ref[...])
    g = jnp.maximum((1.0 - z) * t, 0.0)
    out_ref[...] = (jnp.dot(g, wl_ref[...], preferred_element_type=jnp.float32)
                    + bl_ref[...])


def _dense_stage(x, wz0, wz1, wh0, wh1, bz, bh, wlt, bl):
    grid = (N // BLK,)
    full = lambda i: (jnp.zeros_like(i), jnp.zeros_like(i))
    return pl.pallas_call(
        _dense_body,
        grid=grid,
        in_specs=[
            pl.BlockSpec((BLK, F_IN), lambda i: (i, jnp.zeros_like(i))),
            pl.BlockSpec((F_IN, H_DIM), full),
            pl.BlockSpec((F_IN, H_DIM), full),
            pl.BlockSpec((F_IN, H_DIM), full),
            pl.BlockSpec((F_IN, H_DIM), full),
            pl.BlockSpec((1, H_DIM), full),
            pl.BlockSpec((1, H_DIM), full),
            pl.BlockSpec((H_DIM, 1), full),
            pl.BlockSpec((1, 1), full),
        ],
        out_specs=pl.BlockSpec((BLK, 1), lambda i: (i, jnp.zeros_like(i))),
        out_shape=jax.ShapeDtypeStruct((N, 1), jnp.float32),
    )(x, wz0, wz1, wh0, wh1, bz, bh, wlt, bl)


def _segmean_body(h_hbm, ids_hbm, out_hbm, stage_s, vals_v, ids_v,
                  acc_s, acc_c, red_s, red_c, gbuf_s):
    sid = lax.axis_index("s")
    cid = lax.axis_index("c")
    base = sid * CHUNK
    zero = jnp.zeros((16,), jnp.float32)
    one = jnp.ones((16,), jnp.float32)
    lane16 = lax.iota(jnp.int32, 16)
    lane_off = lane16 * B_PAD
    col0 = lane16 * 0

    @pl.when(sid != 15)
    def _():
        pltpu.sync_copy(h_hbm.at[pl.ds(base, CHUNK)], vals_v)
        pltpu.sync_copy(ids_hbm.at[pl.ds(base, CHUNK)], ids_v)

    @pl.when(sid == 15)
    def _():
        pltpu.sync_copy(h_hbm.at[pl.ds(15 * CHUNK, TAIL)],
                        vals_v.at[pl.ds(0, TAIL)])
        pltpu.sync_copy(ids_hbm.at[pl.ds(15 * CHUNK, TAIL)],
                        ids_v.at[pl.ds(0, TAIL)])

    for j in range(ACC // 16):
        acc_s[pl.ds(j * 16, 16)] = zero
        acc_c[pl.ds(j * 16, 16)] = zero

    def step(j):
        ids = ids_v[pl.ds(j * 16, 16)]
        v = vals_v[pl.ds(j * 16, 16)]
        idx = lane_off + ids
        plsc.addupdate_scatter(acc_s, [idx], v)
        plsc.addupdate_scatter(acc_c, [idx], one)

    for j in range(TAIL // 16):
        step(j)

    @pl.when(sid != 15)
    def _():
        for j in range(TAIL // 16, CHUNK // 16):
            step(j)

    for j in range(B_PAD // 16):
        s = zero
        c = zero
        for i in range(16):
            s = s + acc_s[pl.ds(i * B_PAD + j * 16, 16)]
            c = c + acc_c[pl.ds(i * B_PAD + j * 16, 16)]
        red_s[pl.ds(j * 16, 16)] = s
        red_s[pl.ds(B_PAD + j * 16, 16)] = c

    @pl.when(cid == 0)
    def _():
        pltpu.sync_copy(red_s, stage_s.at[sid])

    plsc.subcore_barrier()

    @pl.when(jnp.logical_and(sid < B_PAD // 16, cid == 0))
    def _():
        pltpu.sync_copy(stage_s, gbuf_s)
        s = jnp.zeros((16,), jnp.float32)
        c = jnp.zeros((16,), jnp.float32)
        off = sid * 16
        coff = B_PAD + sid * 16
        for i in range(16):
            s = s + gbuf_s[i, pl.ds(off, 16)]
            c = c + gbuf_s[i, pl.ds(coff, 16)]
        red_c[pl.ds(0, 16)] = s / jnp.maximum(c, 1.0)
        pltpu.sync_copy(red_c.at[pl.ds(0, 16)], out_hbm.at[pl.ds(off, 16)])


def _segmean_stage(h_flat, ids):
    mesh = plsc.VectorSubcoreMesh(core_axis_name="c", subcore_axis_name="s")
    fn = functools.partial(
        pl.kernel,
        mesh=mesh,
        compiler_params=pltpu.CompilerParams(needs_layout_passes=False),
        out_type=(jax.ShapeDtypeStruct((B_PAD,), jnp.float32),
                  jax.ShapeDtypeStruct((16, 2 * B_PAD), jnp.float32)),
        scratch_types=[
            pltpu.VMEM((CHUNK,), jnp.float32),
            pltpu.VMEM((CHUNK,), jnp.int32),
            pltpu.VMEM((ACC,), jnp.float32),
            pltpu.VMEM((ACC,), jnp.float32),
            pltpu.VMEM((2 * B_PAD,), jnp.float32),
            pltpu.VMEM((B_PAD,), jnp.float32),
            pltpu.VMEM((16, 2 * B_PAD), jnp.float32),
        ],
    )(_segmean_body)
    return fn(h_flat, ids)[0]


def kernel(x, edge_index, edge_weight, batch, Wz0, Wz1, Wr0, Wr1, Wh0, Wh1,
           bz, br, bh, W_lin, b_lin):
    del edge_index, edge_weight, Wr0, Wr1, br
    x = x.astype(jnp.float32)
    bz2 = bz.astype(jnp.float32).reshape(1, H_DIM)
    bh2 = bh.astype(jnp.float32).reshape(1, H_DIM)
    wlt = W_lin.astype(jnp.float32).reshape(H_DIM, 1)
    bl2 = b_lin.astype(jnp.float32).reshape(1, 1)

    h = _dense_stage(x, Wz0.astype(jnp.float32), Wz1.astype(jnp.float32),
                     Wh0.astype(jnp.float32), Wh1.astype(jnp.float32),
                     bz2, bh2, wlt, bl2)
    h_flat = h.reshape(N)
    ids = batch.astype(jnp.int32)
    res = _segmean_stage(h_flat, ids)
    return res[:B].reshape(B, 1)

# --- scband reference (transcript-rebuilt; emitter-appended) ---
"""Pipeline reference for scband-recurrent-gcn-62775241998691 (READ-ONLY COPY).

The authoritative reference and input builder live on the scoring server;
editing this copy changes nothing except your own understanding.
"""

import jax, jax.numpy as jnp
import numpy as np
jax.config.update("jax_enable_x64", True)

N = 10000
E = 320000
F_IN = 128
H_DIM = 32
B = 100


def setup_inputs(seed: int = 0) -> dict:
    key = jax.random.key(seed)
    ks = jax.random.split(key, 20)
    x = jax.random.normal(ks[0], (N, F_IN), dtype=jnp.float32)
    edge_index = jax.random.randint(ks[1], (2, E), 0, N, dtype=jnp.int64)
    edge_weight = jax.random.uniform(ks[2], (E,), dtype=jnp.float32)
    batch = jnp.sort(jax.random.randint(ks[3], (N,), 0, B, dtype=jnp.int64))
    cin = F_IN + H_DIM  # DConv gate input is cat([X, H])
    s = 0.1
    params = {}
    names = ["Wz0", "Wz1", "Wr0", "Wr1", "Wh0", "Wh1"]
    for i, n in enumerate(names):
        params[n] = jax.random.normal(ks[4 + i], (cin, H_DIM), dtype=jnp.float32) * s
    params["bz"] = jnp.zeros((H_DIM,), dtype=jnp.float32)
    params["br"] = jnp.zeros((H_DIM,), dtype=jnp.float32)
    params["bh"] = jnp.zeros((H_DIM,), dtype=jnp.float32)
    params["W_lin"] = jax.random.normal(ks[12], (H_DIM, 1), dtype=jnp.float32) * s
    params["b_lin"] = jnp.zeros((1,), dtype=jnp.float32)
    return {"x": x, "edge_index": edge_index, "edge_weight": edge_weight, "batch": batch, **params}


def reference(x, edge_index, edge_weight, batch, Wz0, Wz1, Wr0, Wr1, Wh0, Wh1, bz, br, bh, W_lin, b_lin):
    # DCRNN cell (torch_geometric_temporal) with K=1. With filter size K=1, each
    # DConv reduces to H = X @ W[0,0] + X @ W[1,0] + b (the diffusion/propagate
    # steps only run for k>=1), so edge_index/edge_weight do not alter the output.
    n = x.shape[0]
    H0 = jnp.zeros((n, H_DIM), dtype=x.dtype)  # hidden state init (H=None in DCRNN)
    XH = jnp.concatenate([x, H0], axis=1)
    Z = jax.nn.sigmoid(XH @ Wz0 + XH @ Wz1 + bz)
    R = jax.nn.sigmoid(XH @ Wr0 + XH @ Wr1 + br)
    XHR = jnp.concatenate([x, H0 * R], axis=1)
    H_tilde = jnp.tanh(XHR @ Wh0 + XHR @ Wh1 + bh)
    H = Z * H0 + (1.0 - Z) * H_tilde
    h = jax.nn.relu(H)
    h = h @ W_lin + b_lin
    # global_mean_pool over graphs in the batch
    seg_sum = jax.ops.segment_sum(h, batch, num_segments=B)
    counts = jax.ops.segment_sum(jnp.ones((n, 1), dtype=h.dtype), batch, num_segments=B)
    out = seg_sum / jnp.maximum(counts, 1.0)
    return out

if __name__ == "__main__":
    import jax
    _d = setup_inputs()
    print(jax.jit(kernel)(*tuple(_d.values())))

</pallas_src>

<mosaic_0001>
#map = affine_map<(d0, d1) -> (0)>
#map1 = affine_map<(d0, d1) -> (0, 0)>
module attributes {stable_mosaic.version = 14 : i64} {
  func.func @_segmean_body(%arg0: i32, %arg1: i32, %arg2: memref<10000xf32, #tpu.memory_space<hbm>>, %arg3: memref<10000xi32, #tpu.memory_space<hbm>>, %arg4: memref<112xf32, #tpu.memory_space<hbm>>, %arg5: memref<16x224xf32, #tpu.memory_space<hbm>>, %arg6: memref<640xf32, #tpu.memory_space<vmem>>, %arg7: memref<640xi32, #tpu.memory_space<vmem>>, %arg8: memref<1792xf32, #tpu.memory_space<vmem>>, %arg9: memref<1792xf32, #tpu.memory_space<vmem>>, %arg10: memref<224xf32, #tpu.memory_space<vmem>>, %arg11: memref<112xf32, #tpu.memory_space<vmem>>, %arg12: memref<16x224xf32, #tpu.memory_space<vmem>>) attributes {dimension_semantics = [#tpu.dimension_semantics<core_parallel>, #tpu.dimension_semantics<subcore_parallel>], iteration_bounds = array<i64: 2, 16>, scalar_prefetch = 0 : i64, scratch_operands = 7 : i64, tpu.core_type = #tpu.core_type<sc_vector_subcore>, window_params = [{transform_indices = #map}, {transform_indices = #map}, {transform_indices = #map}, {transform_indices = #map1}]} {
    %mul3A = arith.constant 640 : i32
    %mul3A_0 = arith.muli %arg1, %mul3A : i32
    %broadcast_in_dim3A = arith.constant 0.000000e+00 : f32
    %broadcast_in_dim3A_1 = vector.broadcast %broadcast_in_dim3A : f32 to vector<16xf32>
    %broadcast_in_dim3A_2 = arith.constant 1.000000e+00 : f32
    %broadcast_in_dim3A_3 = vector.broadcast %broadcast_in_dim3A_2 : f32 to vector<16xf32>
    %iota3A = tpu.iota {dimensions = array<i32: 0>} : vector<16xi32>
    %mul3A_4 = arith.constant 112 : i32
    %mul3A_5 = vector.broadcast %mul3A_4 : i32 to vector<16xi32>
    %mul3A_6 = arith.muli %iota3A, %mul3A_5 : vector<16xi32>
    %mul3A_7 = arith.constant 0 : i32
    %mul3A_8 = vector.broadcast %mul3A_7 : i32 to vector<16xi32>
    %mul3A_9 = arith.muli %iota3A, %mul3A_8 : vector<16xi32>
    %ne3A = arith.constant 15 : i32
    %ne3A_10 = arith.cmpi ne, %arg1, %ne3A : i32
    %convert_element_type3A = arith.extui %ne3A_10 : i1 to i32
    %cond3A = arith.constant 0 : i32
    %cond3A_11 = arith.cmpi ne, %convert_element_type3A, %cond3A : i32
    scf.if %cond3A_11 {
      "tpu.region"() ({
        %run_scoped3A = tpu.sem_alloc : memref<!tpu.dma_semaphore, #tpu.memory_space<semaphore_mem>>
        %dma_start3A = tpu.memref_slice %arg2[%mul3A_0] : memref<10000xf32, #tpu.memory_space<hbm>> -> memref<640xf32, #tpu.memory_space<hbm>>
        %dma_start3A_1302 = tpu.memref_slice %arg2[%mul3A_0] : memref<10000xf32, #tpu.memory_space<hbm>> -> memref<640xf32, #tpu.memory_space<hbm>>
        tpu.enqueue_dma source(%dma_start3A_1302 : memref<640xf32, #tpu.memory_space<hbm>>) target(%arg6 : memref<640xf32, #tpu.memory_space<vmem>>) target_semaphore(%run_scoped3A : memref<!tpu.dma_semaphore, #tpu.memory_space<semaphore_mem>>)
        %dma_wait3A = tpu.memref_slice %arg2[%mul3A_0] : memref<10000xf32, #tpu.memory_space<hbm>> -> memref<640xf32, #tpu.memory_space<hbm>>
        %dma_wait3A_1303 = tpu.memref_slice %arg2[%mul3A_0] : memref<10000xf32, #tpu.memory_space<hbm>> -> memref<640xf32, #tpu.memory_space<hbm>>
        tpu.wait_dma2 semaphore(%run_scoped3A : memref<!tpu.dma_semaphore, #tpu.memory_space<semaphore_mem>>) src(%dma_wait3A_1303 : memref<640xf32, #tpu.memory_space<hbm>>) dst(%arg6 : memref<640xf32, #tpu.memory_space<vmem>>)
        tpu.yield
      }) : () -> ()
      "tpu.region"() ({
        %run_scoped3A = tpu.sem_alloc : memref<!tpu.dma_semaphore, #tpu.memory_space<semaphore_mem>>
        %dma_start3A = tpu.memref_slice %arg3[%mul3A_0] : memref<10000xi32, #tpu.memory_space<hbm>> -> memref<640xi32, #tpu.memory_space<hbm>>
        %dma_start3A_1302 = tpu.memref_slice %arg3[%mul3A_0] : memref<10000xi32, #tpu.memory_space<hbm>> -> memref<640xi32, #tpu.memory_space<hbm>>
        tpu.enqueue_dma source(%dma_start3A_1302 : memref<640xi32, #tpu.memory_space<hbm>>) target(%arg7 : memref<640xi32, #tpu.memory_space<vmem>>) target_semaphore(%run_scoped3A : memref<!tpu.dma_semaphore, #tpu.memory_space<semaphore_mem>>)
        %dma_wait3A = tpu.memref_slice %arg3[%mul3A_0] : memref<10000xi32, #tpu.memory_space<hbm>> -> memref<640xi32, #tpu.memory_space<hbm>>
        %dma_wait3A_1303 = tpu.memref_slice %arg3[%mul3A_0] : memref<10000xi32, #tpu.memory_space<hbm>> -> memref<640xi32, #tpu.memory_space<hbm>>
        tpu.wait_dma2 semaphore(%run_scoped3A : memref<!tpu.dma_semaphore, #tpu.memory_space<semaphore_mem>>) src(%dma_wait3A_1303 : memref<640xi32, #tpu.memory_space<hbm>>) dst(%arg7 : memref<640xi32, #tpu.memory_space<vmem>>)
        tpu.yield
      }) : () -> ()
    } else {
    }
    %eq3A = arith.constant 15 : i32
    %eq3A_12 = arith.cmpi eq, %arg1, %eq3A : i32
    %convert_element_type3A_13 = arith.extui %eq3A_12 : i1 to i32
    %cond3A_14 = arith.constant 0 : i32
    %cond3A_15 = arith.cmpi ne, %convert_element_type3A_13, %cond3A_14 : i32
    scf.if %cond3A_15 {
      "tpu.region"() ({
        %run_scoped3A = tpu.sem_alloc : memref<!tpu.dma_semaphore, #tpu.memory_space<semaphore_mem>>
        %dma_start3A = arith.constant 0 : i32
        %dma_start3A_1302 = tpu.memref_slice %arg6[%dma_start3A] : memref<640xf32, #tpu.memory_space<vmem>> -> memref<400xf32, #tpu.memory_space<vmem>>
        %dma_start3A_1303 = arith.constant 9600 : i32
        %dma_start3A_1304 = tpu.memref_slice %arg2[%dma_start3A_1303] : memref<10000xf32, #tpu.memory_space<hbm>> -> memref<400xf32, #tpu.memory_space<hbm>>
        %dma_start3A_1305 = arith.constant 0 : i32
        %dma_start3A_1306 = tpu.memref_slice %arg6[%dma_start3A_1305] : memref<640xf32, #tpu.memory_space<vmem>> -> memref<400xf32, #tpu.memory_space<vmem>>
        %dma_start3A_1307 = arith.constant 9600 : i32
        %dma_start3A_1308 = tpu.memref_slice %arg2[%dma_start3A_1307] : memref<10000xf32, #tpu.memory_space<hbm>> -> memref<400xf32, #tpu.memory_space<hbm>>
        tpu.enqueue_dma source(%dma_start3A_1308 : memref<400xf32, #tpu.memory_space<hbm>>) target(%dma_start3A_1306 : memref<400xf32, #tpu.memory_space<vmem>>) target_semaphore(%run_scoped3A : memref<!tpu.dma_semaphore, #tpu.memory_space<semaphore_mem>>)
        %dma_wait3A = arith.constant 0 : i32
        %dma_wait3A_1309 = tpu.memref_slice %arg6[%dma_wait3A] : memref<640xf32, #tpu.memory_space<vmem>> -> memref<400xf32, #tpu.memory_space<vmem>>
        %dma_wait3A_1310 = arith.constant 9600 : i32
        %dma_wait3A_1311 = tpu.memref_slice %arg2[%dma_wait3A_1310] : memref<10000xf32, #tpu.memory_space<hbm>> -> memref<400xf32, #tpu.memory_space<hbm>>
        %dma_wait3A_1312 = arith.constant 0 : i32
        %dma_wait3A_1313 = tpu.memref_slice %arg6[%dma_wait3A_1312] : memref<640xf32, #tpu.memory_space<vmem>> -> memref<400xf32, #tpu.memory_space<vmem>>
        %dma_wait3A_1314 = arith.constant 9600 : i32
        %dma_wait3A_1315 = tpu.memref_slice %arg2[%dma_wait3A_1314] : memref<10000xf32, #tpu.memory_space<hbm>> -> memref<400xf32, #tpu.memory_space<hbm>>
        tpu.wait_dma2 semaphore(%run_scoped3A : memref<!tpu.dma_semaphore, #tpu.memory_space<semaphore_mem>>) src(%dma_wait3A_1315 : memref<400xf32, #tpu.memory_space<hbm>>) dst(%dma_wait3A_1313 : memref<400xf32, #tpu.memory_space<vmem>>)
        tpu.yield
      }) : () -> ()
      "tpu.region"() ({
        %run_scoped3A = tpu.sem_alloc : memref<!tpu.dma_semaphore, #tpu.memory_space<semaphore_mem>>
        %dma_start3A = arith.constant 0 : i32
        %dma_start3A_1302 = tpu.memref_slice %arg7[%dma_start3A] : memref<640xi32, #tpu.memory_space<vmem>> -> memref<400xi32, #tpu.memory_space<vmem>>
        %dma_start3A_1303 = arith.constant 9600 : i32
        %dma_start3A_1304 = tpu.memref_slice %arg3[%dma_start3A_1303] : memref<10000xi32, #tpu.memory_space<hbm>> -> memref<400xi32, #tpu.memory_space<hbm>>
        %dma_start3A_1305 = arith.constant 0 : i32
        %dma_start3A_1306 = tpu.memref_slice %arg7[%dma_start3A_1305] : memref<640xi32, #tpu.memory_space<vmem>> -> memref<400xi32, #tpu.memory_space<vmem>>
        %dma_start3A_1307 = arith.constant 9600 : i32
        %dma_start3A_1308 = tpu.memref_slice %arg3[%dma_start3A_1307] : memref<10000xi32, #tpu.memory_space<hbm>> -> memref<400xi32, #tpu.memory_space<hbm>>
        tpu.enqueue_dma source(%dma_start3A_1308 : memref<400xi32, #tpu.memory_space<hbm>>) target(%dma_start3A_1306 : memref<400xi32, #tpu.memory_space<vmem>>) target_semaphore(%run_scoped3A : memref<!tpu.dma_semaphore, #tpu.memory_space<semaphore_mem>>)
        %dma_wait3A = arith.constant 0 : i32
        %dma_wait3A_1309 = tpu.memref_slice %arg7[%dma_wait3A] : memref<640xi32, #tpu.memory_space<vmem>> -> memref<400xi32, #tpu.memory_space<vmem>>
        %dma_wait3A_1310 = arith.constant 9600 : i32
        %dma_wait3A_1311 = tpu.memref_slice %arg3[%dma_wait3A_1310] : memref<10000xi32, #tpu.memory_space<hbm>> -> memref<400xi32, #tpu.memory_space<hbm>>
        %dma_wait3A_1312 = arith.constant 0 : i32
        %dma_wait3A_1313 = tpu.memref_slice %arg7[%dma_wait3A_1312] : memref<640xi32, #tpu.memory_space<vmem>> -> memref<400xi32, #tpu.memory_space<vmem>>
        %dma_wait3A_1314 = arith.constant 9600 : i32
        %dma_wait3A_1315 = tpu.memref_slice %arg3[%dma_wait3A_1314] : memref<10000xi32, #tpu.memory_space<hbm>> -> memref<400xi32, #tpu.memory_space<hbm>>
        tpu.wait_dma2 semaphore(%run_scoped3A : memref<!tpu.dma_semaphore, #tpu.memory_space<semaphore_mem>>) src(%dma_wait3A_1315 : memref<400xi32, #tpu.memory_space<hbm>>) dst(%dma_wait3A_1313 : memref<400xi32, #tpu.memory_space<vmem>>)
        tpu.yield
      }) : () -> ()
    } else {
    }
    %swap3A = arith.constant 0 : index
    %swap3A_16 = tpu.vector_load %arg8[%swap3A] {strides = array<i32>} : memref<1792xf32, #tpu.memory_space<vmem>>, vector<16xf32>,
    tpu.vector_store %arg8[%swap3A], %broadcast_in_dim3A_1 {strides = array<i32>} : memref<1792xf32, #tpu.memory_space<vmem>>, vector<16xf32>,
    %swap3A_17 = arith.constant 0 : index
    %swap3A_18 = tpu.vector_load %arg9[%swap3A_17] {strides = array<i32>} : memref<1792xf32, #tpu.memory_space<vmem>>, vector<16xf32>,
    tpu.vector_store %arg9[%swap3A_17], %broadcast_in_dim3A_1 {strides = array<i32>} : memref<1792xf32, #tpu.memory_space<vmem>>, vector<16xf32>,
    %swap3A_19 = arith.constant 16 : index
    %swap3A_20 = tpu.vector_load %arg8[%swap3A_19] {strides = array<i32>} : memref<1792xf32, #tpu.memory_space<vmem>>, vector<16xf32>,
    tpu.vector_store %arg8[%swap3A_19], %broadcast_in_dim3A_1 {strides = array<i32>} : memref<1792xf32, #tpu.memory_space<vmem>>, vector<16xf32>,
    %swap3A_21 = arith.constant 16 : index
    %swap3A_22 = tpu.vector_load %arg9[%swap3A_21] {strides = array<i32>} : memref<1792xf32, #tpu.memory_space<vmem>>, vector<16xf32>,
    tpu.vector_store %arg9[%swap3A_21], %broadcast_in_dim3A_1 {strides = array<i32>} : memref<1792xf32, #tpu.memory_space<vmem>>, vector<16xf32>,
    %swap3A_23 = arith.constant 32 : index
    %swap3A_24 = tpu.vector_load %arg8[%swap3A_23] {strides = array<i32>} : memref<1792xf32, #tpu.memory_space<vmem>>, vector<16xf32>,
    tpu.vector_store %arg8[%swap3A_23], %broadcast_in_dim3A_1 {strides = array<i32>} : memref<1792xf32, #tpu.memory_space<vmem>>, vector<16xf32>,
    %swap3A_25 = arith.constant 32 : index
    %swap3A_26 = tpu.vector_load %arg9[%swap3A_25] {strides = array<i32>} : memref<1792xf32, #tpu.memory_space<vmem>>, vector<16xf32>,
    tpu.vector_store %arg9[%swap3A_25], %broadcast_in_dim3A_1 {strides = array<i32>} : memref<1792xf32, #tpu.memory_space<vmem>>, vector<16xf32>,
    %swap3A_27 = arith.constant 48 : index
    %swap3A_28 = tpu.vector_load %arg8[%swap3A_27] {strides = array<i32>} : memref<1792xf32, #tpu.memory_space<vmem>>, vector<16xf32>,
    tpu.vector_store %arg8[%swap3A_27], %broadcast_in_dim3A_1 {strides = array<i32>} : memref<1792xf32, #tpu.memory_space<vmem>>, vector<16xf32>,
    %swap3A_29 = arith.constant 48 : index
    %swap3A_30 = tpu.vector_load %arg9[%swap3A_29] {strides = array<i32>} : memref<1792xf32, #tpu.memory_space<vmem>>, vector<16xf32>,
    tpu.vector_store %arg9[%swap3A_29], %broadcast_in_dim3A_1 {strides = array<i32>} : memref<1792xf32, #tpu.memory_space<vmem>>, vector<16xf32>,
    %swap3A_31 = arith.constant 64 : index
    %swap3A_32 = tpu.vector_load %arg8[%swap3A_31] {strides = array<i32>} : memref<1792xf32, #tpu.memory_space<vmem>>, vector<16xf32>,
    tpu.vector_store %arg8[%swap3A_31], %broadcast_in_dim3A_1 {strides = array<i32>} : memref<1792xf32, #tpu.memory_space<vmem>>, vector<16xf32>,
    %swap3A_33 = arith.constant 64 : index
    %swap3A_34 = tpu.vector_load %arg9[%swap3A_33] {strides = array<i32>} : memref<1792xf32, #tpu.memory_space<vmem>>, vector<16xf32>,
    tpu.vector_store %arg9[%swap3A_33], %broadcast_in_dim3A_1 {strides = array<i32>} : memref<1792xf32, #tpu.memory_space<vmem>>, vector<16xf32>,
    %swap3A_35 = arith.constant 80 : index
    %swap3A_36 = tpu.vector_load %arg8[%swap3A_35] {strides = array<i32>} : memref<1792xf32, #tpu.memory_space<vmem>>, vector<16xf32>,
    tpu.vector_store %arg8[%swap3A_35], %broadcast_in_dim3A_1 {strides = array<i32>} : memref<1792xf32, #tpu.memory_space<vmem>>, vector<16xf32>,
    %swap3A_37 = arith.constant 80 : index
    %swap3A_38 = tpu.vector_load %arg9[%swap3A_37] {strides = array<i32>} : memref<1792xf32, #tpu.memory_space<vmem>>, vector<16xf32>,
    tpu.vector_store %arg9[%swap3A_37], %broadcast_in_dim3A_1 {strides = array<i32>} : memref<1792xf32, #tpu.memory_space<vmem>>, vector<16xf32>,
    %swap3A_39 = arith.constant 96 : index
    %swap3A_40 = tpu.vector_load %arg8[%swap3A_39] {strides = array<i32>} : memref<1792xf32, #tpu.memory_space<vmem>>, vector<16xf32>,
    tpu.vector_store %arg8[%swap3A_39], %broadcast_in_dim3A_1 {strides = array<i32>} : memref<1792xf32, #tpu.memory_space<vmem>>, vector<16xf32>,
    %swap3A_41 = arith.constant 96 : index
    %swap3A_42 = tpu.vector_load %arg9[%swap3A_41] {strides = array<i32>} : memref<1792xf32, #tpu.memory_space<vmem>>, vector<16xf32>,
    tpu.vector_store %arg9[%swap3A_41], %broadcast_in_dim3A_1 {strides = array<i32>} : memref<1792xf32, #tpu.memory_space<vmem>>, vector<16xf32>,
    %swap3A_43 = arith.constant 112 : index
    %swap3A_44 = tpu.vector_load %arg8[%swap3A_43] {strides = array<i32>} : memref<1792xf32, #tpu.memory_space<vmem>>, vector<16xf32>,
    tpu.vector_store %arg8[%swap3A_43], %broadcast_in_dim3A_1 {strides = array<i32>} : memref<1792xf32, #tpu.memory_space<vmem>>, vector<16xf32>,
    %swap3A_45 = arith.constant 112 : index
    %swap3A_46 = tpu.vector_load %arg9[%swap3A_45] {strides = array<i32>} : memref<1792xf32, #tpu.memory_space<vmem>>, vector<16xf32>,
    tpu.vector_store %arg9[%swap3A_45], %broadcast_in_dim3A_1 {strides = array<i32>} : memref<1792xf32, #tpu.memory_space<vmem>>, vector<16xf32>,
    %swap3A_47 = arith.constant 128 : index
    %swap3A_48 = tpu.vector_load %arg8[%swap3A_47] {strides = array<i32>} : memref<1792xf32, #tpu.memory_space<vmem>>, vector<16xf32>,
    tpu.vector_store %arg8[%swap3A_47], %broadcast_in_dim3A_1 {strides = array<i32>} : memref<1792xf32, #tpu.memory_space<vmem>>, vector<16xf32>,
    %swap3A_49 = arith.constant 128 : index
    %swap3A_50 = tpu.vector_load %arg9[%swap3A_49] {strides = array<i32>} : memref<1792xf32, #tpu.memory_space<vmem>>, vector<16xf32>,
    tpu.vector_store %arg9[%swap3A_49], %broadcast_in_dim3A_1 {strides = array<i32>} : memref<1792xf32, #tpu.memory_space<vmem>>, vector<16xf32>,
    %swap3A_51 = arith.constant 144 : index
    %swap3A_52 = tpu.vector_load %arg8[%swap3A_51] {strides = array<i32>} : memref<1792xf32, #tpu.memory_space<vmem>>, vector<16xf32>,
    tpu.vector_store %arg8[%swap3A_51], %broadcast_in_dim3A_1 {strides = array<i32>} : memref<1792xf32, #tpu.memory_space<vmem>>, vector<16xf32>,
    %swap3A_53 = arith.constant 144 : index
    %swap3A_54 = tpu.vector_load %arg9[%swap3A_53] {strides = array<i32>} : memref<1792xf32, #tpu.memory_space<vmem>>, vector<16xf32>,
    tpu.vector_store %arg9[%swap3A_53], %broadcast_in_dim3A_1 {strides = array<i32>} : memref<1792xf32, #tpu.memory_space<vmem>>, vector<16xf32>,
    %swap3A_55 = arith.constant 160 : index
    %swap3A_56 = tpu.vector_load %arg8[%swap3A_55] {strides = array<i32>} : memref<1792xf32, #tpu.memory_space<vmem>>, vector<16xf32>,
    tpu.vector_store %arg8[%swap3A_55], %broadcast_in_dim3A_1 {strides = array<i32>} : memref<1792xf32, #tpu.memory_space<vmem>>, vector<16xf32>,
    %swap3A_57 = arith.constant 160 : index
    %swap3A_58 = tpu.vector_load %arg9[%swap3A_57] {strides = array<i32>} : memref<1792xf32, #tpu.memory_space<vmem>>, vector<16xf32>,
    tpu.vector_store %arg9[%swap3A_57], %broadcast_in_dim3A_1 {strides = array<i32>} : memref<1792xf32, #tpu.memory_space<vmem>>, vector<16xf32>,
    %swap3A_59 = arith.constant 176 : index
    %swap3A_60 = tpu.vector_load %arg8[%swap3A_59] {strides = array<i32>} : memref<1792xf32, #tpu.memory_space<vmem>>, vector<16xf32>,
    tpu.vector_store %arg8[%swap3A_59], %broadcast_in_dim3A_1 {strides = array<i32>} : memref<1792xf32, #tpu.memory_space<vmem>>, vector<16xf32>,
    %swap3A_61 = arith.constant 176 : index
    %swap3A_62 = tpu.vector_load %arg9[%swap3A_61] {strides = array<i32>} : memref<1792xf32, #tpu.memory_space<vmem>>, vector<16xf32>,
    tpu.vector_store %arg9[%swap3A_61], %broadcast_in_dim3A_1 {strides = array<i32>} : memref<1792xf32, #tpu.memory_space<vmem>>, vector<16xf32>,
    %swap3A_63 = arith.constant 192 : index
    %swap3A_64 = tpu.vector_load %arg8[%swap3A_63] {strides = array<i32>} : memref<1792xf32, #tpu.memory_space<vmem>>, vector<16xf32>,
    tpu.vector_store %arg8[%swap3A_63], %broadcast_in_dim3A_1 {strides = array<i32>} : memref<1792xf32, #tpu.memory_space<vmem>>, vector<16xf32>,
    %swap3A_65 = arith.constant 192 : index
    %swap3A_66 = tpu.vector_load %arg9[%swap3A_65] {strides = array<i32>} : memref<1792xf32, #tpu.memory_space<vmem>>, vector<16xf32>,
    tpu.vector_store %arg9[%swap3A_65], %broadcast_in_dim3A_1 {strides = array<i32>} : memref<1792xf32, #tpu.memory_space<vmem>>, vector<16xf32>,
    %swap3A_67 = arith.constant 208 : index
    %swap3A_68 = tpu.vector_load %arg8[%swap3A_67] {strides = array<i32>} : memref<1792xf32, #tpu.memory_space<vmem>>, vector<16xf32>,
    tpu.vector_store %arg8[%swap3A_67], %broadcast_in_dim3A_1 {strides = array<i32>} : memref<1792xf32, #tpu.memory_space<vmem>>, vector<16xf32>,
    %swap3A_69 = arith.constant 208 : index
    %swap3A_70 = tpu.vector_load %arg9[%swap3A_69] {strides = array<i32>} : memref<1792xf32, #tpu.memory_space<vmem>>, vector<16xf32>,
    tpu.vector_store %arg9[%swap3A_69], %broadcast_in_dim3A_1 {strides = array<i32>} : memref<1792xf32, #tpu.memory_space<vmem>>, vector<16xf32>,
    %swap3A_71 = arith.constant 224 : index
    %swap3A_72 = tpu.vector_load %arg8[%swap3A_71] {strides = array<i32>} : memref<1792xf32, #tpu.memory_space<vmem>>, vector<16xf32>,
    tpu.vector_store %arg8[%swap3A_71], %broadcast_in_dim3A_1 {strides = array<i32>} : memref<1792xf32, #tpu.memory_space<vmem>>, vector<16xf32>,
    %swap3A_73 = arith.constant 224 : index
    %swap3A_74 = tpu.vector_load %arg9[%swap3A_73] {strides = array<i32>} : memref<1792xf32, #tpu.memory_space<vmem>>, vector<16xf32>,
    tpu.vector_store %arg9[%swap3A_73], %broadcast_in_dim3A_1 {strides = array<i32>} : memref<1792xf32, #tpu.memory_space<vmem>>, vector<16xf32>,
    %swap3A_75 = arith.constant 240 : index
    %swap3A_76 = tpu.vector_load %arg8[%swap3A_75] {strides = array<i32>} : memref<1792xf32, #tpu.memory_space<vmem>>, vector<16xf32>,
    tpu.vector_store %arg8[%swap3A_75], %broadcast_in_dim3A_1 {strides = array<i32>} : memref<1792xf32, #tpu.memory_space<vmem>>, vector<16xf32>,
    %swap3A_77 = arith.constant 240 : index
    %swap3A_78 = tpu.vector_load %arg9[%swap3A_77] {strides = array<i32>} : memref<1792xf32, #tpu.memory_space<vmem>>, vector<16xf32>,
    tpu.vector_store %arg9[%swap3A_77], %broadcast_in_dim3A_1 {strides = array<i32>} : memref<1792xf32, #tpu.memory_space<vmem>>, vector<16xf32>,
    %swap3A_79 = arith.constant 256 : index
    %swap3A_80 = tpu.vector_load %arg8[%swap3A_79] {strides = array<i32>} : memref<1792xf32, #tpu.memory_space<vmem>>, vector<16xf32>,
    tpu.vector_store %arg8[%swap3A_79], %broadcast_in_dim3A_1 {strides = array<i32>} : memref<1792xf32, #tpu.memory_space<vmem>>, vector<16xf32>,
    %swap3A_81 = arith.constant 256 : index
    %swap3A_82 = tpu.vector_load %arg9[%swap3A_81] {strides = array<i32>} : memref<1792xf32, #tpu.memory_space<vmem>>, vector<16xf32>,
    tpu.vector_store %arg9[%swap3A_81], %broadcast_in_dim3A_1 {strides = array<i32>} : memref<1792xf32, #tpu.memory_space<vmem>>, vector<16xf32>,
    %swap3A_83 = arith.constant 272 : index
    %swap3A_84 = tpu.vector_load %arg8[%swap3A_83] {strides = array<i32>} : memref<1792xf32, #tpu.memory_space<vmem>>, vector<16xf32>,
    tpu.vector_store %arg8[%swap3A_83], %broadcast_in_dim3A_1 {strides = array<i32>} : memref<1792xf32, #tpu.memory_space<vmem>>, vector<16xf32>,
    %swap3A_85 = arith.constant 272 : index
    %swap3A_86 = tpu.vector_load %arg9[%swap3A_85] {strides = array<i32>} : memref<1792xf32, #tpu.memory_space<vmem>>, vector<16xf32>,
    tpu.vector_store %arg9[%swap3A_85], %broadcast_in_dim3A_1 {strides = array<i32>} : memref<1792xf32, #tpu.memory_space<vmem>>, vector<16xf32>,
    %swap3A_87 = arith.constant 288 : index
    %swap3A_88 = tpu.vector_load %arg8[%swap3A_87] {strides = array<i32>} : memref<1792xf32, #tpu.memory_space<vmem>>, vector<16xf32>,
    tpu.vector_store %arg8[%swap3A_87], %broadcast_in_dim3A_1 {strides = array<i32>} : memref<1792xf32, #tpu.memory_space<vmem>>, vector<16xf32>,
    %swap3A_89 = arith.constant 288 : index
    %swap3A_90 = tpu.vector_load %arg9[%swap3A_89] {strides = array<i32>} : memref<1792xf32, #tpu.memory_space<vmem>>, vector<16xf32>,
    tpu.vector_store %arg9[%swap3A_89], %broadcast_in_dim3A_1 {strides = array<i32>} : memref<1792xf32, #tpu.memory_space<vmem>>, vector<16xf32>,
    %swap3A_91 = arith.constant 304 : index
    %swap3A_92 = tpu.vector_load %arg8[%swap3A_91] {strides = array<i32>} : memref<1792xf32, #tpu.memory_space<vmem>>, vector<16xf32>,
    tpu.vector_store %arg8[%swap3A_91], %broadcast_in_dim3A_1 {strides = array<i32>} : memref<1792xf32, #tpu.memory_space<vmem>>, vector<16xf32>,
    %swap3A_93 = arith.constant 304 : index
    %swap3A_94 = tpu.vector_load %arg9[%swap3A_93] {strides = array<i32>} : memref<1792xf32, #tpu.memory_space<vmem>>, vector<16xf32>,
    tpu.vector_store %arg9[%swap3A_93], %broadcast_in_dim3A_1 {strides = array<i32>} : memref<1792xf32, #tpu.memory_space<vmem>>, vector<16xf32>,
    %swap3A_95 = arith.constant 320 : index
    %swap3A_96 = tpu.vector_load %arg8[%swap3A_95] {strides = array<i32>} : memref<1792xf32, #tpu.memory_space<vmem>>, vector<16xf32>,
    tpu.vector_store %arg8[%swap3A_95], %broadcast_in_dim3A_1 {strides = array<i32>} : memref<1792xf32, #tpu.memory_space<vmem>>, vector<16xf32>,
    %swap3A_97 = arith.constant 320 : index
    %swap3A_98 = tpu.vector_load %arg9[%swap3A_97] {strides = array<i32>} : memref<1792xf32, #tpu.memory_space<vmem>>, vector<16xf32>,
    tpu.vector_store %arg9[%swap3A_97], %broadcast_in_dim3A_1 {strides = array<i32>} : memref<1792xf32, #tpu.memory_space<vmem>>, vector<16xf32>,
    %swap3A_99 = arith.constant 336 : index
    %swap3A_100 = tpu.vector_load %arg8[%swap3A_99] {strides = array<i32>} : memref<1792xf32, #tpu.memory_space<vmem>>, vector<16xf32>,
    tpu.vector_store %arg8[%swap3A_99], %broadcast_in_dim3A_1 {strides = array<i32>} : memref<1792xf32, #tpu.memory_space<vmem>>, vector<16xf32>,
    %swap3A_101 = arith.constant 336 : index
    %swap3A_102 = tpu.vector_load %arg9[%swap3A_101] {strides = array<i32>} : memref<1792xf32, #tpu.memory_space<vmem>>, vector<16xf32>,
    tpu.vector_store %arg9[%swap3A_101], %broadcast_in_dim3A_1 {strides = array<i32>} : memref<1792xf32, #tpu.memory_space<vmem>>, vector<16xf32>,
    %swap3A_103 = arith.constant 352 : index
    %swap3A_104 = tpu.vector_load %arg8[%swap3A_103] {strides = array<i32>} : memref<1792xf32, #tpu.memory_space<vmem>>, vector<16xf32>,
    tpu.vector_store %arg8[%swap3A_103], %broadcast_in_dim3A_1 {strides = array<i32>} : memref<1792xf32, #tpu.memory_space<vmem>>, vector<16xf32>,
    %swap3A_105 = arith.constant 352 : index
    %swap3A_106 = tpu.vector_load %arg9[%swap3A_105] {strides = array<i32>} : memref<1792xf32, #tpu.memory_space<vmem>>, vector<16xf32>,
    tpu.vector_store %arg9[%swap3A_105], %broadcast_in_dim3A_1 {strides = array<i32>} : memref<1792xf32, #tpu.memory_space<vmem>>, vector<16xf32>,
    %swap3A_107 = arith.constant 368 : index
    %swap3A_108 = tpu.vector_load %arg8[%swap3A_107] {strides = array<i32>} : memref<1792xf32, #tpu.memory_space<vmem>>, vector<16xf32>,
    tpu.vector_store %arg8[%swap3A_107], %broadcast_in_dim3A_1 {strides = array<i32>} : memref<1792xf32, #tpu.memory_space<vmem>>, vector<16xf32>,
    %swap3A_109 = arith.constant 368 : index
    %swap3A_110 = tpu.vector_load %arg9[%swap3A_109] {strides = array<i32>} : memref<1792xf32, #tpu.memory_space<vmem>>, vector<16xf32>,
    tpu.vector_store %arg9[%swap3A_109], %broadcast_in_dim3A_1 {strides = array<i32>} : memref<1792xf32, #tpu.memory_space<vmem>>, vector<16xf32>,
    %swap3A_111 = arith.constant 384 : index
    %swap3A_112 = tpu.vector_load %arg8[%swap3A_111] {strides = array<i32>} : memref<1792xf32, #tpu.memory_space<vmem>>, vector<16xf32>,
    tpu.vector_store %arg8[%swap3A_111], %broadcast_in_dim3A_1 {strides = array<i32>} : memref<1792xf32, #tpu.memory_space<vmem>>, vector<16xf32>,
    %swap3A_113 = arith.constant 384 : index
    %swap3A_114 = tpu.vector_load %arg9[%swap3A_113] {strides = array<i32>} : memref<1792xf32, #tpu.memory_space<vmem>>, vector<16xf32>,
    tpu.vector_store %arg9[%swap3A_113], %broadcast_in_dim3A_1 {strides = array<i32>} : memref<1792xf32, #tpu.memory_space<vmem>>, vector<16xf32>,
    %swap3A_115 = arith.constant 400 : index
    %swap3A_116 = tpu.vector_load %arg8[%swap3A_115] {strides = array<i32>} : memref<1792xf32, #tpu.memory_space<vmem>>, vector<16xf32>,
    tpu.vector_store %arg8[%swap3A_115], %broadcast_in_dim3A_1 {strides = array<i32>} : memref<1792xf32, #tpu.memory_space<vmem>>, vector<16xf32>,
    %swap3A_117 = arith.constant 400 : index
    %swap3A_118 = tpu.vector_load %arg9[%swap3A_117] {strides = array<i32>} : memref<1792xf32, #tpu.memory_space<vmem>>, vector<16xf32>,
    tpu.vector_store %arg9[%swap3A_117], %broadcast_in_dim3A_1 {strides = array<i32>} : memref<1792xf32, #tpu.memory_space<vmem>>, vector<16xf32>,
    %swap3A_119 = arith.constant 416 : index
    %swap3A_120 = tpu.vector_load %arg8[%swap3A_119] {strides = array<i32>} : memref<1792xf32, #tpu.memory_space<vmem>>, vector<16xf32>,
    tpu.vector_store %arg8[%swap3A_119], %broadcast_in_dim3A_1 {strides = array<i32>} : memref<1792xf32, #tpu.memory_space<vmem>>, vector<16xf32>,
    %swap3A_121 = arith.constant 416 : index
    %swap3A_122 = tpu.vector_load %arg9[%swap3A_121] {strides = array<i32>} : memref<1792xf32, #tpu.memory_space<vmem>>, vector<16xf32>,
    tpu.vector_store %arg9[%swap3A_121], %broadcast_in_dim3A_1 {strides = array<i32>} : memref<1792xf32, #tpu.memory_space<vmem>>, vector<16xf32>,
    %swap3A_123 = arith.constant 432 : index
    %swap3A_124 = tpu.vector_load %arg8[%swap3A_123] {strides = array<i32>} : memref<1792xf32, #tpu.memory_space<vmem>>, vector<16xf32>,
    tpu.vector_store %arg8[%swap3A_123], %broadcast_in_dim3A_1 {strides = array<i32>} : memref<1792xf32, #tpu.memory_space<vmem>>, vector<16xf32>,
    %swap3A_125 = arith.constant 432 : index
    %swap3A_126 = tpu.vector_load %arg9[%swap3A_125] {strides = array<i32>} : memref<1792xf32, #tpu.memory_space<vmem>>, vector<16xf32>,
    tpu.vector_store %arg9[%swap3A_125], %broadcast_in_dim3A_1 {strides = array<i32>} : memref<1792xf32, #tpu.memory_space<vmem>>, vector<16xf32>,
    %swap3A_127 = arith.constant 448 : index
    %swap3A_128 = tpu.vector_load %arg8[%swap3A_127] {strides = array<i32>} : memref<1792xf32, #tpu.memory_space<vmem>>, vector<16xf32>,
    tpu.vector_store %arg8[%swap3A_127], %broadcast_in_dim3A_1 {strides = array<i32>} : memref<1792xf32, #tpu.memory_space<vmem>>, vector<16xf32>,
    %swap3A_129 = arith.constant 448 : index
    %swap3A_130 = tpu.vector_load %arg9[%swap3A_129] {strides = array<i32>} : memref<1792xf32, #tpu.memory_space<vmem>>, vector<16xf32>,
    tpu.vector_store %arg9[%swap3A_129], %broadcast_in_dim3A_1 {strides = array<i32>} : memref<1792xf32, #tpu.memory_space<vmem>>, vector<16xf32>,
    %swap3A_131 = arith.constant 464 : index
    %swap3A_132 = tpu.vector_load %arg8[%swap3A_131] {strides = array<i32>} : memref<1792xf32, #tpu.memory_space<vmem>>, vector<16xf32>,
    tpu.vector_store %arg8[%swap3A_131], %broadcast_in_dim3A_1 {strides = array<i32>} : memref<1792xf32, #tpu.memory_space<vmem>>, vector<16xf32>,
    %swap3A_133 = arith.constant 464 : index
    %swap3A_134 = tpu.vector_load %arg9[%swap3A_133] {strides = array<i32>} : memref<1792xf32, #tpu.memory_space<vmem>>, vector<16xf32>,
    tpu.vector_store %arg9[%swap3A_133], %broadcast_in_dim3A_1 {strides = array<i32>} : memref<1792xf32, #tpu.memory_space<vmem>>, vector<16xf32>,
    %swap3A_135 = arith.constant 480 : index
    %swap3A_136 = tpu.vector_load %arg8[%swap3A_135] {strides = array<i32>} : memref<1792xf32, #tpu.memory_space<vmem>>, vector<16xf32>,
    tpu.vector_store %arg8[%swap3A_135], %broadcast_in_dim3A_1 {strides = array<i32>} : memref<1792xf32, #tpu.memory_space<vmem>>, vector<16xf32>,
    %swap3A_137 = arith.constant 480 : index
    %swap3A_138 = tpu.vector_load %arg9[%swap3A_137] {strides = array<i32>} : memref<1792xf32, #tpu.memory_space<vmem>>, vector<16xf32>,
    tpu.vector_store %arg9[%swap3A_137], %broadcast_in_dim3A_1 {strides = array<i32>} : memref<1792xf32, #tpu.memory_space<vmem>>, vector<16xf32>,
    %swap3A_139 = arith.constant 496 : index
    %swap3A_140 = tpu.vector_load %arg8[%swap3A_139] {strides = array<i32>} : memref<1792xf32, #tpu.memory_space<vmem>>, vector<16xf32>,
    tpu.vector_store %arg8[%swap3A_139], %broadcast_in_dim3A_1 {strides = array<i32>} : memref<1792xf32, #tpu.memory_space<vmem>>, vector<16xf32>,
    %swap3A_141 = arith.constant 496 : index
    %swap3A_142 = tpu.vector_load %arg9[%swap3A_141] {strides = array<i32>} : memref<1792xf32, #tpu.memory_space<vmem>>, vector<16xf32>,
    tpu.vector_store %arg9[%swap3A_141], %broadcast_in_dim3A_1 {strides = array<i32>} : memref<1792xf32, #tpu.memory_space<vmem>>, vector<16xf32>,
    %swap3A_143 = arith.constant 512 : index
    %swap3A_144 = tpu.vector_load %arg8[%swap3A_143] {strides = array<i32>} : memref<1792xf32, #tpu.memory_space<vmem>>, vector<16xf32>,
    tpu.vector_store %arg8[%swap3A_143], %broadcast_in_dim3A_1 {strides = array<i32>} : memref<1792xf32, #tpu.memory_space<vmem>>, vector<16xf32>,
    %swap3A_145 = arith.constant 512 : index
    %swap3A_146 = tpu.vector_load %arg9[%swap3A_145] {strides = array<i32>} : memref<1792xf32, #tpu.memory_space<vmem>>, vector<16xf32>,
    tpu.vector_store %arg9[%swap3A_145], %broadcast_in_dim3A_1 {strides = array<i32>} : memref<1792xf32, #tpu.memory_space<vmem>>, vector<16xf32>,
    %swap3A_147 = arith.constant 528 : index
    %swap3A_148 = tpu.vector_load %arg8[%swap3A_147] {strides = array<i32>} : memref<1792xf32, #tpu.memory_space<vmem>>, vector<16xf32>,
    tpu.vector_store %arg8[%swap3A_147], %broadcast_in_dim3A_1 {strides = array<i32>} : memref<1792xf32, #tpu.memory_space<vmem>>, vector<16xf32>,
    %swap3A_149 = arith.constant 528 : index
    %swap3A_150 = tpu.vector_load %arg9[%swap3A_149] {strides = array<i32>} : memref<1792xf32, #tpu.memory_space<vmem>>, vector<16xf32>,
    tpu.vector_store %arg9[%swap3A_149], %broadcast_in_dim3A_1 {strides = array<i32>} : memref<1792xf32, #tpu.memory_space<vmem>>, vector<16xf32>,
    %swap3A_151 = arith.constant 544 : index
    %swap3A_152 = tpu.vector_load %arg8[%swap3A_151] {strides = array<i32>} : memref<1792xf32, #tpu.memory_space<vmem>>, vector<16xf32>,
    tpu.vector_store %arg8[%swap3A_151], %broadcast_in_dim3A_1 {strides = array<i32>} : memref<1792xf32, #tpu.memory_space<vmem>>, vector<16xf32>,
    %swap3A_153 = arith.constant 544 : index
    %swap3A_154 = tpu.vector_load %arg9[%swap3A_153] {strides = array<i32>} : memref<1792xf32, #tpu.memory_space<vmem>>, vector<16xf32>,
    tpu.vector_store %arg9[%swap3A_153], %broadcast_in_dim3A_1 {strides = array<i32>} : memref<1792xf32, #tpu.memory_space<vmem>>, vector<16xf32>,
    %swap3A_155 = arith.constant 560 : index
    %swap3A_156 = tpu.vector_load %arg8[%swap3A_155] {strides = array<i32>} : memref<1792xf32, #tpu.memory_space<vmem>>, vector<16xf32>,
    tpu.vector_store %arg8[%swap3A_155], %broadcast_in_dim3A_1 {strides = array<i32>} : memref<1792xf32, #tpu.memory_space<vmem>>, vector<16xf32>,
    %swap3A_157 = arith.constant 560 : index
    %swap3A_158 = tpu.vector_load %arg9[%swap3A_157] {strides = array<i32>} : memref<1792xf32, #tpu.memory_space<vmem>>, vector<16xf32>,
    tpu.vector_store %arg9[%swap3A_157], %broadcast_in_dim3A_1 {strides = array<i32>} : memref<1792xf32, #tpu.memory_space<vmem>>, vector<16xf32>,
    %swap3A_159 = arith.constant 576 : index
    %swap3A_160 = tpu.vector_load %arg8[%swap3A_159] {strides = array<i32>} : memref<1792xf32, #tpu.memory_space<vmem>>, vector<16xf32>,
    tpu.vector_store %arg8[%swap3A_159], %broadcast_in_dim3A_1 {strides = array<i32>} : memref<1792xf32, #tpu.memory_space<vmem>>, vector<16xf32>,
    %swap3A_161 = arith.constant 576 : index
    %swap3A_162 = tpu.vector_load %arg9[%swap3A_161] {strides = array<i32>} : memref<1792xf32, #tpu.memory_space<vmem>>, vector<16xf32>,
    tpu.vector_store %arg9[%swap3A_161], %broadcast_in_dim3A_1 {strides = array<i32>} : memref<1792xf32, #tpu.memory_space<vmem>>, vector<16xf32>,
    %swap3A_163 = arith.constant 592 : index
    %swap3A_164 = tpu.vector_load %arg8[%swap3A_163] {strides = array<i32>} : memref<1792xf32, #tpu.memory_space<vmem>>, vector<16xf32>,
    tpu.vector_store %arg8[%swap3A_163], %broadcast_in_dim3A_1 {strides = array<i32>} : memref<1792xf32, #tpu.memory_space<vmem>>, vector<16xf32>,
    %swap3A_165 = arith.constant 592 : index
    %swap3A_166 = tpu.vector_load %arg9[%swap3A_165] {strides = array<i32>} : memref<1792xf32, #tpu.memory_space<vmem>>, vector<16xf32>,
    tpu.vector_store %arg9[%swap3A_165], %broadcast_in_dim3A_1 {strides = array<i32>} : memref<1792xf32, #tpu.memory_space<vmem>>, vector<16xf32>,
    %swap3A_167 = arith.constant 608 : index
    %swap3A_168 = tpu.vector_load %arg8[%swap3A_167] {strides = array<i32>} : memref<1792xf32, #tpu.memory_space<vmem>>, vector<16xf32>,
    tpu.vector_store %arg8[%swap3A_167], %broadcast_in_dim3A_1 {strides = array<i32>} : memref<1792xf32, #tpu.memory_space<vmem>>, vector<16xf32>,
    %swap3A_169 = arith.constant 608 : index
    %swap3A_170 = tpu.vector_load %arg9[%swap3A_169] {strides = array<i32>} : memref<1792xf32, #tpu.memory_space<vmem>>, vector<16xf32>,
    tpu.vector_store %arg9[%swap3A_169], %broadcast_in_dim3A_1 {strides = array<i32>} : memref<1792xf32, #tpu.memory_space<vmem>>, vector<16xf32>,
    %swap3A_171 = arith.constant 624 : index
    %swap3A_172 = tpu.vector_load %arg8[%swap3A_171] {strides = array<i32>} : memref<1792xf32, #tpu.memory_space<vmem>>, vector<16xf32>,
    tpu.vector_store %arg8[%swap3A_171], %broadcast_in_dim3A_1 {strides = array<i32>} : memref<1792xf32, #tpu.memory_space<vmem>>, vector<16xf32>,
    %swap3A_173 = arith.constant 624 : index
    %swap3A_174 = tpu.vector_load %arg9[%swap3A_173] {strides = array<i32>} : memref<1792xf32, #tpu.memory_space<vmem>>, vector<16xf32>,
    tpu.vector_store %arg9[%swap3A_173], %broadcast_in_dim3A_1 {strides = array<i32>} : memref<1792xf32, #tpu.memory_space<vmem>>, vector<16xf32>,
    %swap3A_175 = arith.constant 640 : index
    %swap3A_176 = tpu.vector_load %arg8[%swap3A_175] {strides = array<i32>} : memref<1792xf32, #tpu.memory_space<vmem>>, vector<16xf32>,
    tpu.vector_store %arg8[%swap3A_175], %broadcast_in_dim3A_1 {strides = array<i32>} : memref<1792xf32, #tpu.memory_space<vmem>>, vector<16xf32>,
    %swap3A_177 = arith.constant 640 : index
    %swap3A_178 = tpu.vector_load %arg9[%swap3A_177] {strides = array<i32>} : memref<1792xf32, #tpu.memory_space<vmem>>, vector<16xf32>,
    tpu.vector_store %arg9[%swap3A_177], %broadcast_in_dim3A_1 {strides = array<i32>} : memref<1792xf32, #tpu.memory_space<vmem>>, vector<16xf32>,
    %swap3A_179 = arith.constant 656 : index
    %swap3A_180 = tpu.vector_load %arg8[%swap3A_179] {strides = array<i32>} : memref<1792xf32, #tpu.memory_space<vmem>>, vector<16xf32>,
    tpu.vector_store %arg8[%swap3A_179], %broadcast_in_dim3A_1 {strides = array<i32>} : memref<1792xf32, #tpu.memory_space<vmem>>, vector<16xf32>,
    %swap3A_181 = arith.constant 656 : index
    %swap3A_182 = tpu.vector_load %arg9[%swap3A_181] {strides = array<i32>} : memref<1792xf32, #tpu.memory_space<vmem>>, vector<16xf32>,
    tpu.vector_store %arg9[%swap3A_181], %broadcast_in_dim3A_1 {strides = array<i32>} : memref<1792xf32, #tpu.memory_space<vmem>>, vector<16xf32>,
    %swap3A_183 = arith.constant 672 : index
    %swap3A_184 = tpu.vector_load %arg8[%swap3A_183] {strides = array<i32>} : memref<1792xf32, #tpu.memory_space<vmem>>, vector<16xf32>,
    tpu.vector_store %arg8[%swap3A_183], %broadcast_in_dim3A_1 {strides = array<i32>} : memref<1792xf32, #tpu.memory_space<vmem>>, vector<16xf32>,
    %swap3A_185 = arith.constant 672 : index
    %swap3A_186 = tpu.vector_load %arg9[%swap3A_185] {strides = array<i32>} : memref<1792xf32, #tpu.memory_space<vmem>>, vector<16xf32>,
    tpu.vector_store %arg9[%swap3A_185], %broadcast_in_dim3A_1 {strides = array<i32>} : memref<1792xf32, #tpu.memory_space<vmem>>, vector<16xf32>,
    %swap3A_187 = arith.constant 688 : index
    %swap3A_188 = tpu.vector_load %arg8[%swap3A_187] {strides = array<i32>} : memref<1792xf32, #tpu.memory_space<vmem>>, vector<16xf32>,
    tpu.vector_store %arg8[%swap3A_187], %broadcast_in_dim3A_1 {strides = array<i32>} : memref<1792xf32, #tpu.memory_space<vmem>>, vector<16xf32>,
    %swap3A_189 = arith.constant 688 : index
    %swap3A_190 = tpu.vector_load %arg9[%swap3A_189] {strides = array<i32>} : memref<1792xf32, #tpu.memory_space<vmem>>, vector<16xf32>,
    tpu.vector_store %arg9[%swap3A_189], %broadcast_in_dim3A_1 {strides = array<i32>} : memref<1792xf32, #tpu.memory_space<vmem>>, vector<16xf32>,
    %swap3A_191 = arith.constant 704 : index
    %swap3A_192 = tpu.vector_load %arg8[%swap3A_191] {strides = array<i32>} : memref<1792xf32, #tpu.memory_space<vmem>>, vector<16xf32>,
    tpu.vector_store %arg8[%swap3A_191], %broadcast_in_dim3A_1 {strides = array<i32>} : memref<1792xf32, #tpu.memory_space<vmem>>, vector<16xf32>,
    %swap3A_193 = arith.constant 704 : index
    %swap3A_194 = tpu.vector_load %arg9[%swap3A_193] {strides = array<i32>} : memref<1792xf32, #tpu.memory_space<vmem>>, vector<16xf32>,
    tpu.vector_store %arg9[%swap3A_193], %broadcast_in_dim3A_1 {strides = array<i32>} : memref<1792xf32, #tpu.memory_space<vmem>>, vector<16xf32>,
    %swap3A_195 = arith.constant 720 : index
    %swap3A_196 = tpu.vector_load %arg8[%swap3A_195] {strides = array<i32>} : memref<1792xf32, #tpu.memory_space<vmem>>, vector<16xf32>,
    tpu.vector_store %arg8[%swap3A_195], %broadcast_in_dim3A_1 {strides = array<i32>} : memref<1792xf32, #tpu.memory_space<vmem>>, vector<16xf32>,
    %swap3A_197 = arith.constant 720 : index
    %swap3A_198 = tpu.vector_load %arg9[%swap3A_197] {strides = array<i32>} : memref<1792xf32, #tpu.memory_space<vmem>>, vector<16xf32>,
    tpu.vector_store %arg9[%swap3A_197], %broadcast_in_dim3A_1 {strides = array<i32>} : memref<1792xf32, #tpu.memory_space<vmem>>, vector<16xf32>,
    %swap3A_199 = arith.constant 736 : index
    %swap3A_200 = tpu.vector_load %arg8[%swap3A_199] {strides = array<i32>} : memref<1792xf32, #tpu.memory_space<vmem>>, vector<16xf32>,
    tpu.vector_store %arg8[%swap3A_199], %broadcast_in_dim3A_1 {strides = array<i32>} : memref<1792xf32, #tpu.memory_space<vmem>>, vector<16xf32>,
    %swap3A_201 = arith.constant 736 : index
    %swap3A_202 = tpu.vector_load %arg9[%swap3A_201] {strides = array<i32>} : memref<1792xf32, #tpu.memory_space<vmem>>, vector<16xf32>,
    tpu.vector_store %arg9[%swap3A_201], %broadcast_in_dim3A_1 {strides = array<i32>} : memref<1792xf32, #tpu.memory_space<vmem>>, vector<16xf32>,
    %swap3A_203 = arith.constant 752 : index
    %swap3A_204 = tpu.vector_load %arg8[%swap3A_203] {strides = array<i32>} : memref<1792xf32, #tpu.memory_space<vmem>>, vector<16xf32>,
    tpu.vector_store %arg8[%swap3A_203], %broadcast_in_dim3A_1 {strides = array<i32>} : memref<1792xf32, #tpu.memory_space<vmem>>, vector<16xf32>,
    %swap3A_205 = arith.constant 752 : index
    %swap3A_206 = tpu.vector_load %arg9[%swap3A_205] {strides = array<i32>} : memref<1792xf32, #tpu.memory_space<vmem>>, vector<16xf32>,
    tpu.vector_store %arg9[%swap3A_205], %broadcast_in_dim3A_1 {strides = array<i32>} : memref<1792xf32, #tpu.memory_space<vmem>>, vector<16xf32>,
    %swap3A_207 = arith.constant 768 : index
    %swap3A_208 = tpu.vector_load %arg8[%swap3A_207] {strides = array<i32>} : memref<1792xf32, #tpu.memory_space<vmem>>, vector<16xf32>,
    tpu.vector_store %arg8[%swap3A_207], %broadcast_in_dim3A_1 {strides = array<i32>} : memref<1792xf32, #tpu.memory_space<vmem>>, vector<16xf32>,
    %swap3A_209 = arith.constant 768 : index
    %swap3A_210 = tpu.vector_load %arg9[%swap3A_209] {strides = array<i32>} : memref<1792xf32, #tpu.memory_space<vmem>>, vector<16xf32>,
    tpu.vector_store %arg9[%swap3A_209], %broadcast_in_dim3A_1 {strides = array<i32>} : memref<1792xf32, #tpu.memory_space<vmem>>, vector<16xf32>,
    %swap3A_211 = arith.constant 784 : index
    %swap3A_212 = tpu.vector_load %arg8[%swap3A_211] {strides = array<i32>} : memref<1792xf32, #tpu.memory_space<vmem>>, vector<16xf32>,
    tpu.vector_store %arg8[%swap3A_211], %broadcast_in_dim3A_1 {strides = array<i32>} : memref<1792xf32, #tpu.memory_space<vmem>>, vector<16xf32>,
    %swap3A_213 = arith.constant 784 : index
    %swap3A_214 = tpu.vector_load %arg9[%swap3A_213] {strides = array<i32>} : memref<1792xf32, #tpu.memory_space<vmem>>, vector<16xf32>,
    tpu.vector_store %arg9[%swap3A_213], %broadcast_in_dim3A_1 {strides = array<i32>} : memref<1792xf32, #tpu.memory_space<vmem>>, vector<16xf32>,
    %swap3A_215 = arith.constant 800 : index
    %swap3A_216 = tpu.vector_load %arg8[%swap3A_215] {strides = array<i32>} : memref<1792xf32, #tpu.memory_space<vmem>>, vector<16xf32>,
    tpu.vector_store %arg8[%swap3A_215], %broadcast_in_dim3A_1 {strides = array<i32>} : memref<1792xf32, #tpu.memory_space<vmem>>, vector<16xf32>,
    %swap3A_217 = arith.constant 800 : index
    %swap3A_218 = tpu.vector_load %arg9[%swap3A_217] {strides = array<i32>} : memref<1792xf32, #tpu.memory_space<vmem>>, vector<16xf32>,
    tpu.vector_store %arg9[%swap3A_217], %broadcast_in_dim3A_1 {strides = array<i32>} : memref<1792xf32, #tpu.memory_space<vmem>>, vector<16xf32>,
    %swap3A_219 = arith.constant 816 : index
    %swap3A_220 = tpu.vector_load %arg8[%swap3A_219] {strides = array<i32>} : memref<1792xf32, #tpu.memory_space<vmem>>, vector<16xf32>,
    tpu.vector_store %arg8[%swap3A_219], %broadcast_in_dim3A_1 {strides = array<i32>} : memref<1792xf32, #tpu.memory_space<vmem>>, vector<16xf32>,
    %swap3A_221 = arith.constant 816 : index
    %swap3A_222 = tpu.vector_load %arg9[%swap3A_221] {strides = array<i32>} : memref<1792xf32, #tpu.memory_space<vmem>>, vector<16xf32>,
    tpu.vector_store %arg9[%swap3A_221], %broadcast_in_dim3A_1 {strides = array<i32>} : memref<1792xf32, #tpu.memory_space<vmem>>, vector<16xf32>,
    %swap3A_223 = arith.constant 832 : index
    %swap3A_224 = tpu.vector_load %arg8[%swap3A_223] {strides = array<i32>} : memref<1792xf32, #tpu.memory_space<vmem>>, vector<16xf32>,
    tpu.vector_store %arg8[%swap3A_223], %broadcast_in_dim3A_1 {strides = array<i32>} : memref<1792xf32, #tpu.memory_space<vmem>>, vector<16xf32>,
    %swap3A_225 = arith.constant 832 : index
    %swap3A_226 = tpu.vector_load %arg9[%swap3A_225] {strides = array<i32>} : memref<1792xf32, #tpu.memory_space<vmem>>, vector<16xf32>,
    tpu.vector_store %arg9[%swap3A_225], %broadcast_in_dim3A_1 {strides = array<i32>} : memref<1792xf32, #tpu.memory_space<vmem>>, vector<16xf32>,
    %swap3A_227 = arith.constant 848 : index
    %swap3A_228 = tpu.vector_load %arg8[%swap3A_227] {strides = array<i32>} : memref<1792xf32, #tpu.memory_space<vmem>>, vector<16xf32>,
    tpu.vector_store %arg8[%swap3A_227], %broadcast_in_dim3A_1 {strides = array<i32>} : memref<1792xf32, #tpu.memory_space<vmem>>, vector<16xf32>,
    %swap3A_229 = arith.constant 848 : index
    %swap3A_230 = tpu.vector_load %arg9[%swap3A_229] {strides = array<i32>} : memref<1792xf32, #tpu.memory_space<vmem>>, vector<16xf32>,
    tpu.vector_store %arg9[%swap3A_229], %broadcast_in_dim3A_1 {strides = array<i32>} : memref<1792xf32, #tpu.memory_space<vmem>>, vector<16xf32>,
    %swap3A_231 = arith.constant 864 : index
    %swap3A_232 = tpu.vector_load %arg8[%swap3A_231] {strides = array<i32>} : memref<1792xf32, #tpu.memory_space<vmem>>, vector<16xf32>,
    tpu.vector_store %arg8[%swap3A_231], %broadcast_in_dim3A_1 {strides = array<i32>} : memref<1792xf32, #tpu.memory_space<vmem>>, vector<16xf32>,
    %swap3A_233 = arith.constant 864 : index
    %swap3A_234 = tpu.vector_load %arg9[%swap3A_233] {strides = array<i32>} : memref<1792xf32, #tpu.memory_space<vmem>>, vector<16xf32>,
    tpu.vector_store %arg9[%swap3A_233], %broadcast_in_dim3A_1 {strides = array<i32>} : memref<1792xf32, #tpu.memory_space<vmem>>, vector<16xf32>,
    %swap3A_235 = arith.constant 880 : index
    %swap3A_236 = tpu.vector_load %arg8[%swap3A_235] {strides = array<i32>} : memref<1792xf32, #tpu.memory_space<vmem>>, vector<16xf32>,
    tpu.vector_store %arg8[%swap3A_235], %broadcast_in_dim3A_1 {strides = array<i32>} : memref<1792xf32, #tpu.memory_space<vmem>>, vector<16xf32>,
    %swap3A_237 = arith.constant 880 : index
    %swap3A_238 = tpu.vector_load %arg9[%swap3A_237] {strides = array<i32>} : memref<1792xf32, #tpu.memory_space<vmem>>, vector<16xf32>,
    tpu.vector_store %arg9[%swap3A_237], %broadcast_in_dim3A_1 {strides = array<i32>} : memref<1792xf32, #tpu.memory_space<vmem>>, vector<16xf32>,
    %swap3A_239 = arith.constant 896 : index
    %swap3A_240 = tpu.vector_load %arg8[%swap3A_239] {strides = array<i32>} : memref<1792xf32, #tpu.memory_space<vmem>>, vector<16xf32>,
    tpu.vector_store %arg8[%swap3A_239], %broadcast_in_dim3A_1 {strides = array<i32>} : memref<1792xf32, #tpu.memory_space<vmem>>, vector<16xf32>,
    %swap3A_241 = arith.constant 896 : index
    %swap3A_242 = tpu.vector_load %arg9[%swap3A_241] {strides = array<i32>} : memref<1792xf32, #tpu.memory_space<vmem>>, vector<16xf32>,
    tpu.vector_store %arg9[%swap3A_241], %broadcast_in_dim3A_1 {strides = array<i32>} : memref<1792xf32, #tpu.memory_space<vmem>>, vector<16xf32>,
    %swap3A_243 = arith.constant 912 : index
    %swap3A_244 = tpu.vector_load %arg8[%swap3A_243] {strides = array<i32>} : memref<1792xf32, #tpu.memory_space<vmem>>, vector<16xf32>,
    tpu.vector_store %arg8[%swap3A_243], %broadcast_in_dim3A_1 {strides = array<i32>} : memref<1792xf32, #tpu.memory_space<vmem>>, vector<16xf32>,
    %swap3A_245 = arith.constant 912 : index
    %swap3A_246 = tpu.vector_load %arg9[%swap3A_245] {strides = array<i32>} : memref<1792xf32, #tpu.memory_space<vmem>>, vector<16xf32>,
    tpu.vector_store %arg9[%swap3A_245], %broadcast_in_dim3A_1 {strides = array<i32>} : memref<1792xf32, #tpu.memory_space<vmem>>, vector<16xf32>,
    %swap3A_247 = arith.constant 928 : index
    %swap3A_248 = tpu.vector_load %arg8[%swap3A_247] {strides = array<i32>} : memref<1792xf32, #tpu.memory_space<vmem>>, vector<16xf32>,
    tpu.vector_store %arg8[%swap3A_247], %broadcast_in_dim3A_1 {strides = array<i32>} : memref<1792xf32, #tpu.memory_space<vmem>>, vector<16xf32>,
    %swap3A_249 = arith.constant 928 : index
    %swap3A_250 = tpu.vector_load %arg9[%swap3A_249] {strides = array<i32>} : memref<1792xf32, #tpu.memory_space<vmem>>, vector<16xf32>,
    tpu.vector_store %arg9[%swap3A_249], %broadcast_in_dim3A_1 {strides = array<i32>} : memref<1792xf32, #tpu.memory_space<vmem>>, vector<16xf32>,
    %swap3A_251 = arith.constant 944 : index
    %swap3A_252 = tpu.vector_load %arg8[%swap3A_251] {strides = array<i32>} : memref<1792xf32, #tpu.memory_space<vmem>>, vector<16xf32>,
    tpu.vector_store %arg8[%swap3A_251], %broadcast_in_dim3A_1 {strides = array<i32>} : memref<1792xf32, #tpu.memory_space<vmem>>, vector<16xf32>,
    %swap3A_253 = arith.constant 944 : index
    %swap3A_254 = tpu.vector_load %arg9[%swap3A_253] {strides = array<i32>} : memref<1792xf32, #tpu.memory_space<vmem>>, vector<16xf32>,
    tpu.vector_store %arg9[%swap3A_253], %broadcast_in_dim3A_1 {strides = array<i32>} : memref<1792xf32, #tpu.memory_space<vmem>>, vector<16xf32>,
    %swap3A_255 = arith.constant 960 : index
    %swap3A_256 = tpu.vector_load %arg8[%swap3A_255] {strides = array<i32>} : memref<1792xf32, #tpu.memory_space<vmem>>, vector<16xf32>,
    tpu.vector_store %arg8[%swap3A_255], %broadcast_in_dim3A_1 {strides = array<i32>} : memref<1792xf32, #tpu.memory_space<vmem>>, vector<16xf32>,
    %swap3A_257 = arith.constant 960 : index
    %swap3A_258 = tpu.vector_load %arg9[%swap3A_257] {strides = array<i32>} : memref<1792xf32, #tpu.memory_space<vmem>>, vector<16xf32>,
    tpu.vector_store %arg9[%swap3A_257], %broadcast_in_dim3A_1 {strides = array<i32>} : memref<1792xf32, #tpu.memory_space<vmem>>, vector<16xf32>,
    %swap3A_259 = arith.constant 976 : index
    %swap3A_260 = tpu.vector_load %arg8[%swap3A_259] {strides = array<i32>} : memref<1792xf32, #tpu.memory_space<vmem>>, vector<16xf32>,
    tpu.vector_store %arg8[%swap3A_259], %broadcast_in_dim3A_1 {strides = array<i32>} : memref<1792xf32, #tpu.memory_space<vmem>>, vector<16xf32>,
    %swap3A_261 = arith.constant 976 : index
    %swap3A_262 = tpu.vector_load %arg9[%swap3A_261] {strides = array<i32>} : memref<1792xf32, #tpu.memory_space<vmem>>, vector<16xf32>,
    tpu.vector_store %arg9[%swap3A_261], %broadcast_in_dim3A_1 {strides = array<i32>} : memref<1792xf32, #tpu.memory_space<vmem>>, vector<16xf32>,
    %swap3A_263 = arith.constant 992 : index
    %swap3A_264 = tpu.vector_load %arg8[%swap3A_263] {strides = array<i32>} : memref<1792xf32, #tpu.memory_space<vmem>>, vector<16xf32>,
    tpu.vector_store %arg8[%swap3A_263], %broadcast_in_dim3A_1 {strides = array<i32>} : memref<1792xf32, #tpu.memory_space<vmem>>, vector<16xf32>,
    %swap3A_265 = arith.constant 992 : index
    %swap3A_266 = tpu.vector_load %arg9[%swap3A_265] {strides = array<i32>} : memref<1792xf32, #tpu.memory_space<vmem>>, vector<16xf32>,
    tpu.vector_store %arg9[%swap3A_265], %broadcast_in_dim3A_1 {strides = array<i32>} : memref<1792xf32, #tpu.memory_space<vmem>>, vector<16xf32>,
    %swap3A_267 = arith.constant 1008 : index
    %swap3A_268 = tpu.vector_load %arg8[%swap3A_267] {strides = array<i32>} : memref<1792xf32, #tpu.memory_space<vmem>>, vector<16xf32>,
    tpu.vector_store %arg8[%swap3A_267], %broadcast_in_dim3A_1 {strides = array<i32>} : memref<1792xf32, #tpu.memory_space<vmem>>, vector<16xf32>,
    %swap3A_269 = arith.constant 1008 : index
    %swap3A_270 = tpu.vector_load %arg9[%swap3A_269] {strides = array<i32>} : memref<1792xf32, #tpu.memory_space<vmem>>, vector<16xf32>,
    tpu.vector_store %arg9[%swap3A_269], %broadcast_in_dim3A_1 {strides = array<i32>} : memref<1792xf32, #tpu.memory_space<vmem>>, vector<16xf32>,
    %swap3A_271 = arith.constant 1024 : index
    %swap3A_272 = tpu.vector_load %arg8[%swap3A_271] {strides = array<i32>} : memref<1792xf32, #tpu.memory_space<vmem>>, vector<16xf32>,
    tpu.vector_store %arg8[%swap3A_271], %broadcast_in_dim3A_1 {strides = array<i32>} : memref<1792xf32, #tpu.memory_space<vmem>>, vector<16xf32>,
    %swap3A_273 = arith.constant 1024 : index
    %swap3A_274 = tpu.vector_load %arg9[%swap3A_273] {strides = array<i32>} : memref<1792xf32, #tpu.memory_space<vmem>>, vector<16xf32>,
    tpu.vector_store %arg9[%swap3A_273], %broadcast_in_dim3A_1 {strides = array<i32>} : memref<1792xf32, #tpu.memory_space<vmem>>, vector<16xf32>,
    %swap3A_275 = arith.constant 1040 : index
    %swap3A_276 = tpu.vector_load %arg8[%swap3A_275] {strides = array<i32>} : memref<1792xf32, #tpu.memory_space<vmem>>, vector<16xf32>,
    tpu.vector_store %arg8[%swap3A_275], %broadcast_in_dim3A_1 {strides = array<i32>} : memref<1792xf32, #tpu.memory_space<vmem>>, vector<16xf32>,
    %swap3A_277 = arith.constant 1040 : index
    %swap3A_278 = tpu.vector_load %arg9[%swap3A_277] {strides = array<i32>} : memref<1792xf32, #tpu.memory_space<vmem>>, vector<16xf32>,
    tpu.vector_store %arg9[%swap3A_277], %broadcast_in_dim3A_1 {strides = array<i32>} : memref<1792xf32, #tpu.memory_space<vmem>>, vector<16xf32>,
    %swap3A_279 = arith.constant 1056 : index
    %swap3A_280 = tpu.vector_load %arg8[%swap3A_279] {strides = array<i32>} : memref<1792xf32, #tpu.memory_space<vmem>>, vector<16xf32>,
    tpu.vector_store %arg8[%swap3A_279], %broadcast_in_dim3A_1 {strides = array<i32>} : memref<1792xf32, #tpu.memory_space<vmem>>, vector<16xf32>,
    %swap3A_281 = arith.constant 1056 : index
    %swap3A_282 = tpu.vector_load %arg9[%swap3A_281] {strides = array<i32>} : memref<1792xf32, #tpu.memory_space<vmem>>, vector<16xf32>,
    tpu.vector_store %arg9[%swap3A_281], %broadcast_in_dim3A_1 {strides = array<i32>} : memref<1792xf32, #tpu.memory_space<vmem>>, vector<16xf32>,
    %swap3A_283 = arith.constant 1072 : index
    %swap3A_284 = tpu.vector_load %arg8[%swap3A_283] {strides = array<i32>} : memref<1792xf32, #tpu.memory_space<vmem>>, vector<16xf32>,
    tpu.vector_store %arg8[%swap3A_283], %broadcast_in_dim3A_1 {strides = array<i32>} : memref<1792xf32, #tpu.memory_space<vmem>>, vector<16xf32>,
    %swap3A_285 = arith.constant 1072 : index
    %swap3A_286 = tpu.vector_load %arg9[%swap3A_285] {strides = array<i32>} : memref<1792xf32, #tpu.memory_space<vmem>>, vector<16xf32>,
    tpu.vector_store %arg9[%swap3A_285], %broadcast_in_dim3A_1 {strides = array<i32>} : memref<1792xf32, #tpu.memory_space<vmem>>, vector<16xf32>,
    %swap3A_287 = arith.constant 1088 : index
    %swap3A_288 = tpu.vector_load %arg8[%swap3A_287] {strides = array<i32>} : memref<1792xf32, #tpu.memory_space<vmem>>, vector<16xf32>,
    tpu.vector_store %arg8[%swap3A_287], %broadcast_in_dim3A_1 {strides = array<i32>} : memref<1792xf32, #tpu.memory_space<vmem>>, vector<16xf32>,
    %swap3A_289 = arith.constant 1088 : index
    %swap3A_290 = tpu.vector_load %arg9[%swap3A_289] {strides = array<i32>} : memref<1792xf32, #tpu.memory_space<vmem>>, vector<16xf32>,
    tpu.vector_store %arg9[%swap3A_289], %broadcast_in_dim3A_1 {strides = array<i32>} : memref<1792xf32, #tpu.memory_space<vmem>>, vector<16xf32>,
    %swap3A_291 = arith.constant 1104 : index
    %swap3A_292 = tpu.vector_load %arg8[%swap3A_291] {strides = array<i32>} : memref<1792xf32, #tpu.memory_space<vmem>>, vector<16xf32>,
    tpu.vector_store %arg8[%swap3A_291], %broadcast_in_dim3A_1 {strides = array<i32>} : memref<1792xf32, #tpu.memory_space<vmem>>, vector<16xf32>,
    %swap3A_293 = arith.constant 1104 : index
    %swap3A_294 = tpu.vector_load %arg9[%swap3A_293] {strides = array<i32>} : memref<1792xf32, #tpu.memory_space<vmem>>, vector<16xf32>,
    tpu.vector_store %arg9[%swap3A_293], %broadcast_in_dim3A_1 {strides = array<i32>} : memref<1792xf32, #tpu.memory_space<vmem>>, vector<16xf32>,
    %swap3A_295 = arith.constant 1120 : index
    %swap3A_296 = tpu.vector_load %arg8[%swap3A_295] {strides = array<i32>} : memref<1792xf32, #tpu.memory_space<vmem>>, vector<16xf32>,
    tpu.vector_store %arg8[%swap3A_295], %broadcast_in_dim3A_1 {strides = array<i32>} : memref<1792xf32, #tpu.memory_space<vmem>>, vector<16xf32>,
    %swap3A_297 = arith.constant 1120 : index
    %swap3A_298 = tpu.vector_load %arg9[%swap3A_297] {strides = array<i32>} : memref<1792xf32, #tpu.memory_space<vmem>>, vector<16xf32>,
    tpu.vector_store %arg9[%swap3A_297], %broadcast_in_dim3A_1 {strides = array<i32>} : memref<1792xf32, #tpu.memory_space<vmem>>, vector<16xf32>,
    %swap3A_299 = arith.constant 1136 : index
    %swap3A_300 = tpu.vector_load %arg8[%swap3A_299] {strides = array<i32>} : memref<1792xf32, #tpu.memory_space<vmem>>, vector<16xf32>,
    tpu.vector_store %arg8[%swap3A_299], %broadcast_in_dim3A_1 {strides = array<i32>} : memref<1792xf32, #tpu.memory_space<vmem>>, vector<16xf32>,
    %swap3A_301 = arith.constant 1136 : index
    %swap3A_302 = tpu.vector_load %arg9[%swap3A_301] {strides = array<i32>} : memref<1792xf32, #tpu.memory_space<vmem>>, vector<16xf32>,
    tpu.vector_store %arg9[%swap3A_301], %broadcast_in_dim3A_1 {strides = array<i32>} : memref<1792xf32, #tpu.memory_space<vmem>>, vector<16xf32>,
    %swap3A_303 = arith.constant 1152 : index
    %swap3A_304 = tpu.vector_load %arg8[%swap3A_303] {strides = array<i32>} : memref<1792xf32, #tpu.memory_space<vmem>>, vector<16xf32>,
    tpu.vector_store %arg8[%swap3A_303], %broadcast_in_dim3A_1 {strides = array<i32>} : memref<1792xf32, #tpu.memory_space<vmem>>, vector<16xf32>,
    %swap3A_305 = arith.constant 1152 : index
    %swap3A_306 = tpu.vector_load %arg9[%swap3A_305] {strides = array<i32>} : memref<1792xf32, #tpu.memory_space<vmem>>, vector<16xf32>,
    tpu.vector_store %arg9[%swap3A_305], %broadcast_in_dim3A_1 {strides = array<i32>} : memref<1792xf32, #tpu.memory_space<vmem>>, vector<16xf32>,
    %swap3A_307 = arith.constant 1168 : index
    %swap3A_308 = tpu.vector_load %arg8[%swap3A_307] {strides = array<i32>} : memref<1792xf32, #tpu.memory_space<vmem>>, vector<16xf32>,
    tpu.vector_store %arg8[%swap3A_307], %broadcast_in_dim3A_1 {strides = array<i32>} : memref<1792xf32, #tpu.memory_space<vmem>>, vector<16xf32>,
    %swap3A_309 = arith.constant 1168 : index
    %swap3A_310 = tpu.vector_load %arg9[%swap3A_309] {strides = array<i32>} : memref<1792xf32, #tpu.memory_space<vmem>>, vector<16xf32>,
    tpu.vector_store %arg9[%swap3A_309], %broadcast_in_dim3A_1 {strides = array<i32>} : memref<1792xf32, #tpu.memory_space<vmem>>, vector<16xf32>,
    %swap3A_311 = arith.constant 1184 : index
    %swap3A_312 = tpu.vector_load %arg8[%swap3A_311] {strides = array<i32>} : memref<1792xf32, #tpu.memory_space<vmem>>, vector<16xf32>,
    tpu.vector_store %arg8[%swap3A_311], %broadcast_in_dim3A_1 {strides = array<i32>} : memref<1792xf32, #tpu.memory_space<vmem>>, vector<16xf32>,
    %swap3A_313 = arith.constant 1184 : index
    %swap3A_314 = tpu.vector_load %arg9[%swap3A_313] {strides = array<i32>} : memref<1792xf32, #tpu.memory_space<vmem>>, vector<16xf32>,
    tpu.vector_store %arg9[%swap3A_313], %broadcast_in_dim3A_1 {strides = array<i32>} : memref<1792xf32, #tpu.memory_space<vmem>>, vector<16xf32>,
    %swap3A_315 = arith.constant 1200 : index
    %swap3A_316 = tpu.vector_load %arg8[%swap3A_315] {strides = array<i32>} : memref<1792xf32, #tpu.memory_space<vmem>>, vector<16xf32>,
    tpu.vector_store %arg8[%swap3A_315], %broadcast_in_dim3A_1 {strides = array<i32>} : memref<1792xf32, #tpu.memory_space<vmem>>, vector<16xf32>,
    %swap3A_317 = arith.constant 1200 : index
    %swap3A_318 = tpu.vector_load %arg9[%swap3A_317] {strides = array<i32>} : memref<1792xf32, #tpu.memory_space<vmem>>, vector<16xf32>,
    tpu.vector_store %arg9[%swap3A_317], %broadcast_in_dim3A_1 {strides = array<i32>} : memref<1792xf32, #tpu.memory_space<vmem>>, vector<16xf32>,
    %swap3A_319 = arith.constant 1216 : index
    %swap3A_320 = tpu.vector_load %arg8[%swap3A_319] {strides = array<i32>} : memref<1792xf32, #tpu.memory_space<vmem>>, vector<16xf32>,
    tpu.vector_store %arg8[%swap3A_319], %broadcast_in_dim3A_1 {strides = array<i32>} : memref<1792xf32, #tpu.memory_space<vmem>>, vector<16xf32>,
    %swap3A_321 = arith.constant 1216 : index
    %swap3A_322 = tpu.vector_load %arg9[%swap3A_321] {strides = array<i32>} : memref<1792xf32, #tpu.memory_space<vmem>>, vector<16xf32>,
    tpu.vector_store %arg9[%swap3A_321], %broadcast_in_dim3A_1 {strides = array<i32>} : memref<1792xf32, #tpu.memory_space<vmem>>, vector<16xf32>,
    %swap3A_323 = arith.constant 1232 : index
    %swap3A_324 = tpu.vector_load %arg8[%swap3A_323] {strides = array<i32>} : memref<1792xf32, #tpu.memory_space<vmem>>, vector<16xf32>,
    tpu.vector_store %arg8[%swap3A_323], %broadcast_in_dim3A_1 {strides = array<i32>} : memref<1792xf32, #tpu.memory_space<vmem>>, vector<16xf32>,
    %swap3A_325 = arith.constant 1232 : index
    %swap3A_326 = tpu.vector_load %arg9[%swap3A_325] {strides = array<i32>} : memref<1792xf32, #tpu.memory_space<vmem>>, vector<16xf32>,
    tpu.vector_store %arg9[%swap3A_325], %broadcast_in_dim3A_1 {strides = array<i32>} : memref<1792xf32, #tpu.memory_space<vmem>>, vector<16xf32>,
    %swap3A_327 = arith.constant 1248 : index
    %swap3A_328 = tpu.vector_load %arg8[%swap3A_327] {strides = array<i32>} : memref<1792xf32, #tpu.memory_space<vmem>>, vector<16xf32>,
    tpu.vector_store %arg8[%swap3A_327], %broadcast_in_dim3A_1 {strides = array<i32>} : memref<1792xf32, #tpu.memory_space<vmem>>, vector<16xf32>,
    %swap3A_329 = arith.constant 1248 : index
    %swap3A_330 = tpu.vector_load %arg9[%swap3A_329] {strides = array<i32>} : memref<1792xf32, #tpu.memory_space<vmem>>, vector<16xf32>,
    tpu.vector_store %arg9[%swap3A_329], %broadcast_in_dim3A_1 {strides = array<i32>} : memref<1792xf32, #tpu.memory_space<vmem>>, vector<16xf32>,
    %swap3A_331 = arith.constant 1264 : index
    %swap3A_332 = tpu.vector_load %arg8[%swap3A_331] {strides = array<i32>} : memref<1792xf32, #tpu.memory_space<vmem>>, vector<16xf32>,
    tpu.vector_store %arg8[%swap3A_331], %broadcast_in_dim3A_1 {strides = array<i32>} : memref<1792xf32, #tpu.memory_space<vmem>>, vector<16xf32>,
    %swap3A_333 = arith.constant 1264 : index
    %swap3A_334 = tpu.vector_load %arg9[%swap3A_333] {strides = array<i32>} : memref<1792xf32, #tpu.memory_space<vmem>>, vector<16xf32>,
    tpu.vector_store %arg9[%swap3A_333], %broadcast_in_dim3A_1 {strides = array<i32>} : memref<1792xf32, #tpu.memory_space<vmem>>, vector<16xf32>,
    %swap3A_335 = arith.constant 1280 : index
    %swap3A_336 = tpu.vector_load %arg8[%swap3A_335] {strides = array<i32>} : memref<1792xf32, #tpu.memory_space<vmem>>, vector<16xf32>,
    tpu.vector_store %arg8[%swap3A_335], %broadcast_in_dim3A_1 {strides = array<i32>} : memref<1792xf32, #tpu.memory_space<vmem>>, vector<16xf32>,
    %swap3A_337 = arith.constant 1280 : index
    %swap3A_338 = tpu.vector_load %arg9[%swap3A_337] {strides = array<i32>} : memref<1792xf32, #tpu.memory_space<vmem>>, vector<16xf32>,
    tpu.vector_store %arg9[%swap3A_337], %broadcast_in_dim3A_1 {strides = array<i32>} : memref<1792xf32, #tpu.memory_space<vmem>>, vector<16xf32>,
    %swap3A_339 = arith.constant 1296 : index
    %swap3A_340 = tpu.vector_load %arg8[%swap3A_339] {strides = array<i32>} : memref<1792xf32, #tpu.memory_space<vmem>>, vector<16xf32>,
    tpu.vector_store %arg8[%swap3A_339], %broadcast_in_dim3A_1 {strides = array<i32>} : memref<1792xf32, #tpu.memory_space<vmem>>, vector<16xf32>,
    %swap3A_341 = arith.constant 1296 : index
    %swap3A_342 = tpu.vector_load %arg9[%swap3A_341] {strides = array<i32>} : memref<1792xf32, #tpu.memory_space<vmem>>, vector<16xf32>,
    tpu.vector_store %arg9[%swap3A_341], %broadcast_in_dim3A_1 {strides = array<i32>} : memref<1792xf32, #tpu.memory_space<vmem>>, vector<16xf32>,
    %swap3A_343 = arith.constant 1312 : index
    %swap3A_344 = tpu.vector_load %arg8[%swap3A_343] {strides = array<i32>} : memref<1792xf32, #tpu.memory_space<vmem>>, vector<16xf32>,
    tpu.vector_store %arg8[%swap3A_343], %broadcast_in_dim3A_1 {strides = array<i32>} : memref<1792xf32, #tpu.memory_space<vmem>>, vector<16xf32>,
    %swap3A_345 = arith.constant 1312 : index
    %swap3A_346 = tpu.vector_load %arg9[%swap3A_345] {strides = array<i32>} : memref<1792xf32, #tpu.memory_space<vmem>>, vector<16xf32>,
    tpu.vector_store %arg9[%swap3A_345], %broadcast_in_dim3A_1 {strides = array<i32>} : memref<1792xf32, #tpu.memory_space<vmem>>, vector<16xf32>,
    %swap3A_347 = arith.constant 1328 : index
    %swap3A_348 = tpu.vector_load %arg8[%swap3A_347] {strides = array<i32>} : memref<1792xf32, #tpu.memory_space<vmem>>, vector<16xf32>,
    tpu.vector_store %arg8[%swap3A_347], %broadcast_in_dim3A_1 {strides = array<i32>} : memref<1792xf32, #tpu.memory_space<vmem>>, vector<16xf32>,
    %swap3A_349 = arith.constant 1328 : index
    %swap3A_350 = tpu.vector_load %arg9[%swap3A_349] {strides = array<i32>} : memref<1792xf32, #tpu.memory_space<vmem>>, vector<16xf32>,
    tpu.vector_store %arg9[%swap3A_349], %broadcast_in_dim3A_1 {strides = array<i32>} : memref<1792xf32, #tpu.memory_space<vmem>>, vector<16xf32>,
    %swap3A_351 = arith.constant 1344 : index
    %swap3A_352 = tpu.vector_load %arg8[%swap3A_351] {strides = array<i32>} : memref<1792xf32, #tpu.memory_space<vmem>>, vector<16xf32>,
    tpu.vector_store %arg8[%swap3A_351], %broadcast_in_dim3A_1 {strides = array<i32>} : memref<1792xf32, #tpu.memory_space<vmem>>, vector<16xf32>,
    %swap3A_353 = arith.constant 1344 : index
    %swap3A_354 = tpu.vector_load %arg9[%swap3A_353] {strides = array<i32>} : memref<1792xf32, #tpu.memory_space<vmem>>, vector<16xf32>,
    tpu.vector_store %arg9[%swap3A_353], %broadcast_in_dim3A_1 {strides = array<i32>} : memref<1792xf32, #tpu.memory_space<vmem>>, vector<16xf32>,
    %swap3A_355 = arith.constant 1360 : index
    %swap3A_356 = tpu.vector_load %arg8[%swap3A_355] {strides = array<i32>} : memref<1792xf32, #tpu.memory_space<vmem>>, vector<16xf32>,
    tpu.vector_store %arg8[%swap3A_355], %broadcast_in_dim3A_1 {strides = array<i32>} : memref<1792xf32, #tpu.memory_space<vmem>>, vector<16xf32>,
    %swap3A_357 = arith.constant 1360 : index
    %swap3A_358 = tpu.vector_load %arg9[%swap3A_357] {strides = array<i32>} : memref<1792xf32, #tpu.memory_space<vmem>>, vector<16xf32>,
    tpu.vector_store %arg9[%swap3A_357], %broadcast_in_dim3A_1 {strides = array<i32>} : memref<1792xf32, #tpu.memory_space<vmem>>, vector<16xf32>,
    %swap3A_359 = arith.constant 1376 : index
    %swap3A_360 = tpu.vector_load %arg8[%swap3A_359] {strides = array<i32>} : memref<1792xf32, #tpu.memory_space<vmem>>, vector<16xf32>,
    tpu.vector_store %arg8[%swap3A_359], %broadcast_in_dim3A_1 {strides = array<i32>} : memref<1792xf32, #tpu.memory_space<vmem>>, vector<16xf32>,
    %swap3A_361 = arith.constant 1376 : index
    %swap3A_362 = tpu.vector_load %arg9[%swap3A_361] {strides = array<i32>} : memref<1792xf32, #tpu.memory_space<vmem>>, vector<16xf32>,
    tpu.vector_store %arg9[%swap3A_361], %broadcast_in_dim3A_1 {strides = array<i32>} : memref<1792xf32, #tpu.memory_space<vmem>>, vector<16xf32>,
    %swap3A_363 = arith.constant 1392 : index
    %swap3A_364 = tpu.vector_load %arg8[%swap3A_363] {strides = array<i32>} : memref<1792xf32, #tpu.memory_space<vmem>>, vector<16xf32>,
    tpu.vector_store %arg8[%swap3A_363], %broadcast_in_dim3A_1 {strides = array<i32>} : memref<1792xf32, #tpu.memory_space<vmem>>, vector<16xf32>,
    %swap3A_365 = arith.constant 1392 : index
    %swap3A_366 = tpu.vector_load %arg9[%swap3A_365] {strides = array<i32>} : memref<1792xf32, #tpu.memory_space<vmem>>, vector<16xf32>,
    tpu.vector_store %arg9[%swap3A_365], %broadcast_in_dim3A_1 {strides = array<i32>} : memref<1792xf32, #tpu.memory_space<vmem>>, vector<16xf32>,
    %swap3A_367 = arith.constant 1408 : index
    %swap3A_368 = tpu.vector_load %arg8[%swap3A_367] {strides = array<i32>} : memref<1792xf32, #tpu.memory_space<vmem>>, vector<16xf32>,
    tpu.vector_store %arg8[%swap3A_367], %broadcast_in_dim3A_1 {strides = array<i32>} : memref<1792xf32, #tpu.memory_space<vmem>>, vector<16xf32>,
    %swap3A_369 = arith.constant 1408 : index
    %swap3A_370 = tpu.vector_load %arg9[%swap3A_369] {strides = array<i32>} : memref<1792xf32, #tpu.memory_space<vmem>>, vector<16xf32>,
    tpu.vector_store %arg9[%swap3A_369], %broadcast_in_dim3A_1 {strides = array<i32>} : memref<1792xf32, #tpu.memory_space<vmem>>, vector<16xf32>,
    %swap3A_371 = arith.constant 1424 : index
    %swap3A_372 = tpu.vector_load %arg8[%swap3A_371] {strides = array<i32>} : memref<1792xf32, #tpu.memory_space<vmem>>, vector<16xf32>,
    tpu.vector_store %arg8[%swap3A_371], %broadcast_in_dim3A_1 {strides = array<i32>} : memref<1792xf32, #tpu.memory_space<vmem>>, vector<16xf32>,
    %swap3A_373 = arith.constant 1424 : index
    %swap3A_374 = tpu.vector_load %arg9[%swap3A_373] {strides = array<i32>} : memref<1792xf32, #tpu.memory_space<vmem>>, vector<16xf32>,
    tpu.vector_store %arg9[%swap3A_373], %broadcast_in_dim3A_1 {strides = array<i32>} : memref<1792xf32, #tpu.memory_space<vmem>>, vector<16xf32>,
    %swap3A_375 = arith.constant 1440 : index
    %swap3A_376 = tpu.vector_load %arg8[%swap3A_375] {strides = array<i32>} : memref<1792xf32, #tpu.memory_space<vmem>>, vector<16xf32>,
    tpu.vector_store %arg8[%swap3A_375], %broadcast_in_dim3A_1 {strides = array<i32>} : memref<1792xf32, #tpu.memory_space<vmem>>, vector<16xf32>,
    %swap3A_377 = arith.constant 1440 : index
    %swap3A_378 = tpu.vector_load %arg9[%swap3A_377] {strides = array<i32>} : memref<1792xf32, #tpu.memory_space<vmem>>, vector<16xf32>,
    tpu.vector_store %arg9[%swap3A_377], %broadcast_in_dim3A_1 {strides = array<i32>} : memref<1792xf32, #tpu.memory_space<vmem>>, vector<16xf32>,
    %swap3A_379 = arith.constant 1456 : index
    %swap3A_380 = tpu.vector_load %arg8[%swap3A_379] {strides = array<i32>} : memref<1792xf32, #tpu.memory_space<vmem>>, vector<16xf32>,
    tpu.vector_store %arg8[%swap3A_379], %broadcast_in_dim3A_1 {strides = array<i32>} : memref<1792xf32, #tpu.memory_space<vmem>>, vector<16xf32>,
    %swap3A_381 = arith.constant 1456 : index
    %swap3A_382 = tpu.vector_load %arg9[%swap3A_381] {strides = array<i32>} : memref<1792xf32, #tpu.memory_space<vmem>>, vector<16xf32>,
    tpu.vector_store %arg9[%swap3A_381], %broadcast_in_dim3A_1 {strides = array<i32>} : memref<1792xf32, #tpu.memory_space<vmem>>, vector<16xf32>,
    %swap3A_383 = arith.constant 1472 : index
    %swap3A_384 = tpu.vector_load %arg8[%swap3A_383] {strides = array<i32>} : memref<1792xf32, #tpu.memory_space<vmem>>, vector<16xf32>,
    tpu.vector_store %arg8[%swap3A_383], %broadcast_in_dim3A_1 {strides = array<i32>} : memref<1792xf32, #tpu.memory_space<vmem>>, vector<16xf32>,
    %swap3A_385 = arith.constant 1472 : index
    %swap3A_386 = tpu.vector_load %arg9[%swap3A_385] {strides = array<i32>} : memref<1792xf32, #tpu.memory_space<vmem>>, vector<16xf32>,
    tpu.vector_store %arg9[%swap3A_385], %broadcast_in_dim3A_1 {strides = array<i32>} : memref<1792xf32, #tpu.memory_space<vmem>>, vector<16xf32>,
    %swap3A_387 = arith.constant 1488 : index
    %swap3A_388 = tpu.vector_load %arg8[%swap3A_387] {strides = array<i32>} : memref<1792xf32, #tpu.memory_space<vmem>>, vector<16xf32>,
    tpu.vector_store %arg8[%swap3A_387], %broadcast_in_dim3A_1 {strides = array<i32>} : memref<1792xf32, #tpu.memory_space<vmem>>, vector<16xf32>,
    %swap3A_389 = arith.constant 1488 : index
    %swap3A_390 = tpu.vector_load %arg9[%swap3A_389] {strides = array<i32>} : memref<1792xf32, #tpu.memory_space<vmem>>, vector<16xf32>,
    tpu.vector_store %arg9[%swap3A_389], %broadcast_in_dim3A_1 {strides = array<i32>} : memref<1792xf32, #tpu.memory_space<vmem>>, vector<16xf32>,
    %swap3A_391 = arith.constant 1504 : index
    %swap3A_392 = tpu.vector_load %arg8[%swap3A_391] {strides = array<i32>} : memref<1792xf32, #tpu.memory_space<vmem>>, vector<16xf32>,
    tpu.vector_store %arg8[%swap3A_391], %broadcast_in_dim3A_1 {strides = array<i32>} : memref<1792xf32, #tpu.memory_space<vmem>>, vector<16xf32>,
    %swap3A_393 = arith.constant 1504 : index
    %swap3A_394 = tpu.vector_load %arg9[%swap3A_393] {strides = array<i32>} : memref<1792xf32, #tpu.memory_space<vmem>>, vector<16xf32>,
    tpu.vector_store %arg9[%swap3A_393], %broadcast_in_dim3A_1 {strides = array<i32>} : memref<1792xf32, #tpu.memory_space<vmem>>, vector<16xf32>,
    %swap3A_395 = arith.constant 1520 : index
    %swap3A_396 = tpu.vector_load %arg8[%swap3A_395] {strides = array<i32>} : memref<1792xf32, #tpu.memory_space<vmem>>, vector<16xf32>,
    tpu.vector_store %arg8[%swap3A_395], %broadcast_in_dim3A_1 {strides = array<i32>} : memref<1792xf32, #tpu.memory_space<vmem>>, vector<16xf32>,
    %swap3A_397 = arith.constant 1520 : index
    %swap3A_398 = tpu.vector_load %arg9[%swap3A_397] {strides = array<i32>} : memref<1792xf32, #tpu.memory_space<vmem>>, vector<16xf32>,
    tpu.vector_store %arg9[%swap3A_397], %broadcast_in_dim3A_1 {strides = array<i32>} : memref<1792xf32, #tpu.memory_space<vmem>>, vector<16xf32>,
    %swap3A_399 = arith.constant 1536 : index
    %swap3A_400 = tpu.vector_load %arg8[%swap3A_399] {strides = array<i32>} : memref<1792xf32, #tpu.memory_space<vmem>>, vector<16xf32>,
    tpu.vector_store %arg8[%swap3A_399], %broadcast_in_dim3A_1 {strides = array<i32>} : memref<1792xf32, #tpu.memory_space<vmem>>, vector<16xf32>,
    %swap3A_401 = arith.constant 1536 : index
    %swap3A_402 = tpu.vector_load %arg9[%swap3A_401] {strides = array<i32>} : memref<1792xf32, #tpu.memory_space<vmem>>, vector<16xf32>,
    tpu.vector_store %arg9[%swap3A_401], %broadcast_in_dim3A_1 {strides = array<i32>} : memref<1792xf32, #tpu.memory_space<vmem>>, vector<16xf32>,
    %swap3A_403 = arith.constant 1552 : index
    %swap3A_404 = tpu.vector_load %arg8[%swap3A_403] {strides = array<i32>} : memref<1792xf32, #tpu.memory_space<vmem>>, vector<16xf32>,
    tpu.vector_store %arg8[%swap3A_403], %broadcast_in_dim3A_1 {strides = array<i32>} : memref<1792xf32, #tpu.memory_space<vmem>>, vector<16xf32>,
    %swap3A_405 = arith.constant 1552 : index
    %swap3A_406 = tpu.vector_load %arg9[%swap3A_405] {strides = array<i32>} : memref<1792xf32, #tpu.memory_space<vmem>>, vector<16xf32>,
    tpu.vector_store %arg9[%swap3A_405], %broadcast_in_dim3A_1 {strides = array<i32>} : memref<1792xf32, #tpu.memory_space<vmem>>, vector<16xf32>,
    %swap3A_407 = arith.constant 1568 : index
    %swap3A_408 = tpu.vector_load %arg8[%swap3A_407] {strides = array<i32>} : memref<1792xf32, #tpu.memory_space<vmem>>, vector<16xf32>,
    tpu.vector_store %arg8[%swap3A_407], %broadcast_in_dim3A_1 {strides = array<i32>} : memref<1792xf32, #tpu.memory_space<vmem>>, vector<16xf32>,
    %swap3A_409 = arith.constant 1568 : index
    %swap3A_410 = tpu.vector_load %arg9[%swap3A_409] {strides = array<i32>} : memref<1792xf32, #tpu.memory_space<vmem>>, vector<16xf32>,
    tpu.vector_store %arg9[%swap3A_409], %broadcast_in_dim3A_1 {strides = array<i32>} : memref<1792xf32, #tpu.memory_space<vmem>>, vector<16xf32>,
    %swap3A_411 = arith.constant 1584 : index
    %swap3A_412 = tpu.vector_load %arg8[%swap3A_411] {strides = array<i32>} : memref<1792xf32, #tpu.memory_space<vmem>>, vector<16xf32>,
    tpu.vector_store %arg8[%swap3A_411], %broadcast_in_dim3A_1 {strides = array<i32>} : memref<1792xf32, #tpu.memory_space<vmem>>, vector<16xf32>,
    %swap3A_413 = arith.constant 1584 : index
    %swap3A_414 = tpu.vector_load %arg9[%swap3A_413] {strides = array<i32>} : memref<1792xf32, #tpu.memory_space<vmem>>, vector<16xf32>,
    tpu.vector_store %arg9[%swap3A_413], %broadcast_in_dim3A_1 {strides = array<i32>} : memref<1792xf32, #tpu.memory_space<vmem>>, vector<16xf32>,
    %swap3A_415 = arith.constant 1600 : index
    %swap3A_416 = tpu.vector_load %arg8[%swap3A_415] {strides = array<i32>} : memref<1792xf32, #tpu.memory_space<vmem>>, vector<16xf32>,
    tpu.vector_store %arg8[%swap3A_415], %broadcast_in_dim3A_1 {strides = array<i32>} : memref<1792xf32, #tpu.memory_space<vmem>>, vector<16xf32>,
    %swap3A_417 = arith.constant 1600 : index
    %swap3A_418 = tpu.vector_load %arg9[%swap3A_417] {strides = array<i32>} : memref<1792xf32, #tpu.memory_space<vmem>>, vector<16xf32>,
    tpu.vector_store %arg9[%swap3A_417], %broadcast_in_dim3A_1 {strides = array<i32>} : memref<1792xf32, #tpu.memory_space<vmem>>, vector<16xf32>,
    %swap3A_419 = arith.constant 1616 : index
    %swap3A_420 = tpu.vector_load %arg8[%swap3A_419] {strides = array<i32>} : memref<1792xf32, #tpu.memory_space<vmem>>, vector<16xf32>,
    tpu.vector_store %arg8[%swap3A_419], %broadcast_in_dim3A_1 {strides = array<i32>} : memref<1792xf32, #tpu.memory_space<vmem>>, vector<16xf32>,
    %swap3A_421 = arith.constant 1616 : index
    %swap3A_422 = tpu.vector_load %arg9[%swap3A_421] {strides = array<i32>} : memref<1792xf32, #tpu.memory_space<vmem>>, vector<16xf32>,
    tpu.vector_store %arg9[%swap3A_421], %broadcast_in_dim3A_1 {strides = array<i32>} : memref<1792xf32, #tpu.memory_space<vmem>>, vector<16xf32>,
    %swap3A_423 = arith.constant 1632 : index
    %swap3A_424 = tpu.vector_load %arg8[%swap3A_423] {strides = array<i32>} : memref<1792xf32, #tpu.memory_space<vmem>>, vector<16xf32>,
    tpu.vector_store %arg8[%swap3A_423], %broadcast_in_dim3A_1 {strides = array<i32>} : memref<1792xf32, #tpu.memory_space<vmem>>, vector<16xf32>,
    %swap3A_425 = arith.constant 1632 : index
    %swap3A_426 = tpu.vector_load %arg9[%swap3A_425] {strides = array<i32>} : memref<1792xf32, #tpu.memory_space<vmem>>, vector<16xf32>,
    tpu.vector_store %arg9[%swap3A_425], %broadcast_in_dim3A_1 {strides = array<i32>} : memref<1792xf32, #tpu.memory_space<vmem>>, vector<16xf32>,
    %swap3A_427 = arith.constant 1648 : index
    %swap3A_428 = tpu.vector_load %arg8[%swap3A_427] {strides = array<i32>} : memref<1792xf32, #tpu.memory_space<vmem>>, vector<16xf32>,
    tpu.vector_store %arg8[%swap3A_427], %broadcast_in_dim3A_1 {strides = array<i32>} : memref<1792xf32, #tpu.memory_space<vmem>>, vector<16xf32>,
    %swap3A_429 = arith.constant 1648 : index
    %swap3A_430 = tpu.vector_load %arg9[%swap3A_429] {strides = array<i32>} : memref<1792xf32, #tpu.memory_space<vmem>>, vector<16xf32>,
    tpu.vector_store %arg9[%swap3A_429], %broadcast_in_dim3A_1 {strides = array<i32>} : memref<1792xf32, #tpu.memory_space<vmem>>, vector<16xf32>,
    %swap3A_431 = arith.constant 1664 : index
    %swap3A_432 = tpu.vector_load %arg8[%swap3A_431] {strides = array<i32>} : memref<1792xf32, #tpu.memory_space<vmem>>, vector<16xf32>,
    tpu.vector_store %arg8[%swap3A_431], %broadcast_in_dim3A_1 {strides = array<i32>} : memref<1792xf32, #tpu.memory_space<vmem>>, vector<16xf32>,
    %swap3A_433 = arith.constant 1664 : index
    %swap3A_434 = tpu.vector_load %arg9[%swap3A_433] {strides = array<i32>} : memref<1792xf32, #tpu.memory_space<vmem>>, vector<16xf32>,
    tpu.vector_store %arg9[%swap3A_433], %broadcast_in_dim3A_1 {strides = array<i32>} : memref<1792xf32, #tpu.memory_space<vmem>>, vector<16xf32>,
    %swap3A_435 = arith.constant 1680 : index
    %swap3A_436 = tpu.vector_load %arg8[%swap3A_435] {strides = array<i32>} : memref<1792xf32, #tpu.memory_space<vmem>>, vector<16xf32>,
    tpu.vector_store %arg8[%swap3A_435], %broadcast_in_dim3A_1 {strides = array<i32>} : memref<1792xf32, #tpu.memory_space<vmem>>, vector<16xf32>,
    %swap3A_437 = arith.constant 1680 : index
    %swap3A_438 = tpu.vector_load %arg9[%swap3A_437] {strides = array<i32>} : memref<1792xf32, #tpu.memory_space<vmem>>, vector<16xf32>,
    tpu.vector_store %arg9[%swap3A_437], %broadcast_in_dim3A_1 {strides = array<i32>} : memref<1792xf32, #tpu.memory_space<vmem>>, vector<16xf32>,
    %swap3A_439 = arith.constant 1696 : index
    %swap3A_440 = tpu.vector_load %arg8[%swap3A_439] {strides = array<i32>} : memref<1792xf32, #tpu.memory_space<vmem>>, vector<16xf32>,
    tpu.vector_store %arg8[%swap3A_439], %broadcast_in_dim3A_1 {strides = array<i32>} : memref<1792xf32, #tpu.memory_space<vmem>>, vector<16xf32>,
    %swap3A_441 = arith.constant 1696 : index
    %swap3A_442 = tpu.vector_load %arg9[%swap3A_441] {strides = array<i32>} : memref<1792xf32, #tpu.memory_space<vmem>>, vector<16xf32>,
    tpu.vector_store %arg9[%swap3A_441], %broadcast_in_dim3A_1 {strides = array<i32>} : memref<1792xf32, #tpu.memory_space<vmem>>, vector<16xf32>,
    %swap3A_443 = arith.constant 1712 : index
    %swap3A_444 = tpu.vector_load %arg8[%swap3A_443] {strides = array<i32>} : memref<1792xf32, #tpu.memory_space<vmem>>, vector<16xf32>,
    tpu.vector_store %arg8[%swap3A_443], %broadcast_in_dim3A_1 {strides = array<i32>} : memref<1792xf32, #tpu.memory_space<vmem>>, vector<16xf32>,
    %swap3A_445 = arith.constant 1712 : index
    %swap3A_446 = tpu.vector_load %arg9[%swap3A_445] {strides = array<i32>} : memref<1792xf32, #tpu.memory_space<vmem>>, vector<16xf32>,
    tpu.vector_store %arg9[%swap3A_445], %broadcast_in_dim3A_1 {strides = array<i32>} : memref<1792xf32, #tpu.memory_space<vmem>>, vector<16xf32>,
    %swap3A_447 = arith.constant 1728 : index
    %swap3A_448 = tpu.vector_load %arg8[%swap3A_447] {strides = array<i32>} : memref<1792xf32, #tpu.memory_space<vmem>>, vector<16xf32>,
    tpu.vector_store %arg8[%swap3A_447], %broadcast_in_dim3A_1 {strides = array<i32>} : memref<1792xf32, #tpu.memory_space<vmem>>, vector<16xf32>,
    %swap3A_449 = arith.constant 1728 : index
    %swap3A_450 = tpu.vector_load %arg9[%swap3A_449] {strides = array<i32>} : memref<1792xf32, #tpu.memory_space<vmem>>, vector<16xf32>,
    tpu.vector_store %arg9[%swap3A_449], %broadcast_in_dim3A_1 {strides = array<i32>} : memref<1792xf32, #tpu.memory_space<vmem>>, vector<16xf32>,
    %swap3A_451 = arith.constant 1744 : index
    %swap3A_452 = tpu.vector_load %arg8[%swap3A_451] {strides = array<i32>} : memref<1792xf32, #tpu.memory_space<vmem>>, vector<16xf32>,
    tpu.vector_store %arg8[%swap3A_451], %broadcast_in_dim3A_1 {strides = array<i32>} : memref<1792xf32, #tpu.memory_space<vmem>>, vector<16xf32>,
    %swap3A_453 = arith.constant 1744 : index
    %swap3A_454 = tpu.vector_load %arg9[%swap3A_453] {strides = array<i32>} : memref<1792xf32, #tpu.memory_space<vmem>>, vector<16xf32>,
    tpu.vector_store %arg9[%swap3A_453], %broadcast_in_dim3A_1 {strides = array<i32>} : memref<1792xf32, #tpu.memory_space<vmem>>, vector<16xf32>,
    %swap3A_455 = arith.constant 1760 : index
    %swap3A_456 = tpu.vector_load %arg8[%swap3A_455] {strides = array<i32>} : memref<1792xf32, #tpu.memory_space<vmem>>, vector<16xf32>,
    tpu.vector_store %arg8[%swap3A_455], %broadcast_in_dim3A_1 {strides = array<i32>} : memref<1792xf32, #tpu.memory_space<vmem>>, vector<16xf32>,
    %swap3A_457 = arith.constant 1760 : index
    %swap3A_458 = tpu.vector_load %arg9[%swap3A_457] {strides = array<i32>} : memref<1792xf32, #tpu.memory_space<vmem>>, vector<16xf32>,
    tpu.vector_store %arg9[%swap3A_457], %broadcast_in_dim3A_1 {strides = array<i32>} : memref<1792xf32, #tpu.memory_space<vmem>>, vector<16xf32>,
    %swap3A_459 = arith.constant 1776 : index
    %swap3A_460 = tpu.vector_load %arg8[%swap3A_459] {strides = array<i32>} : memref<1792xf32, #tpu.memory_space<vmem>>, vector<16xf32>,
    tpu.vector_store %arg8[%swap3A_459], %broadcast_in_dim3A_1 {strides = array<i32>} : memref<1792xf32, #tpu.memory_space<vmem>>, vector<16xf32>,
    %swap3A_461 = arith.constant 1776 : index
    %swap3A_462 = tpu.vector_load %arg9[%swap3A_461] {strides = array<i32>} : memref<1792xf32, #tpu.memory_space<vmem>>, vector<16xf32>,
    tpu.vector_store %arg9[%swap3A_461], %broadcast_in_dim3A_1 {strides = array<i32>} : memref<1792xf32, #tpu.memory_space<vmem>>, vector<16xf32>,
    %get3A = arith.constant 0 : index
    %get3A_463 = tpu.vector_load %arg7[%get3A] {strides = array<i32>} : memref<640xi32, #tpu.memory_space<vmem>>, vector<16xi32>,
    %get3A_464 = arith.constant 0 : index
    %get3A_465 = tpu.vector_load %arg6[%get3A_464] {strides = array<i32>} : memref<640xf32, #tpu.memory_space<vmem>>, vector<16xf32>,
    %add3A = arith.addi %mul3A_6, %get3A_463 : vector<16xi32>
    tpu.vector_store_idx %arg8[%add3A], %get3A_465 {add = true} : memref<1792xf32, #tpu.memory_space<vmem>>[vector<16xi32>], vector<16xf32>,
    tpu.vector_store_idx %arg9[%add3A], %broadcast_in_dim3A_3 {add = true} : memref<1792xf32, #tpu.memory_space<vmem>>[vector<16xi32>], vector<16xf32>,
    %get3A_466 = arith.constant 16 : index
    %get3A_467 = tpu.vector_load %arg7[%get3A_466] {strides = array<i32>} : memref<640xi32, #tpu.memory_space<vmem>>, vector<16xi32>,
    %get3A_468 = arith.constant 16 : index
    %get3A_469 = tpu.vector_load %arg6[%get3A_468] {strides = array<i32>} : memref<640xf32, #tpu.memory_space<vmem>>, vector<16xf32>,
    %add3A_470 = arith.addi %mul3A_6, %get3A_467 : vector<16xi32>
    tpu.vector_store_idx %arg8[%add3A_470], %get3A_469 {add = true} : memref<1792xf32, #tpu.memory_space<vmem>>[vector<16xi32>], vector<16xf32>,
    tpu.vector_store_idx %arg9[%add3A_470], %broadcast_in_dim3A_3 {add = true} : memref<1792xf32, #tpu.memory_space<vmem>>[vector<16xi32>], vector<16xf32>,
    %get3A_471 = arith.constant 32 : index
    %get3A_472 = tpu.vector_load %arg7[%get3A_471] {strides = array<i32>} : memref<640xi32, #tpu.memory_space<vmem>>, vector<16xi32>,
    %get3A_473 = arith.constant 32 : index
    %get3A_474 = tpu.vector_load %arg6[%get3A_473] {strides = array<i32>} : memref<640xf32, #tpu.memory_space<vmem>>, vector<16xf32>,
    %add3A_475 = arith.addi %mul3A_6, %get3A_472 : vector<16xi32>
    tpu.vector_store_idx %arg8[%add3A_475], %get3A_474 {add = true} : memref<1792xf32, #tpu.memory_space<vmem>>[vector<16xi32>], vector<16xf32>,
    tpu.vector_store_idx %arg9[%add3A_475], %broadcast_in_dim3A_3 {add = true} : memref<1792xf32, #tpu.memory_space<vmem>>[vector<16xi32>], vector<16xf32>,
    %get3A_476 = arith.constant 48 : index
    %get3A_477 = tpu.vector_load %arg7[%get3A_476] {strides = array<i32>} : memref<640xi32, #tpu.memory_space<vmem>>, vector<16xi32>,
    %get3A_478 = arith.constant 48 : index
    %get3A_479 = tpu.vector_load %arg6[%get3A_478] {strides = array<i32>} : memref<640xf32, #tpu.memory_space<vmem>>, vector<16xf32>,
    %add3A_480 = arith.addi %mul3A_6, %get3A_477 : vector<16xi32>
    tpu.vector_store_idx %arg8[%add3A_480], %get3A_479 {add = true} : memref<1792xf32, #tpu.memory_space<vmem>>[vector<16xi32>], vector<16xf32>,
    tpu.vector_store_idx %arg9[%add3A_480], %broadcast_in_dim3A_3 {add = true} : memref<1792xf32, #tpu.memory_space<vmem>>[vector<16xi32>], vector<16xf32>,
    %get3A_481 = arith.constant 64 : index
    %get3A_482 = tpu.vector_load %arg7[%get3A_481] {strides = array<i32>} : memref<640xi32, #tpu.memory_space<vmem>>, vector<16xi32>,
    %get3A_483 = arith.constant 64 : index
    %get3A_484 = tpu.vector_load %arg6[%get3A_483] {strides = array<i32>} : memref<640xf32, #tpu.memory_space<vmem>>, vector<16xf32>,
    %add3A_485 = arith.addi %mul3A_6, %get3A_482 : vector<16xi32>
    tpu.vector_store_idx %arg8[%add3A_485], %get3A_484 {add = true} : memref<1792xf32, #tpu.memory_space<vmem>>[vector<16xi32>], vector<16xf32>,
    tpu.vector_store_idx %arg9[%add3A_485], %broadcast_in_dim3A_3 {add = true} : memref<1792xf32, #tpu.memory_space<vmem>>[vector<16xi32>], vector<16xf32>,
    %get3A_486 = arith.constant 80 : index
    %get3A_487 = tpu.vector_load %arg7[%get3A_486] {strides = array<i32>} : memref<640xi32, #tpu.memory_space<vmem>>, vector<16xi32>,
    %get3A_488 = arith.constant 80 : index
    %get3A_489 = tpu.vector_load %arg6[%get3A_488] {strides = array<i32>} : memref<640xf32, #tpu.memory_space<vmem>>, vector<16xf32>,
    %add3A_490 = arith.addi %mul3A_6, %get3A_487 : vector<16xi32>
    tpu.vector_store_idx %arg8[%add3A_490], %get3A_489 {add = true} : memref<1792xf32, #tpu.memory_space<vmem>>[vector<16xi32>], vector<16xf32>,
    tpu.vector_store_idx %arg9[%add3A_490], %broadcast_in_dim3A_3 {add = true} : memref<1792xf32, #tpu.memory_space<vmem>>[vector<16xi32>], vector<16xf32>,
    %get3A_491 = arith.constant 96 : index
    %get3A_492 = tpu.vector_load %arg7[%get3A_491] {strides = array<i32>} : memref<640xi32, #tpu.memory_space<vmem>>, vector<16xi32>,
    %get3A_493 = arith.constant 96 : index
    %get3A_494 = tpu.vector_load %arg6[%get3A_493] {strides = array<i32>} : memref<640xf32, #tpu.memory_space<vmem>>, vector<16xf32>,
    %add3A_495 = arith.addi %mul3A_6, %get3A_492 : vector<16xi32>
    tpu.vector_store_idx %arg8[%add3A_495], %get3A_494 {add = true} : memref<1792xf32, #tpu.memory_space<vmem>>[vector<16xi32>], vector<16xf32>,
    tpu.vector_store_idx %arg9[%add3A_495], %broadcast_in_dim3A_3 {add = true} : memref<1792xf32, #tpu.memory_space<vmem>>[vector<16xi32>], vector<16xf32>,
    %get3A_496 = arith.constant 112 : index
    %get3A_497 = tpu.vector_load %arg7[%get3A_496] {strides = array<i32>} : memref<640xi32, #tpu.memory_space<vmem>>, vector<16xi32>,
    %get3A_498 = arith.constant 112 : index
    %get3A_499 = tpu.vector_load %arg6[%get3A_498] {strides = array<i32>} : memref<640xf32, #tpu.memory_space<vmem>>, vector<16xf32>,
    %add3A_500 = arith.addi %mul3A_6, %get3A_497 : vector<16xi32>
    tpu.vector_store_idx %arg8[%add3A_500], %get3A_499 {add = true} : memref<1792xf32, #tpu.memory_space<vmem>>[vector<16xi32>], vector<16xf32>,
    tpu.vector_store_idx %arg9[%add3A_500], %broadcast_in_dim3A_3 {add = true} : memref<1792xf32, #tpu.memory_space<vmem>>[vector<16xi32>], vector<16xf32>,
    %get3A_501 = arith.constant 128 : index
    %get3A_502 = tpu.vector_load %arg7[%get3A_501] {strides = array<i32>} : memref<640xi32, #tpu.memory_space<vmem>>, vector<16xi32>,
    %get3A_503 = arith.constant 128 : index
    %get3A_504 = tpu.vector_load %arg6[%get3A_503] {strides = array<i32>} : memref<640xf32, #tpu.memory_space<vmem>>, vector<16xf32>,
    %add3A_505 = arith.addi %mul3A_6, %get3A_502 : vector<16xi32>
    tpu.vector_store_idx %arg8[%add3A_505], %get3A_504 {add = true} : memref<1792xf32, #tpu.memory_space<vmem>>[vector<16xi32>], vector<16xf32>,
    tpu.vector_store_idx %arg9[%add3A_505], %broadcast_in_dim3A_3 {add = true} : memref<1792xf32, #tpu.memory_space<vmem>>[vector<16xi32>], vector<16xf32>,
    %get3A_506 = arith.constant 144 : index
    %get3A_507 = tpu.vector_load %arg7[%get3A_506] {strides = array<i32>} : memref<640xi32, #tpu.memory_space<vmem>>, vector<16xi32>,
    %get3A_508 = arith.constant 144 : index
    %get3A_509 = tpu.vector_load %arg6[%get3A_508] {strides = array<i32>} : memref<640xf32, #tpu.memory_space<vmem>>, vector<16xf32>,
    %add3A_510 = arith.addi %mul3A_6, %get3A_507 : vector<16xi32>
    tpu.vector_store_idx %arg8[%add3A_510], %get3A_509 {add = true} : memref<1792xf32, #tpu.memory_space<vmem>>[vector<16xi32>], vector<16xf32>,
    tpu.vector_store_idx %arg9[%add3A_510], %broadcast_in_dim3A_3 {add = true} : memref<1792xf32, #tpu.memory_space<vmem>>[vector<16xi32>], vector<16xf32>,
    %get3A_511 = arith.constant 160 : index
    %get3A_512 = tpu.vector_load %arg7[%get3A_511] {strides = array<i32>} : memref<640xi32, #tpu.memory_space<vmem>>, vector<16xi32>,
    %get3A_513 = arith.constant 160 : index
    %get3A_514 = tpu.vector_load %arg6[%get3A_513] {strides = array<i32>} : memref<640xf32, #tpu.memory_space<vmem>>, vector<16xf32>,
    %add3A_515 = arith.addi %mul3A_6, %get3A_512 : vector<16xi32>
    tpu.vector_store_idx %arg8[%add3A_515], %get3A_514 {add = true} : memref<1792xf32, #tpu.memory_space<vmem>>[vector<16xi32>], vector<16xf32>,
    tpu.vector_store_idx %arg9[%add3A_515], %broadcast_in_dim3A_3 {add = true} : memref<1792xf32, #tpu.memory_space<vmem>>[vector<16xi32>], vector<16xf32>,
    %get3A_516 = arith.constant 176 : index
    %get3A_517 = tpu.vector_load %arg7[%get3A_516] {strides = array<i32>} : memref<640xi32, #tpu.memory_space<vmem>>, vector<16xi32>,
    %get3A_518 = arith.constant 176 : index
    %get3A_519 = tpu.vector_load %arg6[%get3A_518] {strides = array<i32>} : memref<640xf32, #tpu.memory_space<vmem>>, vector<16xf32>,
    %add3A_520 = arith.addi %mul3A_6, %get3A_517 : vector<16xi32>
    tpu.vector_store_idx %arg8[%add3A_520], %get3A_519 {add = true} : memref<1792xf32, #tpu.memory_space<vmem>>[vector<16xi32>], vector<16xf32>,
    tpu.vector_store_idx %arg9[%add3A_520], %broadcast_in_dim3A_3 {add = true} : memref<1792xf32, #tpu.memory_space<vmem>>[vector<16xi32>], vector<16xf32>,
    %get3A_521 = arith.constant 192 : index
    %get3A_522 = tpu.vector_load %arg7[%get3A_521] {strides = array<i32>} : memref<640xi32, #tpu.memory_space<vmem>>, vector<16xi32>,
    %get3A_523 = arith.constant 192 : index
    %get3A_524 = tpu.vector_load %arg6[%get3A_523] {strides = array<i32>} : memref<640xf32, #tpu.memory_space<vmem>>, vector<16xf32>,
    %add3A_525 = arith.addi %mul3A_6, %get3A_522 : vector<16xi32>
    tpu.vector_store_idx %arg8[%add3A_525], %get3A_524 {add = true} : memref<1792xf32, #tpu.memory_space<vmem>>[vector<16xi32>], vector<16xf32>,
    tpu.vector_store_idx %arg9[%add3A_525], %broadcast_in_dim3A_3 {add = true} : memref<1792xf32, #tpu.memory_space<vmem>>[vector<16xi32>], vector<16xf32>,
    %get3A_526 = arith.constant 208 : index
    %get3A_527 = tpu.vector_load %arg7[%get3A_526] {strides = array<i32>} : memref<640xi32, #tpu.memory_space<vmem>>, vector<16xi32>,
    %get3A_528 = arith.constant 208 : index
    %get3A_529 = tpu.vector_load %arg6[%get3A_528] {strides = array<i32>} : memref<640xf32, #tpu.memory_space<vmem>>, vector<16xf32>,
    %add3A_530 = arith.addi %mul3A_6, %get3A_527 : vector<16xi32>
    tpu.vector_store_idx %arg8[%add3A_530], %get3A_529 {add = true} : memref<1792xf32, #tpu.memory_space<vmem>>[vector<16xi32>], vector<16xf32>,
    tpu.vector_store_idx %arg9[%add3A_530], %broadcast_in_dim3A_3 {add = true} : memref<1792xf32, #tpu.memory_space<vmem>>[vector<16xi32>], vector<16xf32>,
    %get3A_531 = arith.constant 224 : index
    %get3A_532 = tpu.vector_load %arg7[%get3A_531] {strides = array<i32>} : memref<640xi32, #tpu.memory_space<vmem>>, vector<16xi32>,
    %get3A_533 = arith.constant 224 : index
    %get3A_534 = tpu.vector_load %arg6[%get3A_533] {strides = array<i32>} : memref<640xf32, #tpu.memory_space<vmem>>, vector<16xf32>,
    %add3A_535 = arith.addi %mul3A_6, %get3A_532 : vector<16xi32>
    tpu.vector_store_idx %arg8[%add3A_535], %get3A_534 {add = true} : memref<1792xf32, #tpu.memory_space<vmem>>[vector<16xi32>], vector<16xf32>,
    tpu.vector_store_idx %arg9[%add3A_535], %broadcast_in_dim3A_3 {add = true} : memref<1792xf32, #tpu.memory_space<vmem>>[vector<16xi32>], vector<16xf32>,
    %get3A_536 = arith.constant 240 : index
    %get3A_537 = tpu.vector_load %arg7[%get3A_536] {strides = array<i32>} : memref<640xi32, #tpu.memory_space<vmem>>, vector<16xi32>,
    %get3A_538 = arith.constant 240 : index
    %get3A_539 = tpu.vector_load %arg6[%get3A_538] {strides = array<i32>} : memref<640xf32, #tpu.memory_space<vmem>>, vector<16xf32>,
    %add3A_540 = arith.addi %mul3A_6, %get3A_537 : vector<16xi32>
    tpu.vector_store_idx %arg8[%add3A_540], %get3A_539 {add = true} : memref<1792xf32, #tpu.memory_space<vmem>>[vector<16xi32>], vector<16xf32>,
    tpu.vector_store_idx %arg9[%add3A_540], %broadcast_in_dim3A_3 {add = true} : memref<1792xf32, #tpu.memory_space<vmem>>[vector<16xi32>], vector<16xf32>,
    %get3A_541 = arith.constant 256 : index
    %get3A_542 = tpu.vector_load %arg7[%get3A_541] {strides = array<i32>} : memref<640xi32, #tpu.memory_space<vmem>>, vector<16xi32>,
    %get3A_543 = arith.constant 256 : index
    %get3A_544 = tpu.vector_load %arg6[%get3A_543] {strides = array<i32>} : memref<640xf32, #tpu.memory_space<vmem>>, vector<16xf32>,
    %add3A_545 = arith.addi %mul3A_6, %get3A_542 : vector<16xi32>
    tpu.vector_store_idx %arg8[%add3A_545], %get3A_544 {add = true} : memref<1792xf32, #tpu.memory_space<vmem>>[vector<16xi32>], vector<16xf32>,
    tpu.vector_store_idx %arg9[%add3A_545], %broadcast_in_dim3A_3 {add = true} : memref<1792xf32, #tpu.memory_space<vmem>>[vector<16xi32>], vector<16xf32>,
    %get3A_546 = arith.constant 272 : index
    %get3A_547 = tpu.vector_load %arg7[%get3A_546] {strides = array<i32>} : memref<640xi32, #tpu.memory_space<vmem>>, vector<16xi32>,
    %get3A_548 = arith.constant 272 : index
    %get3A_549 = tpu.vector_load %arg6[%get3A_548] {strides = array<i32>} : memref<640xf32, #tpu.memory_space<vmem>>, vector<16xf32>,
    %add3A_550 = arith.addi %mul3A_6, %get3A_547 : vector<16xi32>
    tpu.vector_store_idx %arg8[%add3A_550], %get3A_549 {add = true} : memref<1792xf32, #tpu.memory_space<vmem>>[vector<16xi32>], vector<16xf32>,
    tpu.vector_store_idx %arg9[%add3A_550], %broadcast_in_dim3A_3 {add = true} : memref<1792xf32, #tpu.memory_space<vmem>>[vector<16xi32>], vector<16xf32>,
    %get3A_551 = arith.constant 288 : index
    %get3A_552 = tpu.vector_load %arg7[%get3A_551] {strides = array<i32>} : memref<640xi32, #tpu.memory_space<vmem>>, vector<16xi32>,
    %get3A_553 = arith.constant 288 : index
    %get3A_554 = tpu.vector_load %arg6[%get3A_553] {strides = array<i32>} : memref<640xf32, #tpu.memory_space<vmem>>, vector<16xf32>,
    %add3A_555 = arith.addi %mul3A_6, %get3A_552 : vector<16xi32>
    tpu.vector_store_idx %arg8[%add3A_555], %get3A_554 {add = true} : memref<1792xf32, #tpu.memory_space<vmem>>[vector<16xi32>], vector<16xf32>,
    tpu.vector_store_idx %arg9[%add3A_555], %broadcast_in_dim3A_3 {add = true} : memref<1792xf32, #tpu.memory_space<vmem>>[vector<16xi32>], vector<16xf32>,
    %get3A_556 = arith.constant 304 : index
    %get3A_557 = tpu.vector_load %arg7[%get3A_556] {strides = array<i32>} : memref<640xi32, #tpu.memory_space<vmem>>, vector<16xi32>,
    %get3A_558 = arith.constant 304 : index
    %get3A_559 = tpu.vector_load %arg6[%get3A_558] {strides = array<i32>} : memref<640xf32, #tpu.memory_space<vmem>>, vector<16xf32>,
    %add3A_560 = arith.addi %mul3A_6, %get3A_557 : vector<16xi32>
    tpu.vector_store_idx %arg8[%add3A_560], %get3A_559 {add = true} : memref<1792xf32, #tpu.memory_space<vmem>>[vector<16xi32>], vector<16xf32>,
    tpu.vector_store_idx %arg9[%add3A_560], %broadcast_in_dim3A_3 {add = true} : memref<1792xf32, #tpu.memory_space<vmem>>[vector<16xi32>], vector<16xf32>,
    %get3A_561 = arith.constant 320 : index
    %get3A_562 = tpu.vector_load %arg7[%get3A_561] {strides = array<i32>} : memref<640xi32, #tpu.memory_space<vmem>>, vector<16xi32>,
    %get3A_563 = arith.constant 320 : index
    %get3A_564 = tpu.vector_load %arg6[%get3A_563] {strides = array<i32>} : memref<640xf32, #tpu.memory_space<vmem>>, vector<16xf32>,
    %add3A_565 = arith.addi %mul3A_6, %get3A_562 : vector<16xi32>
    tpu.vector_store_idx %arg8[%add3A_565], %get3A_564 {add = true} : memref<1792xf32, #tpu.memory_space<vmem>>[vector<16xi32>], vector<16xf32>,
    tpu.vector_store_idx %arg9[%add3A_565], %broadcast_in_dim3A_3 {add = true} : memref<1792xf32, #tpu.memory_space<vmem>>[vector<16xi32>], vector<16xf32>,
    %get3A_566 = arith.constant 336 : index
    %get3A_567 = tpu.vector_load %arg7[%get3A_566] {strides = array<i32>} : memref<640xi32, #tpu.memory_space<vmem>>, vector<16xi32>,
    %get3A_568 = arith.constant 336 : index
    %get3A_569 = tpu.vector_load %arg6[%get3A_568] {strides = array<i32>} : memref<640xf32, #tpu.memory_space<vmem>>, vector<16xf32>,
    %add3A_570 = arith.addi %mul3A_6, %get3A_567 : vector<16xi32>
    tpu.vector_store_idx %arg8[%add3A_570], %get3A_569 {add = true} : memref<1792xf32, #tpu.memory_space<vmem>>[vector<16xi32>], vector<16xf32>,
    tpu.vector_store_idx %arg9[%add3A_570], %broadcast_in_dim3A_3 {add = true} : memref<1792xf32, #tpu.memory_space<vmem>>[vector<16xi32>], vector<16xf32>,
    %get3A_571 = arith.constant 352 : index
    %get3A_572 = tpu.vector_load %arg7[%get3A_571] {strides = array<i32>} : memref<640xi32, #tpu.memory_space<vmem>>, vector<16xi32>,
    %get3A_573 = arith.constant 352 : index
    %get3A_574 = tpu.vector_load %arg6[%get3A_573] {strides = array<i32>} : memref<640xf32, #tpu.memory_space<vmem>>, vector<16xf32>,
    %add3A_575 = arith.addi %mul3A_6, %get3A_572 : vector<16xi32>
    tpu.vector_store_idx %arg8[%add3A_575], %get3A_574 {add = true} : memref<1792xf32, #tpu.memory_space<vmem>>[vector<16xi32>], vector<16xf32>,
    tpu.vector_store_idx %arg9[%add3A_575], %broadcast_in_dim3A_3 {add = true} : memref<1792xf32, #tpu.memory_space<vmem>>[vector<16xi32>], vector<16xf32>,
    %get3A_576 = arith.constant 368 : index
    %get3A_577 = tpu.vector_load %arg7[%get3A_576] {strides = array<i32>} : memref<640xi32, #tpu.memory_space<vmem>>, vector<16xi32>,
    %get3A_578 = arith.constant 368 : index
    %get3A_579 = tpu.vector_load %arg6[%get3A_578] {strides = array<i32>} : memref<640xf32, #tpu.memory_space<vmem>>, vector<16xf32>,
    %add3A_580 = arith.addi %mul3A_6, %get3A_577 : vector<16xi32>
    tpu.vector_store_idx %arg8[%add3A_580], %get3A_579 {add = true} : memref<1792xf32, #tpu.memory_space<vmem>>[vector<16xi32>], vector<16xf32>,
    tpu.vector_store_idx %arg9[%add3A_580], %broadcast_in_dim3A_3 {add = true} : memref<1792xf32, #tpu.memory_space<vmem>>[vector<16xi32>], vector<16xf32>,
    %get3A_581 = arith.constant 384 : index
    %get3A_582 = tpu.vector_load %arg7[%get3A_581] {strides = array<i32>} : memref<640xi32, #tpu.memory_space<vmem>>, vector<16xi32>,
    %get3A_583 = arith.constant 384 : index
    %get3A_584 = tpu.vector_load %arg6[%get3A_583] {strides = array<i32>} : memref<640xf32, #tpu.memory_space<vmem>>, vector<16xf32>,
    %add3A_585 = arith.addi %mul3A_6, %get3A_582 : vector<16xi32>
    tpu.vector_store_idx %arg8[%add3A_585], %get3A_584 {add = true} : memref<1792xf32, #tpu.memory_space<vmem>>[vector<16xi32>], vector<16xf32>,
    tpu.vector_store_idx %arg9[%add3A_585], %broadcast_in_dim3A_3 {add = true} : memref<1792xf32, #tpu.memory_space<vmem>>[vector<16xi32>], vector<16xf32>,
    %ne3A_586 = arith.constant 15 : i32
    %ne3A_587 = arith.cmpi ne, %arg1, %ne3A_586 : i32
    %convert_element_type3A_588 = arith.extui %ne3A_587 : i1 to i32
    %cond3A_589 = arith.constant 0 : i32
    %cond3A_590 = arith.cmpi ne, %convert_element_type3A_588, %cond3A_589 : i32
    scf.if %cond3A_590 {
      %get3A_1302 = arith.constant 400 : index
      %get3A_1303 = tpu.vector_load %arg7[%get3A_1302] {strides = array<i32>} : memref<640xi32, #tpu.memory_space<vmem>>, vector<16xi32>,
      %get3A_1304 = arith.constant 400 : index
      %get3A_1305 = tpu.vector_load %arg6[%get3A_1304] {strides = array<i32>} : memref<640xf32, #tpu.memory_space<vmem>>, vector<16xf32>,
      %add3A_1306 = arith.addi %mul3A_6, %get3A_1303 : vector<16xi32>
      tpu.vector_store_idx %arg8[%add3A_1306], %get3A_1305 {add = true} : memref<1792xf32, #tpu.memory_space<vmem>>[vector<16xi32>], vector<16xf32>,
      tpu.vector_store_idx %arg9[%add3A_1306], %broadcast_in_dim3A_3 {add = true} : memref<1792xf32, #tpu.memory_space<vmem>>[vector<16xi32>], vector<16xf32>,
      %get3A_1307 = arith.constant 416 : index
      %get3A_1308 = tpu.vector_load %arg7[%get3A_1307] {strides = array<i32>} : memref<640xi32, #tpu.memory_space<vmem>>, vector<16xi32>,
      %get3A_1309 = arith.constant 416 : index
      %get3A_1310 = tpu.vector_load %arg6[%get3A_1309] {strides = array<i32>} : memref<640xf32, #tpu.memory_space<vmem>>, vector<16xf32>,
      %add3A_1311 = arith.addi %mul3A_6, %get3A_1308 : vector<16xi32>
      tpu.vector_store_idx %arg8[%add3A_1311], %get3A_1310 {add = true} : memref<1792xf32, #tpu.memory_space<vmem>>[vector<16xi32>], vector<16xf32>,
      tpu.vector_store_idx %arg9[%add3A_1311], %broadcast_in_dim3A_3 {add = true} : memref<1792xf32, #tpu.memory_space<vmem>>[vector<16xi32>], vector<16xf32>,
      %get3A_1312 = arith.constant 432 : index
      %get3A_1313 = tpu.vector_load %arg7[%get3A_1312] {strides = array<i32>} : memref<640xi32, #tpu.memory_space<vmem>>, vector<16xi32>,
      %get3A_1314 = arith.constant 432 : index
      %get3A_1315 = tpu.vector_load %arg6[%get3A_1314] {strides = array<i32>} : memref<640xf32, #tpu.memory_space<vmem>>, vector<16xf32>,
      %add3A_1316 = arith.addi %mul3A_6, %get3A_1313 : vector<16xi32>
      tpu.vector_store_idx %arg8[%add3A_1316], %get3A_1315 {add = true} : memref<1792xf32, #tpu.memory_space<vmem>>[vector<16xi32>], vector<16xf32>,
      tpu.vector_store_idx %arg9[%add3A_1316], %broadcast_in_dim3A_3 {add = true} : memref<1792xf32, #tpu.memory_space<vmem>>[vector<16xi32>], vector<16xf32>,
      %get3A_1317 = arith.constant 448 : index
      %get3A_1318 = tpu.vector_load %arg7[%get3A_1317] {strides = array<i32>} : memref<640xi32, #tpu.memory_space<vmem>>, vector<16xi32>,
      %get3A_1319 = arith.constant 448 : index
      %get3A_1320 = tpu.vector_load %arg6[%get3A_1319] {strides = array<i32>} : memref<640xf32, #tpu.memory_space<vmem>>, vector<16xf32>,
      %add3A_1321 = arith.addi %mul3A_6, %get3A_1318 : vector<16xi32>
      tpu.vector_store_idx %arg8[%add3A_1321], %get3A_1320 {add = true} : memref<1792xf32, #tpu.memory_space<vmem>>[vector<16xi32>], vector<16xf32>,
      tpu.vector_store_idx %arg9[%add3A_1321], %broadcast_in_dim3A_3 {add = true} : memref<1792xf32, #tpu.memory_space<vmem>>[vector<16xi32>], vector<16xf32>,
      %get3A_1322 = arith.constant 464 : index
      %get3A_1323 = tpu.vector_load %arg7[%get3A_1322] {strides = array<i32>} : memref<640xi32, #tpu.memory_space<vmem>>, vector<16xi32>,
      %get3A_1324 = arith.constant 464 : index
      %get3A_1325 = tpu.vector_load %arg6[%get3A_1324] {strides = array<i32>} : memref<640xf32, #tpu.memory_space<vmem>>, vector<16xf32>,
      %add3A_1326 = arith.addi %mul3A_6, %get3A_1323 : vector<16xi32>
      tpu.vector_store_idx %arg8[%add3A_1326], %get3A_1325 {add = true} : memref<1792xf32, #tpu.memory_space<vmem>>[vector<16xi32>], vector<16xf32>,
      tpu.vector_store_idx %arg9[%add3A_1326], %broadcast_in_dim3A_3 {add = true} : memref<1792xf32, #tpu.memory_space<vmem>>[vector<16xi32>], vector<16xf32>,
      %get3A_1327 = arith.constant 480 : index
      %get3A_1328 = tpu.vector_load %arg7[%get3A_1327] {strides = array<i32>} : memref<640xi32, #tpu.memory_space<vmem>>, vector<16xi32>,
      %get3A_1329 = arith.constant 480 : index
      %get3A_1330 = tpu.vector_load %arg6[%get3A_1329] {strides = array<i32>} : memref<640xf32, #tpu.memory_space<vmem>>, vector<16xf32>,
      %add3A_1331 = arith.addi %mul3A_6, %get3A_1328 : vector<16xi32>
      tpu.vector_store_idx %arg8[%add3A_1331], %get3A_1330 {add = true} : memref<1792xf32, #tpu.memory_space<vmem>>[vector<16xi32>], vector<16xf32>,
      tpu.vector_store_idx %arg9[%add3A_1331], %broadcast_in_dim3A_3 {add = true} : memref<1792xf32, #tpu.memory_space<vmem>>[vector<16xi32>], vector<16xf32>,
      %get3A_1332 = arith.constant 496 : index
      %get3A_1333 = tpu.vector_load %arg7[%get3A_1332] {strides = array<i32>} : memref<640xi32, #tpu.memory_space<vmem>>, vector<16xi32>,
      %get3A_1334 = arith.constant 496 : index
      %get3A_1335 = tpu.vector_load %arg6[%get3A_1334] {strides = array<i32>} : memref<640xf32, #tpu.memory_space<vmem>>, vector<16xf32>,
      %add3A_1336 = arith.addi %mul3A_6, %get3A_1333 : vector<16xi32>
      tpu.vector_store_idx %arg8[%add3A_1336], %get3A_1335 {add = true} : memref<1792xf32, #tpu.memory_space<vmem>>[vector<16xi32>], vector<16xf32>,
      tpu.vector_store_idx %arg9[%add3A_1336], %broadcast_in_dim3A_3 {add = true} : memref<1792xf32, #tpu.memory_space<vmem>>[vector<16xi32>], vector<16xf32>,
      %get3A_1337 = arith.constant 512 : index
      %get3A_1338 = tpu.vector_load %arg7[%get3A_1337] {strides = array<i32>} : memref<640xi32, #tpu.memory_space<vmem>>, vector<16xi32>,
      %get3A_1339 = arith.constant 512 : index
      %get3A_1340 = tpu.vector_load %arg6[%get3A_1339] {strides = array<i32>} : memref<640xf32, #tpu.memory_space<vmem>>, vector<16xf32>,
      %add3A_1341 = arith.addi %mul3A_6, %get3A_1338 : vector<16xi32>
      tpu.vector_store_idx %arg8[%add3A_1341], %get3A_1340 {add = true} : memref<1792xf32, #tpu.memory_space<vmem>>[vector<16xi32>], vector<16xf32>,
      tpu.vector_store_idx %arg9[%add3A_1341], %broadcast_in_dim3A_3 {add = true} : memref<1792xf32, #tpu.memory_space<vmem>>[vector<16xi32>], vector<16xf32>,
      %get3A_1342 = arith.constant 528 : index
      %get3A_1343 = tpu.vector_load %arg7[%get3A_1342] {strides = array<i32>} : memref<640xi32, #tpu.memory_space<vmem>>, vector<16xi32>,
      %get3A_1344 = arith.constant 528 : index
      %get3A_1345 = tpu.vector_load %arg6[%get3A_1344] {strides = array<i32>} : memref<640xf32, #tpu.memory_space<vmem>>, vector<16xf32>,
      %add3A_1346 = arith.addi %mul3A_6, %get3A_1343 : vector<16xi32>
      tpu.vector_store_idx %arg8[%add3A_1346], %get3A_1345 {add = true} : memref<1792xf32, #tpu.memory_space<vmem>>[vector<16xi32>], vector<16xf32>,
      tpu.vector_store_idx %arg9[%add3A_1346], %broadcast_in_dim3A_3 {add = true} : memref<1792xf32, #tpu.memory_space<vmem>>[vector<16xi32>], vector<16xf32>,
      %get3A_1347 = arith.constant 544 : index
      %get3A_1348 = tpu.vector_load %arg7[%get3A_1347] {strides = array<i32>} : memref<640xi32, #tpu.memory_space<vmem>>, vector<16xi32>,
      %get3A_1349 = arith.constant 544 : index
      %get3A_1350 = tpu.vector_load %arg6[%get3A_1349] {strides = array<i32>} : memref<640xf32, #tpu.memory_space<vmem>>, vector<16xf32>,
      %add3A_1351 = arith.addi %mul3A_6, %get3A_1348 : vector<16xi32>
      tpu.vector_store_idx %arg8[%add3A_1351], %get3A_1350 {add = true} : memref<1792xf32, #tpu.memory_space<vmem>>[vector<16xi32>], vector<16xf32>,
      tpu.vector_store_idx %arg9[%add3A_1351], %broadcast_in_dim3A_3 {add = true} : memref<1792xf32, #tpu.memory_space<vmem>>[vector<16xi32>], vector<16xf32>,
      %get3A_1352 = arith.constant 560 : index
      %get3A_1353 = tpu.vector_load %arg7[%get3A_1352] {strides = array<i32>} : memref<640xi32, #tpu.memory_space<vmem>>, vector<16xi32>,
      %get3A_1354 = arith.constant 560 : index
      %get3A_1355 = tpu.vector_load %arg6[%get3A_1354] {strides = array<i32>} : memref<640xf32, #tpu.memory_space<vmem>>, vector<16xf32>,
      %add3A_1356 = arith.addi %mul3A_6, %get3A_1353 : vector<16xi32>
      tpu.vector_store_idx %arg8[%add3A_1356], %get3A_1355 {add = true} : memref<1792xf32, #tpu.memory_space<vmem>>[vector<16xi32>], vector<16xf32>,
      tpu.vector_store_idx %arg9[%add3A_1356], %broadcast_in_dim3A_3 {add = true} : memref<1792xf32, #tpu.memory_space<vmem>>[vector<16xi32>], vector<16xf32>,
      %get3A_1357 = arith.constant 576 : index
      %get3A_1358 = tpu.vector_load %arg7[%get3A_1357] {strides = array<i32>} : memref<640xi32, #tpu.memory_space<vmem>>, vector<16xi32>,
      %get3A_1359 = arith.constant 576 : index
      %get3A_1360 = tpu.vector_load %arg6[%get3A_1359] {strides = array<i32>} : memref<640xf32, #tpu.memory_space<vmem>>, vector<16xf32>,
      %add3A_1361 = arith.addi %mul3A_6, %get3A_1358 : vector<16xi32>
      tpu.vector_store_idx %arg8[%add3A_1361], %get3A_1360 {add = true} : memref<1792xf32, #tpu.memory_space<vmem>>[vector<16xi32>], vector<16xf32>,
      tpu.vector_store_idx %arg9[%add3A_1361], %broadcast_in_dim3A_3 {add = true} : memref<1792xf32, #tpu.memory_space<vmem>>[vector<16xi32>], vector<16xf32>,
      %get3A_1362 = arith.constant 592 : index
      %get3A_1363 = tpu.vector_load %arg7[%get3A_1362] {strides = array<i32>} : memref<640xi32, #tpu.memory_space<vmem>>, vector<16xi32>,
      %get3A_1364 = arith.constant 592 : index
      %get3A_1365 = tpu.vector_load %arg6[%get3A_1364] {strides = array<i32>} : memref<640xf32, #tpu.memory_space<vmem>>, vector<16xf32>,
      %add3A_1366 = arith.addi %mul3A_6, %get3A_1363 : vector<16xi32>
      tpu.vector_store_idx %arg8[%add3A_1366], %get3A_1365 {add = true} : memref<1792xf32, #tpu.memory_space<vmem>>[vector<16xi32>], vector<16xf32>,
      tpu.vector_store_idx %arg9[%add3A_1366], %broadcast_in_dim3A_3 {add = true} : memref<1792xf32, #tpu.memory_space<vmem>>[vector<16xi32>], vector<16xf32>,
      %get3A_1367 = arith.constant 608 : index
      %get3A_1368 = tpu.vector_load %arg7[%get3A_1367] {strides = array<i32>} : memref<640xi32, #tpu.memory_space<vmem>>, vector<16xi32>,
      %get3A_1369 = arith.constant 608 : index
      %get3A_1370 = tpu.vector_load %arg6[%get3A_1369] {strides = array<i32>} : memref<640xf32, #tpu.memory_space<vmem>>, vector<16xf32>,
      %add3A_1371 = arith.addi %mul3A_6, %get3A_1368 : vector<16xi32>
      tpu.vector_store_idx %arg8[%add3A_1371], %get3A_1370 {add = true} : memref<1792xf32, #tpu.memory_space<vmem>>[vector<16xi32>], vector<16xf32>,
      tpu.vector_store_idx %arg9[%add3A_1371], %broadcast_in_dim3A_3 {add = true} : memref<1792xf32, #tpu.memory_space<vmem>>[vector<16xi32>], vector<16xf32>,
      %get3A_1372 = arith.constant 624 : index
      %get3A_1373 = tpu.vector_load %arg7[%get3A_1372] {strides = array<i32>} : memref<640xi32, #tpu.memory_space<vmem>>, vector<16xi32>,
      %get3A_1374 = arith.constant 624 : index
      %get3A_1375 = tpu.vector_load %arg6[%get3A_1374] {strides = array<i32>} : memref<640xf32, #tpu.memory_space<vmem>>, vector<16xf32>,
      %add3A_1376 = arith.addi %mul3A_6, %get3A_1373 : vector<16xi32>
      tpu.vector_store_idx %arg8[%add3A_1376], %get3A_1375 {add = true} : memref<1792xf32, #tpu.memory_space<vmem>>[vector<16xi32>], vector<16xf32>,
      tpu.vector_store_idx %arg9[%add3A_1376], %broadcast_in_dim3A_3 {add = true} : memref<1792xf32, #tpu.memory_space<vmem>>[vector<16xi32>], vector<16xf32>,
    } else {
    }
    %get3A_591 = arith.constant 0 : index
    %get3A_592 = tpu.vector_load %arg8[%get3A_591] {strides = array<i32>} : memref<1792xf32, #tpu.memory_space<vmem>>, vector<16xf32>,
    %add3A_593 = arith.addf %broadcast_in_dim3A_1, %get3A_592 : vector<16xf32>
    %get3A_594 = arith.constant 0 : index
    %get3A_595 = tpu.vector_load %arg9[%get3A_594] {strides = array<i32>} : memref<1792xf32, #tpu.memory_space<vmem>>, vector<16xf32>,
    %add3A_596 = arith.addf %broadcast_in_dim3A_1, %get3A_595 : vector<16xf32>
    %get3A_597 = arith.constant 112 : index
    %get3A_598 = tpu.vector_load %arg8[%get3A_597] {strides = array<i32>} : memref<1792xf32, #tpu.memory_space<vmem>>, vector<16xf32>,
    %add3A_599 = arith.addf %add3A_593, %get3A_598 : vector<16xf32>
    %get3A_600 = arith.constant 112 : index
    %get3A_601 = tpu.vector_load %arg9[%get3A_600] {strides = array<i32>} : memref<1792xf32, #tpu.memory_space<vmem>>, vector<16xf32>,
    %add3A_602 = arith.addf %add3A_596, %get3A_601 : vector<16xf32>
    %get3A_603 = arith.constant 224 : index
    %get3A_604 = tpu.vector_load %arg8[%get3A_603] {strides = array<i32>} : memref<1792xf32, #tpu.memory_space<vmem>>, vector<16xf32>,
    %add3A_605 = arith.addf %add3A_599, %get3A_604 : vector<16xf32>
    %get3A_606 = arith.constant 224 : index
    %get3A_607 = tpu.vector_load %arg9[%get3A_606] {strides = array<i32>} : memref<1792xf32, #tpu.memory_space<vmem>>, vector<16xf32>,
    %add3A_608 = arith.addf %add3A_602, %get3A_607 : vector<16xf32>
    %get3A_609 = arith.constant 336 : index
    %get3A_610 = tpu.vector_load %arg8[%get3A_609] {strides = array<i32>} : memref<1792xf32, #tpu.memory_space<vmem>>, vector<16xf32>,
    %add3A_611 = arith.addf %add3A_605, %get3A_610 : vector<16xf32>
    %get3A_612 = arith.constant 336 : index
    %get3A_613 = tpu.vector_load %arg9[%get3A_612] {strides = array<i32>} : memref<1792xf32, #tpu.memory_space<vmem>>, vector<16xf32>,
    %add3A_614 = arith.addf %add3A_608, %get3A_613 : vector<16xf32>
    %get3A_615 = arith.constant 448 : index
    %get3A_616 = tpu.vector_load %arg8[%get3A_615] {strides = array<i32>} : memref<1792xf32, #tpu.memory_space<vmem>>, vector<16xf32>,
    %add3A_617 = arith.addf %add3A_611, %get3A_616 : vector<16xf32>
    %get3A_618 = arith.constant 448 : index
    %get3A_619 = tpu.vector_load %arg9[%get3A_618] {strides = array<i32>} : memref<1792xf32, #tpu.memory_space<vmem>>, vector<16xf32>,
    %add3A_620 = arith.addf %add3A_614, %get3A_619 : vector<16xf32>
    %get3A_621 = arith.constant 560 : index
    %get3A_622 = tpu.vector_load %arg8[%get3A_621] {strides = array<i32>} : memref<1792xf32, #tpu.memory_space<vmem>>, vector<16xf32>,
    %add3A_623 = arith.addf %add3A_617, %get3A_622 : vector<16xf32>
    %get3A_624 = arith.constant 560 : index
    %get3A_625 = tpu.vector_load %arg9[%get3A_624] {strides = array<i32>} : memref<1792xf32, #tpu.memory_space<vmem>>, vector<16xf32>,
    %add3A_626 = arith.addf %add3A_620, %get3A_625 : vector<16xf32>
    %get3A_627 = arith.constant 672 : index
    %get3A_628 = tpu.vector_load %arg8[%get3A_627] {strides = array<i32>} : memref<1792xf32, #tpu.memory_space<vmem>>, vector<16xf32>,
    %add3A_629 = arith.addf %add3A_623, %get3A_628 : vector<16xf32>
    %get3A_630 = arith.constant 672 : index
    %get3A_631 = tpu.vector_load %arg9[%get3A_630] {strides = array<i32>} : memref<1792xf32, #tpu.memory_space<vmem>>, vector<16xf32>,
    %add3A_632 = arith.addf %add3A_626, %get3A_631 : vector<16xf32>
    %get3A_633 = arith.constant 784 : index
    %get3A_634 = tpu.vector_load %arg8[%get3A_633] {strides = array<i32>} : memref<1792xf32, #tpu.memory_space<vmem>>, vector<16xf32>,
    %add3A_635 = arith.addf %add3A_629, %get3A_634 : vector<16xf32>
    %get3A_636 = arith.constant 784 : index
    %get3A_637 = tpu.vector_load %arg9[%get3A_636] {strides = array<i32>} : memref<1792xf32, #tpu.memory_space<vmem>>, vector<16xf32>,
    %add3A_638 = arith.addf %add3A_632, %get3A_637 : vector<16xf32>
    %get3A_639 = arith.constant 896 : index
    %get3A_640 = tpu.vector_load %arg8[%get3A_639] {strides = array<i32>} : memref<1792xf32, #tpu.memory_space<vmem>>, vector<16xf32>,
    %add3A_641 = arith.addf %add3A_635, %get3A_640 : vector<16xf32>
    %get3A_642 = arith.constant 896 : index
    %get3A_643 = tpu.vector_load %arg9[%get3A_642] {strides = array<i32>} : memref<1792xf32, #tpu.memory_space<vmem>>, vector<16xf32>,
    %add3A_644 = arith.addf %add3A_638, %get3A_643 : vector<16xf32>
    %get3A_645 = arith.constant 1008 : index
    %get3A_646 = tpu.vector_load %arg8[%get3A_645] {strides = array<i32>} : memref<1792xf32, #tpu.memory_space<vmem>>, vector<16xf32>,
    %add3A_647 = arith.addf %add3A_641, %get3A_646 : vector<16xf32>
    %get3A_648 = arith.constant 1008 : index
    %get3A_649 = tpu.vector_load %arg9[%get3A_648] {strides = array<i32>} : memref<1792xf32, #tpu.memory_space<vmem>>, vector<16xf32>,
    %add3A_650 = arith.addf %add3A_644, %get3A_649 : vector<16xf32>
    %get3A_651 = arith.constant 1120 : index
    %get3A_652 = tpu.vector_load %arg8[%get3A_651] {strides = array<i32>} : memref<1792xf32, #tpu.memory_space<vmem>>, vector<16xf32>,
    %add3A_653 = arith.addf %add3A_647, %get3A_652 : vector<16xf32>
    %get3A_654 = arith.constant 1120 : index
    %get3A_655 = tpu.vector_load %arg9[%get3A_654] {strides = array<i32>} : memref<1792xf32, #tpu.memory_space<vmem>>, vector<16xf32>,
    %add3A_656 = arith.addf %add3A_650, %get3A_655 : vector<16xf32>
    %get3A_657 = arith.constant 1232 : index
    %get3A_658 = tpu.vector_load %arg8[%get3A_657] {strides = array<i32>} : memref<1792xf32, #tpu.memory_space<vmem>>, vector<16xf32>,
    %add3A_659 = arith.addf %add3A_653, %get3A_658 : vector<16xf32>
    %get3A_660 = arith.constant 1232 : index
    %get3A_661 = tpu.vector_load %arg9[%get3A_660] {strides = array<i32>} : memref<1792xf32, #tpu.memory_space<vmem>>, vector<16xf32>,
    %add3A_662 = arith.addf %add3A_656, %get3A_661 : vector<16xf32>
    %get3A_663 = arith.constant 1344 : index
    %get3A_664 = tpu.vector_load %arg8[%get3A_663] {strides = array<i32>} : memref<1792xf32, #tpu.memory_space<vmem>>, vector<16xf32>,
    %add3A_665 = arith.addf %add3A_659, %get3A_664 : vector<16xf32>
    %get3A_666 = arith.constant 1344 : index
    %get3A_667 = tpu.vector_load %arg9[%get3A_666] {strides = array<i32>} : memref<1792xf32, #tpu.memory_space<vmem>>, vector<16xf32>,
    %add3A_668 = arith.addf %add3A_662, %get3A_667 : vector<16xf32>
    %get3A_669 = arith.constant 1456 : index
    %get3A_670 = tpu.vector_load %arg8[%get3A_669] {strides = array<i32>} : memref<1792xf32, #tpu.memory_space<vmem>>, vector<16xf32>,
    %add3A_671 = arith.addf %add3A_665, %get3A_670 : vector<16xf32>
    %get3A_672 = arith.constant 1456 : index
    %get3A_673 = tpu.vector_load %arg9[%get3A_672] {strides = array<i32>} : memref<1792xf32, #tpu.memory_space<vmem>>, vector<16xf32>,
    %add3A_674 = arith.addf %add3A_668, %get3A_673 : vector<16xf32>
    %get3A_675 = arith.constant 1568 : index
    %get3A_676 = tpu.vector_load %arg8[%get3A_675] {strides = array<i32>} : memref<1792xf32, #tpu.memory_space<vmem>>, vector<16xf32>,
    %add3A_677 = arith.addf %add3A_671, %get3A_676 : vector<16xf32>
    %get3A_678 = arith.constant 1568 : index
    %get3A_679 = tpu.vector_load %arg9[%get3A_678] {strides = array<i32>} : memref<1792xf32, #tpu.memory_space<vmem>>, vector<16xf32>,
    %add3A_680 = arith.addf %add3A_674, %get3A_679 : vector<16xf32>
    %get3A_681 = arith.constant 1680 : index
    %get3A_682 = tpu.vector_load %arg8[%get3A_681] {strides = array<i32>} : memref<1792xf32, #tpu.memory_space<vmem>>, vector<16xf32>,
    %add3A_683 = arith.addf %add3A_677, %get3A_682 : vector<16xf32>
    %get3A_684 = arith.constant 1680 : index
    %get3A_685 = tpu.vector_load %arg9[%get3A_684] {strides = array<i32>} : memref<1792xf32, #tpu.memory_space<vmem>>, vector<16xf32>,
    %add3A_686 = arith.addf %add3A_680, %get3A_685 : vector<16xf32>
    %swap3A_687 = arith.constant 0 : index
    %swap3A_688 = tpu.vector_load %arg10[%swap3A_687] {strides = array<i32>} : memref<224xf32, #tpu.memory_space<vmem>>, vector<16xf32>,
    tpu.vector_store %arg10[%swap3A_687], %add3A_683 {strides = array<i32>} : memref<224xf32, #tpu.memory_space<vmem>>, vector<16xf32>,
    %swap3A_689 = arith.constant 112 : index
    %swap3A_690 = tpu.vector_load %arg10[%swap3A_689] {strides = array<i32>} : memref<224xf32, #tpu.memory_space<vmem>>, vector<16xf32>,
    tpu.vector_store %arg10[%swap3A_689], %add3A_686 {strides = array<i32>} : memref<224xf32, #tpu.memory_space<vmem>>, vector<16xf32>,
    %get3A_691 = arith.constant 16 : index
    %get3A_692 = tpu.vector_load %arg8[%get3A_691] {strides = array<i32>} : memref<1792xf32, #tpu.memory_space<vmem>>, vector<16xf32>,
    %add3A_693 = arith.addf %broadcast_in_dim3A_1, %get3A_692 : vector<16xf32>
    %get3A_694 = arith.constant 16 : index
    %get3A_695 = tpu.vector_load %arg9[%get3A_694] {strides = array<i32>} : memref<1792xf32, #tpu.memory_space<vmem>>, vector<16xf32>,
    %add3A_696 = arith.addf %broadcast_in_dim3A_1, %get3A_695 : vector<16xf32>
    %get3A_697 = arith.constant 128 : index
    %get3A_698 = tpu.vector_load %arg8[%get3A_697] {strides = array<i32>} : memref<1792xf32, #tpu.memory_space<vmem>>, vector<16xf32>,
    %add3A_699 = arith.addf %add3A_693, %get3A_698 : vector<16xf32>
    %get3A_700 = arith.constant 128 : index
    %get3A_701 = tpu.vector_load %arg9[%get3A_700] {strides = array<i32>} : memref<1792xf32, #tpu.memory_space<vmem>>, vector<16xf32>,
    %add3A_702 = arith.addf %add3A_696, %get3A_701 : vector<16xf32>
    %get3A_703 = arith.constant 240 : index
    %get3A_704 = tpu.vector_load %arg8[%get3A_703] {strides = array<i32>} : memref<1792xf32, #tpu.memory_space<vmem>>, vector<16xf32>,
    %add3A_705 = arith.addf %add3A_699, %get3A_704 : vector<16xf32>
    %get3A_706 = arith.constant 240 : index
    %get3A_707 = tpu.vector_load %arg9[%get3A_706] {strides = array<i32>} : memref<1792xf32, #tpu.memory_space<vmem>>, vector<16xf32>,
    %add3A_708 = arith.addf %add3A_702, %get3A_707 : vector<16xf32>
    %get3A_709 = arith.constant 352 : index
    %get3A_710 = tpu.vector_load %arg8[%get3A_709] {strides = array<i32>} : memref<1792xf32, #tpu.memory_space<vmem>>, vector<16xf32>,
    %add3A_711 = arith.addf %add3A_705, %get3A_710 : vector<16xf32>
    %get3A_712 = arith.constant 352 : index
    %get3A_713 = tpu.vector_load %arg9[%get3A_712] {strides = array<i32>} : memref<1792xf32, #tpu.memory_space<vmem>>, vector<16xf32>,
    %add3A_714 = arith.addf %add3A_708, %get3A_713 : vector<16xf32>
    %get3A_715 = arith.constant 464 : index
    %get3A_716 = tpu.vector_load %arg8[%get3A_715] {strides = array<i32>} : memref<1792xf32, #tpu.memory_space<vmem>>, vector<16xf32>,
    %add3A_717 = arith.addf %add3A_711, %get3A_716 : vector<16xf32>
    %get3A_718 = arith.constant 464 : index
    %get3A_719 = tpu.vector_load %arg9[%get3A_718] {strides = array<i32>} : memref<1792xf32, #tpu.memory_space<vmem>>, vector<16xf32>,
    %add3A_720 = arith.addf %add3A_714, %get3A_719 : vector<16xf32>
    %get3A_721 = arith.constant 576 : index
    %get3A_722 = tpu.vector_load %arg8[%get3A_721] {strides = array<i32>} : memref<1792xf32, #tpu.memory_space<vmem>>, vector<16xf32>,
    %add3A_723 = arith.addf %add3A_717, %get3A_722 : vector<16xf32>
    %get3A_724 = arith.constant 576 : index
    %get3A_725 = tpu.vector_load %arg9[%get3A_724] {strides = array<i32>} : memref<1792xf32, #tpu.memory_space<vmem>>, vector<16xf32>,
    %add3A_726 = arith.addf %add3A_720, %get3A_725 : vector<16xf32>
    %get3A_727 = arith.constant 688 : index
    %get3A_728 = tpu.vector_load %arg8[%get3A_727] {strides = array<i32>} : memref<1792xf32, #tpu.memory_space<vmem>>, vector<16xf32>,
    %add3A_729 = arith.addf %add3A_723, %get3A_728 : vector<16xf32>
    %get3A_730 = arith.constant 688 : index
    %get3A_731 = tpu.vector_load %arg9[%get3A_730] {strides = array<i32>} : memref<1792xf32, #tpu.memory_space<vmem>>, vector<16xf32>,
    %add3A_732 = arith.addf %add3A_726, %get3A_731 : vector<16xf32>
    %get3A_733 = arith.constant 800 : index
    %get3A_734 = tpu.vector_load %arg8[%get3A_733] {strides = array<i32>} : memref<1792xf32, #tpu.memory_space<vmem>>, vector<16xf32>,
    %add3A_735 = arith.addf %add3A_729, %get3A_734 : vector<16xf32>
    %get3A_736 = arith.constant 800 : index
    %get3A_737 = tpu.vector_load %arg9[%get3A_736] {strides = array<i32>} : memref<1792xf32, #tpu.memory_space<vmem>>, vector<16xf32>,
    %add3A_738 = arith.addf %add3A_732, %get3A_737 : vector<16xf32>
    %get3A_739 = arith.constant 912 : index
    %get3A_740 = tpu.vector_load %arg8[%get3A_739] {strides = array<i32>} : memref<1792xf32, #tpu.memory_space<vmem>>, vector<16xf32>,
    %add3A_741 = arith.addf %add3A_735, %get3A_740 : vector<16xf32>
    %get3A_742 = arith.constant 912 : index
    %get3A_743 = tpu.vector_load %arg9[%get3A_742] {strides = array<i32>} : memref<1792xf32, #tpu.memory_space<vmem>>, vector<16xf32>,
    %add3A_744 = arith.addf %add3A_738, %get3A_743 : vector<16xf32>
    %get3A_745 = arith.constant 1024 : index
    %get3A_746 = tpu.vector_load %arg8[%get3A_745] {strides = array<i32>} : memref<1792xf32, #tpu.memory_space<vmem>>, vector<16xf32>,
    %add3A_747 = arith.addf %add3A_741, %get3A_746 : vector<16xf32>
    %get3A_748 = arith.constant 1024 : index
    %get3A_749 = tpu.vector_load %arg9[%get3A_748] {strides = array<i32>} : memref<1792xf32, #tpu.memory_space<vmem>>, vector<16xf32>,
    %add3A_750 = arith.addf %add3A_744, %get3A_749 : vector<16xf32>
    %get3A_751 = arith.constant 1136 : index
    %get3A_752 = tpu.vector_load %arg8[%get3A_751] {strides = array<i32>} : memref<1792xf32, #tpu.memory_space<vmem>>, vector<16xf32>,
    %add3A_753 = arith.addf %add3A_747, %get3A_752 : vector<16xf32>
    %get3A_754 = arith.constant 1136 : index
    %get3A_755 = tpu.vector_load %arg9[%get3A_754] {strides = array<i32>} : memref<1792xf32, #tpu.memory_space<vmem>>, vector<16xf32>,
    %add3A_756 = arith.addf %add3A_750, %get3A_755 : vector<16xf32>
    %get3A_757 = arith.constant 1248 : index
    %get3A_758 = tpu.vector_load %arg8[%get3A_757] {strides = array<i32>} : memref<1792xf32, #tpu.memory_space<vmem>>, vector<16xf32>,
    %add3A_759 = arith.addf %add3A_753, %get3A_758 : vector<16xf32>
    %get3A_760 = arith.constant 1248 : index
    %get3A_761 = tpu.vector_load %arg9[%get3A_760] {strides = array<i32>} : memref<1792xf32, #tpu.memory_space<vmem>>, vector<16xf32>,
    %add3A_762 = arith.addf %add3A_756, %get3A_761 : vector<16xf32>
    %get3A_763 = arith.constant 1360 : index
    %get3A_764 = tpu.vector_load %arg8[%get3A_763] {strides = array<i32>} : memref<1792xf32, #tpu.memory_space<vmem>>, vector<16xf32>,
    %add3A_765 = arith.addf %add3A_759, %get3A_764 : vector<16xf32>
    %get3A_766 = arith.constant 1360 : index
    %get3A_767 = tpu.vector_load %arg9[%get3A_766] {strides = array<i32>} : memref<1792xf32, #tpu.memory_space<vmem>>, vector<16xf32>,
    %add3A_768 = arith.addf %add3A_762, %get3A_767 : vector<16xf32>
    %get3A_769 = arith.constant 1472 : index
    %get3A_770 = tpu.vector_load %arg8[%get3A_769] {strides = array<i32>} : memref<1792xf32, #tpu.memory_space<vmem>>, vector<16xf32>,
    %add3A_771 = arith.addf %add3A_765, %get3A_770 : vector<16xf32>
    %get3A_772 = arith.constant 1472 : index
    %get3A_773 = tpu.vector_load %arg9[%get3A_772] {strides = array<i32>} : memref<1792xf32, #tpu.memory_space<vmem>>, vector<16xf32>,
    %add3A_774 = arith.addf %add3A_768, %get3A_773 : vector<16xf32>
    %get3A_775 = arith.constant 1584 : index
    %get3A_776 = tpu.vector_load %arg8[%get3A_775] {strides = array<i32>} : memref<1792xf32, #tpu.memory_space<vmem>>, vector<16xf32>,
    %add3A_777 = arith.addf %add3A_771, %get3A_776 : vector<16xf32>
    %get3A_778 = arith.constant 1584 : index
    %get3A_779 = tpu.vector_load %arg9[%get3A_778] {strides = array<i32>} : memref<1792xf32, #tpu.memory_space<vmem>>, vector<16xf32>,
    %add3A_780 = arith.addf %add3A_774, %get3A_779 : vector<16xf32>
    %get3A_781 = arith.constant 1696 : index
    %get3A_782 = tpu.vector_load %arg8[%get3A_781] {strides = array<i32>} : memref<1792xf32, #tpu.memory_space<vmem>>, vector<16xf32>,
    %add3A_783 = arith.addf %add3A_777, %get3A_782 : vector<16xf32>
    %get3A_784 = arith.constant 1696 : index
    %get3A_785 = tpu.vector_load %arg9[%get3A_784] {strides = array<i32>} : memref<1792xf32, #tpu.memory_space<vmem>>, vector<16xf32>,
    %add3A_786 = arith.addf %add3A_780, %get3A_785 : vector<16xf32>
    %swap3A_787 = arith.constant 16 : index
    %swap3A_788 = tpu.vector_load %arg10[%swap3A_787] {strides = array<i32>} : memref<224xf32, #tpu.memory_space<vmem>>, vector<16xf32>,
    tpu.vector_store %arg10[%swap3A_787], %add3A_783 {strides = array<i32>} : memref<224xf32, #tpu.memory_space<vmem>>, vector<16xf32>,
    %swap3A_789 = arith.constant 128 : index
    %swap3A_790 = tpu.vector_load %arg10[%swap3A_789] {strides = array<i32>} : memref<224xf32, #tpu.memory_space<vmem>>, vector<16xf32>,
    tpu.vector_store %arg10[%swap3A_789], %add3A_786 {strides = array<i32>} : memref<224xf32, #tpu.memory_space<vmem>>, vector<16xf32>,
    %get3A_791 = arith.constant 32 : index
    %get3A_792 = tpu.vector_load %arg8[%get3A_791] {strides = array<i32>} : memref<1792xf32, #tpu.memory_space<vmem>>, vector<16xf32>,
    %add3A_793 = arith.addf %broadcast_in_dim3A_1, %get3A_792 : vector<16xf32>
    %get3A_794 = arith.constant 32 : index
    %get3A_795 = tpu.vector_load %arg9[%get3A_794] {strides = array<i32>} : memref<1792xf32, #tpu.memory_space<vmem>>, vector<16xf32>,
    %add3A_796 = arith.addf %broadcast_in_dim3A_1, %get3A_795 : vector<16xf32>
    %get3A_797 = arith.constant 144 : index
    %get3A_798 = tpu.vector_load %arg8[%get3A_797] {strides = array<i32>} : memref<1792xf32, #tpu.memory_space<vmem>>, vector<16xf32>,
    %add3A_799 = arith.addf %add3A_793, %get3A_798 : vector<16xf32>
    %get3A_800 = arith.constant 144 : index
    %get3A_801 = tpu.vector_load %arg9[%get3A_800] {strides = array<i32>} : memref<1792xf32, #tpu.memory_space<vmem>>, vector<16xf32>,
    %add3A_802 = arith.addf %add3A_796, %get3A_801 : vector<16xf32>
    %get3A_803 = arith.constant 256 : index
    %get3A_804 = tpu.vector_load %arg8[%get3A_803] {strides = array<i32>} : memref<1792xf32, #tpu.memory_space<vmem>>, vector<16xf32>,
    %add3A_805 = arith.addf %add3A_799, %get3A_804 : vector<16xf32>
    %get3A_806 = arith.constant 256 : index
    %get3A_807 = tpu.vector_load %arg9[%get3A_806] {strides = array<i32>} : memref<1792xf32, #tpu.memory_space<vmem>>, vector<16xf32>,
    %add3A_808 = arith.addf %add3A_802, %get3A_807 : vector<16xf32>
    %get3A_809 = arith.constant 368 : index
    %get3A_810 = tpu.vector_load %arg8[%get3A_809] {strides = array<i32>} : memref<1792xf32, #tpu.memory_space<vmem>>, vector<16xf32>,
    %add3A_811 = arith.addf %add3A_805, %get3A_810 : vector<16xf32>
    %get3A_812 = arith.constant 368 : index
    %get3A_813 = tpu.vector_load %arg9[%get3A_812] {strides = array<i32>} : memref<1792xf32, #tpu.memory_space<vmem>>, vector<16xf32>,
    %add3A_814 = arith.addf %add3A_808, %get3A_813 : vector<16xf32>
    %get3A_815 = arith.constant 480 : index
    %get3A_816 = tpu.vector_load %arg8[%get3A_815] {strides = array<i32>} : memref<1792xf32, #tpu.memory_space<vmem>>, vector<16xf32>,
    %add3A_817 = arith.addf %add3A_811, %get3A_816 : vector<16xf32>
    %get3A_818 = arith.constant 480 : index
    %get3A_819 = tpu.vector_load %arg9[%get3A_818] {strides = array<i32>} : memref<1792xf32, #tpu.memory_space<vmem>>, vector<16xf32>,
    %add3A_820 = arith.addf %add3A_814, %get3A_819 : vector<16xf32>
    %get3A_821 = arith.constant 592 : index
    %get3A_822 = tpu.vector_load %arg8[%get3A_821] {strides = array<i32>} : memref<1792xf32, #tpu.memory_space<vmem>>, vector<16xf32>,
    %add3A_823 = arith.addf %add3A_817, %get3A_822 : vector<16xf32>
    %get3A_824 = arith.constant 592 : index
    %get3A_825 = tpu.vector_load %arg9[%get3A_824] {strides = array<i32>} : memref<1792xf32, #tpu.memory_space<vmem>>, vector<16xf32>,
    %add3A_826 = arith.addf %add3A_820, %get3A_825 : vector<16xf32>
    %get3A_827 = arith.constant 704 : index
    %get3A_828 = tpu.vector_load %arg8[%get3A_827] {strides = array<i32>} : memref<1792xf32, #tpu.memory_space<vmem>>, vector<16xf32>,
    %add3A_829 = arith.addf %add3A_823, %get3A_828 : vector<16xf32>
    %get3A_830 = arith.constant 704 : index
    %get3A_831 = tpu.vector_load %arg9[%get3A_830] {strides = array<i32>} : memref<1792xf32, #tpu.memory_space<vmem>>, vector<16xf32>,
    %add3A_832 = arith.addf %add3A_826, %get3A_831 : vector<16xf32>
    %get3A_833 = arith.constant 816 : index
    %get3A_834 = tpu.vector_load %arg8[%get3A_833] {strides = array<i32>} : memref<1792xf32, #tpu.memory_space<vmem>>, vector<16xf32>,
    %add3A_835 = arith.addf %add3A_829, %get3A_834 : vector<16xf32>
    %get3A_836 = arith.constant 816 : index
    %get3A_837 = tpu.vector_load %arg9[%get3A_836] {strides = array<i32>} : memref<1792xf32, #tpu.memory_space<vmem>>, vector<16xf32>,
    %add3A_838 = arith.addf %add3A_832, %get3A_837 : vector<16xf32>
    %get3A_839 = arith.constant 928 : index
    %get3A_840 = tpu.vector_load %arg8[%get3A_839] {strides = array<i32>} : memref<1792xf32, #tpu.memory_space<vmem>>, vector<16xf32>,
    %add3A_841 = arith.addf %add3A_835, %get3A_840 : vector<16xf32>
    %get3A_842 = arith.constant 928 : index
    %get3A_843 = tpu.vector_load %arg9[%get3A_842] {strides = array<i32>} : memref<1792xf32, #tpu.memory_space<vmem>>, vector<16xf32>,
    %add3A_844 = arith.addf %add3A_838, %get3A_843 : vector<16xf32>
    %get3A_845 = arith.constant 1040 : index
    %get3A_846 = tpu.vector_load %arg8[%get3A_845] {strides = array<i32>} : memref<1792xf32, #tpu.memory_space<vmem>>, vector<16xf32>,
    %add3A_847 = arith.addf %add3A_841, %get3A_846 : vector<16xf32>
    %get3A_848 = arith.constant 1040 : index
    %get3A_849 = tpu.vector_load %arg9[%get3A_848] {strides = array<i32>} : memref<1792xf32, #tpu.memory_space<vmem>>, vector<16xf32>,
    %add3A_850 = arith.addf %add3A_844, %get3A_849 : vector<16xf32>
    %get3A_851 = arith.constant 1152 : index
    %get3A_852 = tpu.vector_load %arg8[%get3A_851] {strides = array<i32>} : memref<1792xf32, #tpu.memory_space<vmem>>, vector<16xf32>,
    %add3A_853 = arith.addf %add3A_847, %get3A_852 : vector<16xf32>
    %get3A_854 = arith.constant 1152 : index
    %get3A_855 = tpu.vector_load %arg9[%get3A_854] {strides = array<i32>} : memref<1792xf32, #tpu.memory_space<vmem>>, vector<16xf32>,
    %add3A_856 = arith.addf %add3A_850, %get3A_855 : vector<16xf32>
    %get3A_857 = arith.constant 1264 : index
    %get3A_858 = tpu.vector_load %arg8[%get3A_857] {strides = array<i32>} : memref<1792xf32, #tpu.memory_space<vmem>>, vector<16xf32>,
    %add3A_859 = arith.addf %add3A_853, %get3A_858 : vector<16xf32>
    %get3A_860 = arith.constant 1264 : index
    %get3A_861 = tpu.vector_load %arg9[%get3A_860] {strides = array<i32>} : memref<1792xf32, #tpu.memory_space<vmem>>, vector<16xf32>,
    %add3A_862 = arith.addf %add3A_856, %get3A_861 : vector<16xf32>
    %get3A_863 = arith.constant 1376 : index
    %get3A_864 = tpu.vector_load %arg8[%get3A_863] {strides = array<i32>} : memref<1792xf32, #tpu.memory_space<vmem>>, vector<16xf32>,
    %add3A_865 = arith.addf %add3A_859, %get3A_864 : vector<16xf32>
    %get3A_866 = arith.constant 1376 : index
    %get3A_867 = tpu.vector_load %arg9[%get3A_866] {strides = array<i32>} : memref<1792xf32, #tpu.memory_space<vmem>>, vector<16xf32>,
    %add3A_868 = arith.addf %add3A_862, %get3A_867 : vector<16xf32>
    %get3A_869 = arith.constant 1488 : index
    %get3A_870 = tpu.vector_load %arg8[%get3A_869] {strides = array<i32>} : memref<1792xf32, #tpu.memory_space<vmem>>, vector<16xf32>,
    %add3A_871 = arith.addf %add3A_865, %get3A_870 : vector<16xf32>
    %get3A_872 = arith.constant 1488 : index
    %get3A_873 = tpu.vector_load %arg9[%get3A_872] {strides = array<i32>} : memref<1792xf32, #tpu.memory_space<vmem>>, vector<16xf32>,
    %add3A_874 = arith.addf %add3A_868, %get3A_873 : vector<16xf32>
    %get3A_875 = arith.constant 1600 : index
    %get3A_876 = tpu.vector_load %arg8[%get3A_875] {strides = array<i32>} : memref<1792xf32, #tpu.memory_space<vmem>>, vector<16xf32>,
    %add3A_877 = arith.addf %add3A_871, %get3A_876 : vector<16xf32>
    %get3A_878 = arith.constant 1600 : index
    %get3A_879 = tpu.vector_load %arg9[%get3A_878] {strides = array<i32>} : memref<1792xf32, #tpu.memory_space<vmem>>, vector<16xf32>,
    %add3A_880 = arith.addf %add3A_874, %get3A_879 : vector<16xf32>
    %get3A_881 = arith.constant 1712 : index
    %get3A_882 = tpu.vector_load %arg8[%get3A_881] {strides = array<i32>} : memref<1792xf32, #tpu.memory_space<vmem>>, vector<16xf32>,
    %add3A_883 = arith.addf %add3A_877, %get3A_882 : vector<16xf32>
    %get3A_884 = arith.constant 1712 : index
    %get3A_885 = tpu.vector_load %arg9[%get3A_884] {strides = array<i32>} : memref<1792xf32, #tpu.memory_space<vmem>>, vector<16xf32>,
    %add3A_886 = arith.addf %add3A_880, %get3A_885 : vector<16xf32>
    %swap3A_887 = arith.constant 32 : index
    %swap3A_888 = tpu.vector_load %arg10[%swap3A_887] {strides = array<i32>} : memref<224xf32, #tpu.memory_space<vmem>>, vector<16xf32>,
    tpu.vector_store %arg10[%swap3A_887], %add3A_883 {strides = array<i32>} : memref<224xf32, #tpu.memory_space<vmem>>, vector<16xf32>,
    %swap3A_889 = arith.constant 144 : index
    %swap3A_890 = tpu.vector_load %arg10[%swap3A_889] {strides = array<i32>} : memref<224xf32, #tpu.memory_space<vmem>>, vector<16xf32>,
    tpu.vector_store %arg10[%swap3A_889], %add3A_886 {strides = array<i32>} : memref<224xf32, #tpu.memory_space<vmem>>, vector<16xf32>,
    %get3A_891 = arith.constant 48 : index
    %get3A_892 = tpu.vector_load %arg8[%get3A_891] {strides = array<i32>} : memref<1792xf32, #tpu.memory_space<vmem>>, vector<16xf32>,
    %add3A_893 = arith.addf %broadcast_in_dim3A_1, %get3A_892 : vector<16xf32>
    %get3A_894 = arith.constant 48 : index
    %get3A_895 = tpu.vector_load %arg9[%get3A_894] {strides = array<i32>} : memref<1792xf32, #tpu.memory_space<vmem>>, vector<16xf32>,
    %add3A_896 = arith.addf %broadcast_in_dim3A_1, %get3A_895 : vector<16xf32>
    %get3A_897 = arith.constant 160 : index
    %get3A_898 = tpu.vector_load %arg8[%get3A_897] {strides = array<i32>} : memref<1792xf32, #tpu.memory_space<vmem>>, vector<16xf32>,
    %add3A_899 = arith.addf %add3A_893, %get3A_898 : vector<16xf32>
    %get3A_900 = arith.constant 160 : index
    %get3A_901 = tpu.vector_load %arg9[%get3A_900] {strides = array<i32>} : memref<1792xf32, #tpu.memory_space<vmem>>, vector<16xf32>,
    %add3A_902 = arith.addf %add3A_896, %get3A_901 : vector<16xf32>
    %get3A_903 = arith.constant 272 : index
    %get3A_904 = tpu.vector_load %arg8[%get3A_903] {strides = array<i32>} : memref<1792xf32, #tpu.memory_space<vmem>>, vector<16xf32>,
    %add3A_905 = arith.addf %add3A_899, %get3A_904 : vector<16xf32>
    %get3A_906 = arith.constant 272 : index
    %get3A_907 = tpu.vector_load %arg9[%get3A_906] {strides = array<i32>} : memref<1792xf32, #tpu.memory_space<vmem>>, vector<16xf32>,
    %add3A_908 = arith.addf %add3A_902, %get3A_907 : vector<16xf32>
    %get3A_909 = arith.constant 384 : index
    %get3A_910 = tpu.vector_load %arg8[%get3A_909] {strides = array<i32>} : memref<1792xf32, #tpu.memory_space<vmem>>, vector<16xf32>,
    %add3A_911 = arith.addf %add3A_905, %get3A_910 : vector<16xf32>
    %get3A_912 = arith.constant 384 : index
    %get3A_913 = tpu.vector_load %arg9[%get3A_912] {strides = array<i32>} : memref<1792xf32, #tpu.memory_space<vmem>>, vector<16xf32>,
    %add3A_914 = arith.addf %add3A_908, %get3A_913 : vector<16xf32>
    %get3A_915 = arith.constant 496 : index
    %get3A_916 = tpu.vector_load %arg8[%get3A_915] {strides = array<i32>} : memref<1792xf32, #tpu.memory_space<vmem>>, vector<16xf32>,
    %add3A_917 = arith.addf %add3A_911, %get3A_916 : vector<16xf32>
    %get3A_918 = arith.constant 496 : index
    %get3A_919 = tpu.vector_load %arg9[%get3A_918] {strides = array<i32>} : memref<1792xf32, #tpu.memory_space<vmem>>, vector<16xf32>,
    %add3A_920 = arith.addf %add3A_914, %get3A_919 : vector<16xf32>
    %get3A_921 = arith.constant 608 : index
    %get3A_922 = tpu.vector_load %arg8[%get3A_921] {strides = array<i32>} : memref<1792xf32, #tpu.memory_space<vmem>>, vector<16xf32>,
    %add3A_923 = arith.addf %add3A_917, %get3A_922 : vector<16xf32>
    %get3A_924 = arith.constant 608 : index
    %get3A_925 = tpu.vector_load %arg9[%get3A_924] {strides = array<i32>} : memref<1792xf32, #tpu.memory_space<vmem>>, vector<16xf32>,
    %add3A_926 = arith.addf %add3A_920, %get3A_925 : vector<16xf32>
    %get3A_927 = arith.constant 720 : index
    %get3A_928 = tpu.vector_load %arg8[%get3A_927] {strides = array<i32>} : memref<1792xf32, #tpu.memory_space<vmem>>, vector<16xf32>,
    %add3A_929 = arith.addf %add3A_923, %get3A_928 : vector<16xf32>
    %get3A_930 = arith.constant 720 : index
    %get3A_931 = tpu.vector_load %arg9[%get3A_930] {strides = array<i32>} : memref<1792xf32, #tpu.memory_space<vmem>>, vector<16xf32>,
    %add3A_932 = arith.addf %add3A_926, %get3A_931 : vector<16xf32>
    %get3A_933 = arith.constant 832 : index
    %get3A_934 = tpu.vector_load %arg8[%get3A_933] {strides = array<i32>} : memref<1792xf32, #tpu.memory_space<vmem>>, vector<16xf32>,
    %add3A_935 = arith.addf %add3A_929, %get3A_934 : vector<16xf32>
    %get3A_936 = arith.constant 832 : index
    %get3A_937 = tpu.vector_load %arg9[%get3A_936] {strides = array<i32>} : memref<1792xf32, #tpu.memory_space<vmem>>, vector<16xf32>,
    %add3A_938 = arith.addf %add3A_932, %get3A_937 : vector<16xf32>
    %get3A_939 = arith.constant 944 : index
    %get3A_940 = tpu.vector_load %arg8[%get3A_939] {strides = array<i32>} : memref<1792xf32, #tpu.memory_space<vmem>>, vector<16xf32>,
    %add3A_941 = arith.addf %add3A_935, %get3A_940 : vector<16xf32>
    %get3A_942 = arith.constant 944 : index
    %get3A_943 = tpu.vector_load %arg9[%get3A_942] {strides = array<i32>} : memref<1792xf32, #tpu.memory_space<vmem>>, vector<16xf32>,
    %add3A_944 = arith.addf %add3A_938, %get3A_943 : vector<16xf32>
    %get3A_945 = arith.constant 1056 : index
    %get3A_946 = tpu.vector_load %arg8[%get3A_945] {strides = array<i32>} : memref<1792xf32, #tpu.memory_space<vmem>>, vector<16xf32>,
    %add3A_947 = arith.addf %add3A_941, %get3A_946 : vector<16xf32>
    %get3A_948 = arith.constant 1056 : index
    %get3A_949 = tpu.vector_load %arg9[%get3A_948] {strides = array<i32>} : memref<1792xf32, #tpu.memory_space<vmem>>, vector<16xf32>,
    %add3A_950 = arith.addf %add3A_944, %get3A_949 : vector<16xf32>
    %get3A_951 = arith.constant 1168 : index
    %get3A_952 = tpu.vector_load %arg8[%get3A_951] {strides = array<i32>} : memref<1792xf32, #tpu.memory_space<vmem>>, vector<16xf32>,
    %add3A_953 = arith.addf %add3A_947, %get3A_952 : vector<16xf32>
    %get3A_954 = arith.constant 1168 : index
    %get3A_955 = tpu.vector_load %arg9[%get3A_954] {strides = array<i32>} : memref<1792xf32, #tpu.memory_space<vmem>>, vector<16xf32>,
    %add3A_956 = arith.addf %add3A_950, %get3A_955 : vector<16xf32>
    %get3A_957 = arith.constant 1280 : index
    %get3A_958 = tpu.vector_load %arg8[%get3A_957] {strides = array<i32>} : memref<1792xf32, #tpu.memory_space<vmem>>, vector<16xf32>,
    %add3A_959 = arith.addf %add3A_953, %get3A_958 : vector<16xf32>
    %get3A_960 = arith.constant 1280 : index
    %get3A_961 = tpu.vector_load %arg9[%get3A_960] {strides = array<i32>} : memref<1792xf32, #tpu.memory_space<vmem>>, vector<16xf32>,
    %add3A_962 = arith.addf %add3A_956, %get3A_961 : vector<16xf32>
    %get3A_963 = arith.constant 1392 : index
    %get3A_964 = tpu.vector_load %arg8[%get3A_963] {strides = array<i32>} : memref<1792xf32, #tpu.memory_space<vmem>>, vector<16xf32>,
    %add3A_965 = arith.addf %add3A_959, %get3A_964 : vector<16xf32>
    %get3A_966 = arith.constant 1392 : index
    %get3A_967 = tpu.vector_load %arg9[%get3A_966] {strides = array<i32>} : memref<1792xf32, #tpu.memory_space<vmem>>, vector<16xf32>,
    %add3A_968 = arith.addf %add3A_962, %get3A_967 : vector<16xf32>
    %get3A_969 = arith.constant 1504 : index
    %get3A_970 = tpu.vector_load %arg8[%get3A_969] {strides = array<i32>} : memref<1792xf32, #tpu.memory_space<vmem>>, vector<16xf32>,
    %add3A_971 = arith.addf %add3A_965, %get3A_970 : vector<16xf32>
    %get3A_972 = arith.constant 1504 : index
    %get3A_973 = tpu.vector_load %arg9[%get3A_972] {strides = array<i32>} : memref<1792xf32, #tpu.memory_space<vmem>>, vector<16xf32>,
    %add3A_974 = arith.addf %add3A_968, %get3A_973 : vector<16xf32>
    %get3A_975 = arith.constant 1616 : index
    %get3A_976 = tpu.vector_load %arg8[%get3A_975] {strides = array<i32>} : memref<1792xf32, #tpu.memory_space<vmem>>, vector<16xf32>,
    %add3A_977 = arith.addf %add3A_971, %get3A_976 : vector<16xf32>
    %get3A_978 = arith.constant 1616 : index
    %get3A_979 = tpu.vector_load %arg9[%get3A_978] {strides = array<i32>} : memref<1792xf32, #tpu.memory_space<vmem>>, vector<16xf32>,
    %add3A_980 = arith.addf %add3A_974, %get3A_979 : vector<16xf32>
    %get3A_981 = arith.constant 1728 : index
    %get3A_982 = tpu.vector_load %arg8[%get3A_981] {strides = array<i32>} : memref<1792xf32, #tpu.memory_space<vmem>>, vector<16xf32>,
    %add3A_983 = arith.addf %add3A_977, %get3A_982 : vector<16xf32>
    %get3A_984 = arith.constant 1728 : index
    %get3A_985 = tpu.vector_load %arg9[%get3A_984] {strides = array<i32>} : memref<1792xf32, #tpu.memory_space<vmem>>, vector<16xf32>,
    %add3A_986 = arith.addf %add3A_980, %get3A_985 : vector<16xf32>
    %swap3A_987 = arith.constant 48 : index
    %swap3A_988 = tpu.vector_load %arg10[%swap3A_987] {strides = array<i32>} : memref<224xf32, #tpu.memory_space<vmem>>, vector<16xf32>,
    tpu.vector_store %arg10[%swap3A_987], %add3A_983 {strides = array<i32>} : memref<224xf32, #tpu.memory_space<vmem>>, vector<16xf32>,
    %swap3A_989 = arith.constant 160 : index
    %swap3A_990 = tpu.vector_load %arg10[%swap3A_989] {strides = array<i32>} : memref<224xf32, #tpu.memory_space<vmem>>, vector<16xf32>,
    tpu.vector_store %arg10[%swap3A_989], %add3A_986 {strides = array<i32>} : memref<224xf32, #tpu.memory_space<vmem>>, vector<16xf32>,
    %get3A_991 = arith.constant 64 : index
    %get3A_992 = tpu.vector_load %arg8[%get3A_991] {strides = array<i32>} : memref<1792xf32, #tpu.memory_space<vmem>>, vector<16xf32>,
    %add3A_993 = arith.addf %broadcast_in_dim3A_1, %get3A_992 : vector<16xf32>
    %get3A_994 = arith.constant 64 : index
    %get3A_995 = tpu.vector_load %arg9[%get3A_994] {strides = array<i32>} : memref<1792xf32, #tpu.memory_space<vmem>>, vector<16xf32>,
    %add3A_996 = arith.addf %broadcast_in_dim3A_1, %get3A_995 : vector<16xf32>
    %get3A_997 = arith.constant 176 : index
    %get3A_998 = tpu.vector_load %arg8[%get3A_997] {strides = array<i32>} : memref<1792xf32, #tpu.memory_space<vmem>>, vector<16xf32>,
    %add3A_999 = arith.addf %add3A_993, %get3A_998 : vector<16xf32>
    %get3A_1000 = arith.constant 176 : index
    %get3A_1001 = tpu.vector_load %arg9[%get3A_1000] {strides = array<i32>} : memref<1792xf32, #tpu.memory_space<vmem>>, vector<16xf32>,
    %add3A_1002 = arith.addf %add3A_996, %get3A_1001 : vector<16xf32>
    %get3A_1003 = arith.constant 288 : index
    %get3A_1004 = tpu.vector_load %arg8[%get3A_1003] {strides = array<i32>} : memref<1792xf32, #tpu.memory_space<vmem>>, vector<16xf32>,
    %add3A_1005 = arith.addf %add3A_999, %get3A_1004 : vector<16xf32>
    %get3A_1006 = arith.constant 288 : index
    %get3A_1007 = tpu.vector_load %arg9[%get3A_1006] {strides = array<i32>} : memref<1792xf32, #tpu.memory_space<vmem>>, vector<16xf32>,
    %add3A_1008 = arith.addf %add3A_1002, %get3A_1007 : vector<16xf32>
    %get3A_1009 = arith.constant 400 : index
    %get3A_1010 = tpu.vector_load %arg8[%get3A_1009] {strides = array<i32>} : memref<1792xf32, #tpu.memory_space<vmem>>, vector<16xf32>,
    %add3A_1011 = arith.addf %add3A_1005, %get3A_1010 : vector<16xf32>
    %get3A_1012 = arith.constant 400 : index
    %get3A_1013 = tpu.vector_load %arg9[%get3A_1012] {strides = array<i32>} : memref<1792xf32, #tpu.memory_space<vmem>>, vector<16xf32>,
    %add3A_1014 = arith.addf %add3A_1008, %get3A_1013 : vector<16xf32>
    %get3A_1015 = arith.constant 512 : index
    %get3A_1016 = tpu.vector_load %arg8[%get3A_1015] {strides = array<i32>} : memref<1792xf32, #tpu.memory_space<vmem>>, vector<16xf32>,
    %add3A_1017 = arith.addf %add3A_1011, %get3A_1016 : vector<16xf32>
    %get3A_1018 = arith.constant 512 : index
    %get3A_1019 = tpu.vector_load %arg9[%get3A_1018] {strides = array<i32>} : memref<1792xf32, #tpu.memory_space<vmem>>, vector<16xf32>,
    %add3A_1020 = arith.addf %add3A_1014, %get3A_1019 : vector<16xf32>
    %get3A_1021 = arith.constant 624 : index
    %get3A_1022 = tpu.vector_load %arg8[%get3A_1021] {strides = array<i32>} : memref<1792xf32, #tpu.memory_space<vmem>>, vector<16xf32>,
    %add3A_1023 = arith.addf %add3A_1017, %get3A_1022 : vector<16xf32>
    %get3A_1024 = arith.constant 624 : index
    %get3A_1025 = tpu.vector_load %arg9[%get3A_1024] {strides = array<i32>} : memref<1792xf32, #tpu.memory_space<vmem>>, vector<16xf32>,
    %add3A_1026 = arith.addf %add3A_1020, %get3A_1025 : vector<16xf32>
    %get3A_1027 = arith.constant 736 : index
    %get3A_1028 = tpu.vector_load %arg8[%get3A_1027] {strides = array<i32>} : memref<1792xf32, #tpu.memory_space<vmem>>, vector<16xf32>,
    %add3A_1029 = arith.addf %add3A_1023, %get3A_1028 : vector<16xf32>
    %get3A_1030 = arith.constant 736 : index
    %get3A_1031 = tpu.vector_load %arg9[%get3A_1030] {strides = array<i32>} : memref<1792xf32, #tpu.memory_space<vmem>>, vector<16xf32>,
    %add3A_1032 = arith.addf %add3A_1026, %get3A_1031 : vector<16xf32>
    %get3A_1033 = arith.constant 848 : index
    %get3A_1034 = tpu.vector_load %arg8[%get3A_1033] {strides = array<i32>} : memref<1792xf32, #tpu.memory_space<vmem>>, vector<16xf32>,
    %add3A_1035 = arith.addf %add3A_1029, %get3A_1034 : vector<16xf32>
    %get3A_1036 = arith.constant 848 : index
    %get3A_1037 = tpu.vector_load %arg9[%get3A_1036] {strides = array<i32>} : memref<1792xf32, #tpu.memory_space<vmem>>, vector<16xf32>,
    %add3A_1038 = arith.addf %add3A_1032, %get3A_1037 : vector<16xf32>
    %get3A_1039 = arith.constant 960 : index
    %get3A_1040 = tpu.vector_load %arg8[%get3A_1039] {strides = array<i32>} : memref<1792xf32, #tpu.memory_space<vmem>>, vector<16xf32>,
    %add3A_1041 = arith.addf %add3A_1035, %get3A_1040 : vector<16xf32>
    %get3A_1042 = arith.constant 960 : index
    %get3A_1043 = tpu.vector_load %arg9[%get3A_1042] {strides = array<i32>} : memref<1792xf32, #tpu.memory_space<vmem>>, vector<16xf32>,
    %add3A_1044 = arith.addf %add3A_1038, %get3A_1043 : vector<16xf32>
    %get3A_1045 = arith.constant 1072 : index
    %get3A_1046 = tpu.vector_load %arg8[%get3A_1045] {strides = array<i32>} : memref<1792xf32, #tpu.memory_space<vmem>>, vector<16xf32>,
    %add3A_1047 = arith.addf %add3A_1041, %get3A_1046 : vector<16xf32>
    %get3A_1048 = arith.constant 1072 : index
    %get3A_1049 = tpu.vector_load %arg9[%get3A_1048] {strides = array<i32>} : memref<1792xf32, #tpu.memory_space<vmem>>, vector<16xf32>,
    %add3A_1050 = arith.addf %add3A_1044, %get3A_1049 : vector<16xf32>
    %get3A_1051 = arith.constant 1184 : index
    %get3A_1052 = tpu.vector_load %arg8[%get3A_1051] {strides = array<i32>} : memref<1792xf32, #tpu.memory_space<vmem>>, vector<16xf32>,
    %add3A_1053 = arith.addf %add3A_1047, %get3A_1052 : vector<16xf32>
    %get3A_1054 = arith.constant 1184 : index
    %get3A_1055 = tpu.vector_load %arg9[%get3A_1054] {strides = array<i32>} : memref<1792xf32, #tpu.memory_space<vmem>>, vector<16xf32>,
    %add3A_1056 = arith.addf %add3A_1050, %get3A_1055 : vector<16xf32>
    %get3A_1057 = arith.constant 1296 : index
    %get3A_1058 = tpu.vector_load %arg8[%get3A_1057] {strides = array<i32>} : memref<1792xf32, #tpu.memory_space<vmem>>, vector<16xf32>,
    %add3A_1059 = arith.addf %add3A_1053, %get3A_1058 : vector<16xf32>
    %get3A_1060 = arith.constant 1296 : index
    %get3A_1061 = tpu.vector_load %arg9[%get3A_1060] {strides = array<i32>} : memref<1792xf32, #tpu.memory_space<vmem>>, vector<16xf32>,
    %add3A_1062 = arith.addf %add3A_1056, %get3A_1061 : vector<16xf32>
    %get3A_1063 = arith.constant 1408 : index
    %get3A_1064 = tpu.vector_load %arg8[%get3A_1063] {strides = array<i32>} : memref<1792xf32, #tpu.memory_space<vmem>>, vector<16xf32>,
    %add3A_1065 = arith.addf %add3A_1059, %get3A_1064 : vector<16xf32>
    %get3A_1066 = arith.constant 1408 : index
    %get3A_1067 = tpu.vector_load %arg9[%get3A_1066] {strides = array<i32>} : memref<1792xf32, #tpu.memory_space<vmem>>, vector<16xf32>,
    %add3A_1068 = arith.addf %add3A_1062, %get3A_1067 : vector<16xf32>
    %get3A_1069 = arith.constant 1520 : index
    %get3A_1070 = tpu.vector_load %arg8[%get3A_1069] {strides = array<i32>} : memref<1792xf32, #tpu.memory_space<vmem>>, vector<16xf32>,
    %add3A_1071 = arith.addf %add3A_1065, %get3A_1070 : vector<16xf32>
    %get3A_1072 = arith.constant 1520 : index
    %get3A_1073 = tpu.vector_load %arg9[%get3A_1072] {strides = array<i32>} : memref<1792xf32, #tpu.memory_space<vmem>>, vector<16xf32>,
    %add3A_1074 = arith.addf %add3A_1068, %get3A_1073 : vector<16xf32>
    %get3A_1075 = arith.constant 1632 : index
    %get3A_1076 = tpu.vector_load %arg8[%get3A_1075] {strides = array<i32>} : memref<1792xf32, #tpu.memory_space<vmem>>, vector<16xf32>,
    %add3A_1077 = arith.addf %add3A_1071, %get3A_1076 : vector<16xf32>
    %get3A_1078 = arith.constant 1632 : index
    %get3A_1079 = tpu.vector_load %arg9[%get3A_1078] {strides = array<i32>} : memref<1792xf32, #tpu.memory_space<vmem>>, vector<16xf32>,
    %add3A_1080 = arith.addf %add3A_1074, %get3A_1079 : vector<16xf32>
    %get3A_1081 = arith.constant 1744 : index
    %get3A_1082 = tpu.vector_load %arg8[%get3A_1081] {strides = array<i32>} : memref<1792xf32, #tpu.memory_space<vmem>>, vector<16xf32>,
    %add3A_1083 = arith.addf %add3A_1077, %get3A_1082 : vector<16xf32>
    %get3A_1084 = arith.constant 1744 : index
    %get3A_1085 = tpu.vector_load %arg9[%get3A_1084] {strides = array<i32>} : memref<1792xf32, #tpu.memory_space<vmem>>, vector<16xf32>,
    %add3A_1086 = arith.addf %add3A_1080, %get3A_1085 : vector<16xf32>
    %swap3A_1087 = arith.constant 64 : index
    %swap3A_1088 = tpu.vector_load %arg10[%swap3A_1087] {strides = array<i32>} : memref<224xf32, #tpu.memory_space<vmem>>, vector<16xf32>,
    tpu.vector_store %arg10[%swap3A_1087], %add3A_1083 {strides = array<i32>} : memref<224xf32, #tpu.memory_space<vmem>>, vector<16xf32>,
    %swap3A_1089 = arith.constant 176 : index
    %swap3A_1090 = tpu.vector_load %arg10[%swap3A_1089] {strides = array<i32>} : memref<224xf32, #tpu.memory_space<vmem>>, vector<16xf32>,
    tpu.vector_store %arg10[%swap3A_1089], %add3A_1086 {strides = array<i32>} : memref<224xf32, #tpu.memory_space<vmem>>, vector<16xf32>,
    %get3A_1091 = arith.constant 80 : index
    %get3A_1092 = tpu.vector_load %arg8[%get3A_1091] {strides = array<i32>} : memref<1792xf32, #tpu.memory_space<vmem>>, vector<16xf32>,
    %add3A_1093 = arith.addf %broadcast_in_dim3A_1, %get3A_1092 : vector<16xf32>
    %get3A_1094 = arith.constant 80 : index
    %get3A_1095 = tpu.vector_load %arg9[%get3A_1094] {strides = array<i32>} : memref<1792xf32, #tpu.memory_space<vmem>>, vector<16xf32>,
    %add3A_1096 = arith.addf %broadcast_in_dim3A_1, %get3A_1095 : vector<16xf32>
    %get3A_1097 = arith.constant 192 : index
    %get3A_1098 = tpu.vector_load %arg8[%get3A_1097] {strides = array<i32>} : memref<1792xf32, #tpu.memory_space<vmem>>, vector<16xf32>,
    %add3A_1099 = arith.addf %add3A_1093, %get3A_1098 : vector<16xf32>
    %get3A_1100 = arith.constant 192 : index
    %get3A_1101 = tpu.vector_load %arg9[%get3A_1100] {strides = array<i32>} : memref<1792xf32, #tpu.memory_space<vmem>>, vector<16xf32>,
    %add3A_1102 = arith.addf %add3A_1096, %get3A_1101 : vector<16xf32>
    %get3A_1103 = arith.constant 304 : index
    %get3A_1104 = tpu.vector_load %arg8[%get3A_1103] {strides = array<i32>} : memref<1792xf32, #tpu.memory_space<vmem>>, vector<16xf32>,
    %add3A_1105 = arith.addf %add3A_1099, %get3A_1104 : vector<16xf32>
    %get3A_1106 = arith.constant 304 : index
    %get3A_1107 = tpu.vector_load %arg9[%get3A_1106] {strides = array<i32>} : memref<1792xf32, #tpu.memory_space<vmem>>, vector<16xf32>,
    %add3A_1108 = arith.addf %add3A_1102, %get3A_1107 : vector<16xf32>
    %get3A_1109 = arith.constant 416 : index
    %get3A_1110 = tpu.vector_load %arg8[%get3A_1109] {strides = array<i32>} : memref<1792xf32, #tpu.memory_space<vmem>>, vector<16xf32>,
    %add3A_1111 = arith.addf %add3A_1105, %get3A_1110 : vector<16xf32>
    %get3A_1112 = arith.constant 416 : index
    %get3A_1113 = tpu.vector_load %arg9[%get3A_1112] {strides = array<i32>} : memref<1792xf32, #tpu.memory_space<vmem>>, vector<16xf32>,
    %add3A_1114 = arith.addf %add3A_1108, %get3A_1113 : vector<16xf32>
    %get3A_1115 = arith.constant 528 : index
    %get3A_1116 = tpu.vector_load %arg8[%get3A_1115] {strides = array<i32>} : memref<1792xf32, #tpu.memory_space<vmem>>, vector<16xf32>,
    %add3A_1117 = arith.addf %add3A_1111, %get3A_1116 : vector<16xf32>
    %get3A_1118 = arith.constant 528 : index
    %get3A_1119 = tpu.vector_load %arg9[%get3A_1118] {strides = array<i32>} : memref<1792xf32, #tpu.memory_space<vmem>>, vector<16xf32>,
    %add3A_1120 = arith.addf %add3A_1114, %get3A_1119 : vector<16xf32>
    %get3A_1121 = arith.constant 640 : index
    %get3A_1122 = tpu.vector_load %arg8[%get3A_1121] {strides = array<i32>} : memref<1792xf32, #tpu.memory_space<vmem>>, vector<16xf32>,
    %add3A_1123 = arith.addf %add3A_1117, %get3A_1122 : vector<16xf32>
    %get3A_1124 = arith.constant 640 : index
    %get3A_1125 = tpu.vector_load %arg9[%get3A_1124] {strides = array<i32>} : memref<1792xf32, #tpu.memory_space<vmem>>, vector<16xf32>,
    %add3A_1126 = arith.addf %add3A_1120, %get3A_1125 : vector<16xf32>
    %get3A_1127 = arith.constant 752 : index
    %get3A_1128 = tpu.vector_load %arg8[%get3A_1127] {strides = array<i32>} : memref<1792xf32, #tpu.memory_space<vmem>>, vector<16xf32>,
    %add3A_1129 = arith.addf %add3A_1123, %get3A_1128 : vector<16xf32>
    %get3A_1130 = arith.constant 752 : index
    %get3A_1131 = tpu.vector_load %arg9[%get3A_1130] {strides = array<i32>} : memref<1792xf32, #tpu.memory_space<vmem>>, vector<16xf32>,
    %add3A_1132 = arith.addf %add3A_1126, %get3A_1131 : vector<16xf32>
    %get3A_1133 = arith.constant 864 : index
    %get3A_1134 = tpu.vector_load %arg8[%get3A_1133] {strides = array<i32>} : memref<1792xf32, #tpu.memory_space<vmem>>, vector<16xf32>,
    %add3A_1135 = arith.addf %add3A_1129, %get3A_1134 : vector<16xf32>
    %get3A_1136 = arith.constant 864 : index
    %get3A_1137 = tpu.vector_load %arg9[%get3A_1136] {strides = array<i32>} : memref<1792xf32, #tpu.memory_space<vmem>>, vector<16xf32>,
    %add3A_1138 = arith.addf %add3A_1132, %get3A_1137 : vector<16xf32>
    %get3A_1139 = arith.constant 976 : index
    %get3A_1140 = tpu.vector_load %arg8[%get3A_1139] {strides = array<i32>} : memref<1792xf32, #tpu.memory_space<vmem>>, vector<16xf32>,
    %add3A_1141 = arith.addf %add3A_1135, %get3A_1140 : vector<16xf32>
    %get3A_1142 = arith.constant 976 : index
    %get3A_1143 = tpu.vector_load %arg9[%get3A_1142] {strides = array<i32>} : memref<1792xf32, #tpu.memory_space<vmem>>, vector<16xf32>,
    %add3A_1144 = arith.addf %add3A_1138, %get3A_1143 : vector<16xf32>
    %get3A_1145 = arith.constant 1088 : index
    %get3A_1146 = tpu.vector_load %arg8[%get3A_1145] {strides = array<i32>} : memref<1792xf32, #tpu.memory_space<vmem>>, vector<16xf32>,
    %add3A_1147 = arith.addf %add3A_1141, %get3A_1146 : vector<16xf32>
    %get3A_1148 = arith.constant 1088 : index
    %get3A_1149 = tpu.vector_load %arg9[%get3A_1148] {strides = array<i32>} : memref<1792xf32, #tpu.memory_space<vmem>>, vector<16xf32>,
    %add3A_1150 = arith.addf %add3A_1144, %get3A_1149 : vector<16xf32>
    %get3A_1151 = arith.constant 1200 : index
    %get3A_1152 = tpu.vector_load %arg8[%get3A_1151] {strides = array<i32>} : memref<1792xf32, #tpu.memory_space<vmem>>, vector<16xf32>,
    %add3A_1153 = arith.addf %add3A_1147, %get3A_1152 : vector<16xf32>
    %get3A_1154 = arith.constant 1200 : index
    %get3A_1155 = tpu.vector_load %arg9[%get3A_1154] {strides = array<i32>} : memref<1792xf32, #tpu.memory_space<vmem>>, vector<16xf32>,
    %add3A_1156 = arith.addf %add3A_1150, %get3A_1155 : vector<16xf32>
    %get3A_1157 = arith.constant 1312 : index
    %get3A_1158 = tpu.vector_load %arg8[%get3A_1157] {strides = array<i32>} : memref<1792xf32, #tpu.memory_space<vmem>>, vector<16xf32>,
    %add3A_1159 = arith.addf %add3A_1153, %get3A_1158 : vector<16xf32>
    %get3A_1160 = arith.constant 1312 : index
    %get3A_1161 = tpu.vector_load %arg9[%get3A_1160] {strides = array<i32>} : memref<1792xf32, #tpu.memory_space<vmem>>, vector<16xf32>,
    %add3A_1162 = arith.addf %add3A_1156, %get3A_1161 : vector<16xf32>
    %get3A_1163 = arith.constant 1424 : index
    %get3A_1164 = tpu.vector_load %arg8[%get3A_1163] {strides = array<i32>} : memref<1792xf32, #tpu.memory_space<vmem>>, vector<16xf32>,
    %add3A_1165 = arith.addf %add3A_1159, %get3A_1164 : vector<16xf32>
    %get3A_1166 = arith.constant 1424 : index
    %get3A_1167 = tpu.vector_load %arg9[%get3A_1166] {strides = array<i32>} : memref<1792xf32, #tpu.memory_space<vmem>>, vector<16xf32>,
    %add3A_1168 = arith.addf %add3A_1162, %get3A_1167 : vector<16xf32>
    %get3A_1169 = arith.constant 1536 : index
    %get3A_1170 = tpu.vector_load %arg8[%get3A_1169] {strides = array<i32>} : memref<1792xf32, #tpu.memory_space<vmem>>, vector<16xf32>,
    %add3A_1171 = arith.addf %add3A_1165, %get3A_1170 : vector<16xf32>
    %get3A_1172 = arith.constant 1536 : index
    %get3A_1173 = tpu.vector_load %arg9[%get3A_1172] {strides = array<i32>} : memref<1792xf32, #tpu.memory_space<vmem>>, vector<16xf32>,
    %add3A_1174 = arith.addf %add3A_1168, %get3A_1173 : vector<16xf32>
    %get3A_1175 = arith.constant 1648 : index
    %get3A_1176 = tpu.vector_load %arg8[%get3A_1175] {strides = array<i32>} : memref<1792xf32, #tpu.memory_space<vmem>>, vector<16xf32>,
    %add3A_1177 = arith.addf %add3A_1171, %get3A_1176 : vector<16xf32>
    %get3A_1178 = arith.constant 1648 : index
    %get3A_1179 = tpu.vector_load %arg9[%get3A_1178] {strides = array<i32>} : memref<1792xf32, #tpu.memory_space<vmem>>, vector<16xf32>,
    %add3A_1180 = arith.addf %add3A_1174, %get3A_1179 : vector<16xf32>
    %get3A_1181 = arith.constant 1760 : index
    %get3A_1182 = tpu.vector_load %arg8[%get3A_1181] {strides = array<i32>} : memref<1792xf32, #tpu.memory_space<vmem>>, vector<16xf32>,
    %add3A_1183 = arith.addf %add3A_1177, %get3A_1182 : vector<16xf32>
    %get3A_1184 = arith.constant 1760 : index
    %get3A_1185 = tpu.vector_load %arg9[%get3A_1184] {strides = array<i32>} : memref<1792xf32, #tpu.memory_space<vmem>>, vector<16xf32>,
    %add3A_1186 = arith.addf %add3A_1180, %get3A_1185 : vector<16xf32>
    %swap3A_1187 = arith.constant 80 : index
    %swap3A_1188 = tpu.vector_load %arg10[%swap3A_1187] {strides = array<i32>} : memref<224xf32, #tpu.memory_space<vmem>>, vector<16xf32>,
    tpu.vector_store %arg10[%swap3A_1187], %add3A_1183 {strides = array<i32>} : memref<224xf32, #tpu.memory_space<vmem>>, vector<16xf32>,
    %swap3A_1189 = arith.constant 192 : index
    %swap3A_1190 = tpu.vector_load %arg10[%swap3A_1189] {strides = array<i32>} : memref<224xf32, #tpu.memory_space<vmem>>, vector<16xf32>,
    tpu.vector_store %arg10[%swap3A_1189], %add3A_1186 {strides = array<i32>} : memref<224xf32, #tpu.memory_space<vmem>>, vector<16xf32>,
    %get3A_1191 = arith.constant 96 : index
    %get3A_1192 = tpu.vector_load %arg8[%get3A_1191] {strides = array<i32>} : memref<1792xf32, #tpu.memory_space<vmem>>, vector<16xf32>,
    %add3A_1193 = arith.addf %broadcast_in_dim3A_1, %get3A_1192 : vector<16xf32>
    %get3A_1194 = arith.constant 96 : index
    %get3A_1195 = tpu.vector_load %arg9[%get3A_1194] {strides = array<i32>} : memref<1792xf32, #tpu.memory_space<vmem>>, vector<16xf32>,
    %add3A_1196 = arith.addf %broadcast_in_dim3A_1, %get3A_1195 : vector<16xf32>
    %get3A_1197 = arith.constant 208 : index
    %get3A_1198 = tpu.vector_load %arg8[%get3A_1197] {strides = array<i32>} : memref<1792xf32, #tpu.memory_space<vmem>>, vector<16xf32>,
    %add3A_1199 = arith.addf %add3A_1193, %get3A_1198 : vector<16xf32>
    %get3A_1200 = arith.constant 208 : index
    %get3A_1201 = tpu.vector_load %arg9[%get3A_1200] {strides = array<i32>} : memref<1792xf32, #tpu.memory_space<vmem>>, vector<16xf32>,
    %add3A_1202 = arith.addf %add3A_1196, %get3A_1201 : vector<16xf32>
    %get3A_1203 = arith.constant 320 : index
    %get3A_1204 = tpu.vector_load %arg8[%get3A_1203] {strides = array<i32>} : memref<1792xf32, #tpu.memory_space<vmem>>, vector<16xf32>,
    %add3A_1205 = arith.addf %add3A_1199, %get3A_1204 : vector<16xf32>
    %get3A_1206 = arith.constant 320 : index
    %get3A_1207 = tpu.vector_load %arg9[%get3A_1206] {strides = array<i32>} : memref<1792xf32, #tpu.memory_space<vmem>>, vector<16xf32>,
    %add3A_1208 = arith.addf %add3A_1202, %get3A_1207 : vector<16xf32>
    %get3A_1209 = arith.constant 432 : index
    %get3A_1210 = tpu.vector_load %arg8[%get3A_1209] {strides = array<i32>} : memref<1792xf32, #tpu.memory_space<vmem>>, vector<16xf32>,
    %add3A_1211 = arith.addf %add3A_1205, %get3A_1210 : vector<16xf32>
    %get3A_1212 = arith.constant 432 : index
    %get3A_1213 = tpu.vector_load %arg9[%get3A_1212] {strides = array<i32>} : memref<1792xf32, #tpu.memory_space<vmem>>, vector<16xf32>,
    %add3A_1214 = arith.addf %add3A_1208, %get3A_1213 : vector<16xf32>
    %get3A_1215 = arith.constant 544 : index
    %get3A_1216 = tpu.vector_load %arg8[%get3A_1215] {strides = array<i32>} : memref<1792xf32, #tpu.memory_space<vmem>>, vector<16xf32>,
    %add3A_1217 = arith.addf %add3A_1211, %get3A_1216 : vector<16xf32>
    %get3A_1218 = arith.constant 544 : index
    %get3A_1219 = tpu.vector_load %arg9[%get3A_1218] {strides = array<i32>} : memref<1792xf32, #tpu.memory_space<vmem>>, vector<16xf32>,
    %add3A_1220 = arith.addf %add3A_1214, %get3A_1219 : vector<16xf32>
    %get3A_1221 = arith.constant 656 : index
    %get3A_1222 = tpu.vector_load %arg8[%get3A_1221] {strides = array<i32>} : memref<1792xf32, #tpu.memory_space<vmem>>, vector<16xf32>,
    %add3A_1223 = arith.addf %add3A_1217, %get3A_1222 : vector<16xf32>
    %get3A_1224 = arith.constant 656 : index
    %get3A_1225 = tpu.vector_load %arg9[%get3A_1224] {strides = array<i32>} : memref<1792xf32, #tpu.memory_space<vmem>>, vector<16xf32>,
    %add3A_1226 = arith.addf %add3A_1220, %get3A_1225 : vector<16xf32>
    %get3A_1227 = arith.constant 768 : index
    %get3A_1228 = tpu.vector_load %arg8[%get3A_1227] {strides = array<i32>} : memref<1792xf32, #tpu.memory_space<vmem>>, vector<16xf32>,
    %add3A_1229 = arith.addf %add3A_1223, %get3A_1228 : vector<16xf32>
    %get3A_1230 = arith.constant 768 : index
    %get3A_1231 = tpu.vector_load %arg9[%get3A_1230] {strides = array<i32>} : memref<1792xf32, #tpu.memory_space<vmem>>, vector<16xf32>,
    %add3A_1232 = arith.addf %add3A_1226, %get3A_1231 : vector<16xf32>
    %get3A_1233 = arith.constant 880 : index
    %get3A_1234 = tpu.vector_load %arg8[%get3A_1233] {strides = array<i32>} : memref<1792xf32, #tpu.memory_space<vmem>>, vector<16xf32>,
    %add3A_1235 = arith.addf %add3A_1229, %get3A_1234 : vector<16xf32>
    %get3A_1236 = arith.constant 880 : index
    %get3A_1237 = tpu.vector_load %arg9[%get3A_1236] {strides = array<i32>} : memref<1792xf32, #tpu.memory_space<vmem>>, vector<16xf32>,
    %add3A_1238 = arith.addf %add3A_1232, %get3A_1237 : vector<16xf32>
    %get3A_1239 = arith.constant 992 : index
    %get3A_1240 = tpu.vector_load %arg8[%get3A_1239] {strides = array<i32>} : memref<1792xf32, #tpu.memory_space<vmem>>, vector<16xf32>,
    %add3A_1241 = arith.addf %add3A_1235, %get3A_1240 : vector<16xf32>
    %get3A_1242 = arith.constant 992 : index
    %get3A_1243 = tpu.vector_load %arg9[%get3A_1242] {strides = array<i32>} : memref<1792xf32, #tpu.memory_space<vmem>>, vector<16xf32>,
    %add3A_1244 = arith.addf %add3A_1238, %get3A_1243 : vector<16xf32>
    %get3A_1245 = arith.constant 1104 : index
    %get3A_1246 = tpu.vector_load %arg8[%get3A_1245] {strides = array<i32>} : memref<1792xf32, #tpu.memory_space<vmem>>, vector<16xf32>,
    %add3A_1247 = arith.addf %add3A_1241, %get3A_1246 : vector<16xf32>
    %get3A_1248 = arith.constant 1104 : index
    %get3A_1249 = tpu.vector_load %arg9[%get3A_1248] {strides = array<i32>} : memref<1792xf32, #tpu.memory_space<vmem>>, vector<16xf32>,
    %add3A_1250 = arith.addf %add3A_1244, %get3A_1249 : vector<16xf32>
    %get3A_1251 = arith.constant 1216 : index
    %get3A_1252 = tpu.vector_load %arg8[%get3A_1251] {strides = array<i32>} : memref<1792xf32, #tpu.memory_space<vmem>>, vector<16xf32>,
    %add3A_1253 = arith.addf %add3A_1247, %get3A_1252 : vector<16xf32>
    %get3A_1254 = arith.constant 1216 : index
    %get3A_1255 = tpu.vector_load %arg9[%get3A_1254] {strides = array<i32>} : memref<1792xf32, #tpu.memory_space<vmem>>, vector<16xf32>,
    %add3A_1256 = arith.addf %add3A_1250, %get3A_1255 : vector<16xf32>
    %get3A_1257 = arith.constant 1328 : index
    %get3A_1258 = tpu.vector_load %arg8[%get3A_1257] {strides = array<i32>} : memref<1792xf32, #tpu.memory_space<vmem>>, vector<16xf32>,
    %add3A_1259 = arith.addf %add3A_1253, %get3A_1258 : vector<16xf32>
    %get3A_1260 = arith.constant 1328 : index
    %get3A_1261 = tpu.vector_load %arg9[%get3A_1260] {strides = array<i32>} : memref<1792xf32, #tpu.memory_space<vmem>>, vector<16xf32>,
    %add3A_1262 = arith.addf %add3A_1256, %get3A_1261 : vector<16xf32>
    %get3A_1263 = arith.constant 1440 : index
    %get3A_1264 = tpu.vector_load %arg8[%get3A_1263] {strides = array<i32>} : memref<1792xf32, #tpu.memory_space<vmem>>, vector<16xf32>,
    %add3A_1265 = arith.addf %add3A_1259, %get3A_1264 : vector<16xf32>
    %get3A_1266 = arith.constant 1440 : index
    %get3A_1267 = tpu.vector_load %arg9[%get3A_1266] {strides = array<i32>} : memref<1792xf32, #tpu.memory_space<vmem>>, vector<16xf32>,
    %add3A_1268 = arith.addf %add3A_1262, %get3A_1267 : vector<16xf32>
    %get3A_1269 = arith.constant 1552 : index
    %get3A_1270 = tpu.vector_load %arg8[%get3A_1269] {strides = array<i32>} : memref<1792xf32, #tpu.memory_space<vmem>>, vector<16xf32>,
    %add3A_1271 = arith.addf %add3A_1265, %get3A_1270 : vector<16xf32>
    %get3A_1272 = arith.constant 1552 : index
    %get3A_1273 = tpu.vector_load %arg9[%get3A_1272] {strides = array<i32>} : memref<1792xf32, #tpu.memory_space<vmem>>, vector<16xf32>,
    %add3A_1274 = arith.addf %add3A_1268, %get3A_1273 : vector<16xf32>
    %get3A_1275 = arith.constant 1664 : index
    %get3A_1276 = tpu.vector_load %arg8[%get3A_1275] {strides = array<i32>} : memref<1792xf32, #tpu.memory_space<vmem>>, vector<16xf32>,
    %add3A_1277 = arith.addf %add3A_1271, %get3A_1276 : vector<16xf32>
    %get3A_1278 = arith.constant 1664 : index
    %get3A_1279 = tpu.vector_load %arg9[%get3A_1278] {strides = array<i32>} : memref<1792xf32, #tpu.memory_space<vmem>>, vector<16xf32>,
    %add3A_1280 = arith.addf %add3A_1274, %get3A_1279 : vector<16xf32>
    %get3A_1281 = arith.constant 1776 : index
    %get3A_1282 = tpu.vector_load %arg8[%get3A_1281] {strides = array<i32>} : memref<1792xf32, #tpu.memory_space<vmem>>, vector<16xf32>,
    %add3A_1283 = arith.addf %add3A_1277, %get3A_1282 : vector<16xf32>
    %get3A_1284 = arith.constant 1776 : index
    %get3A_1285 = tpu.vector_load %arg9[%get3A_1284] {strides = array<i32>} : memref<1792xf32, #tpu.memory_space<vmem>>, vector<16xf32>,
    %add3A_1286 = arith.addf %add3A_1280, %get3A_1285 : vector<16xf32>
    %swap3A_1287 = arith.constant 96 : index
    %swap3A_1288 = tpu.vector_load %arg10[%swap3A_1287] {strides = array<i32>} : memref<224xf32, #tpu.memory_space<vmem>>, vector<16xf32>,
    tpu.vector_store %arg10[%swap3A_1287], %add3A_1283 {strides = array<i32>} : memref<224xf32, #tpu.memory_space<vmem>>, vector<16xf32>,
    %swap3A_1289 = arith.constant 208 : index
    %swap3A_1290 = tpu.vector_load %arg10[%swap3A_1289] {strides = array<i32>} : memref<224xf32, #tpu.memory_space<vmem>>, vector<16xf32>,
    tpu.vector_store %arg10[%swap3A_1289], %add3A_1286 {strides = array<i32>} : memref<224xf32, #tpu.memory_space<vmem>>, vector<16xf32>,
    %eq3A_1291 = arith.constant 0 : i32
    %eq3A_1292 = arith.cmpi eq, %arg0, %eq3A_1291 : i32
    %convert_element_type3A_1293 = arith.extui %eq3A_1292 : i1 to i32
    %cond3A_1294 = arith.constant 0 : i32
    %cond3A_1295 = arith.cmpi ne, %convert_element_type3A_1293, %cond3A_1294 : i32
    scf.if %cond3A_1295 {
      "tpu.region"() ({
        %run_scoped3A = tpu.sem_alloc : memref<!tpu.dma_semaphore, #tpu.memory_space<semaphore_mem>>
        %dma_start3A = arith.constant 0 : i32
        %dma_start3A_1302 = tpu.memref_slice %arg5[%arg1, %dma_start3A] : memref<16x224xf32, #tpu.memory_space<hbm>> -> memref<1x224xf32, #tpu.memory_space<hbm>>
        %dma_start3A_1303 = tpu.memref_squeeze %dma_start3A_1302 : memref<1x224xf32, #tpu.memory_space<hbm>> -> memref<224xf32, #tpu.memory_space<hbm>>
        %dma_start3A_1304 = arith.constant 0 : i32
        %dma_start3A_1305 = tpu.memref_slice %arg5[%arg1, %dma_start3A_1304] : memref<16x224xf32, #tpu.memory_space<hbm>> -> memref<1x224xf32, #tpu.memory_space<hbm>>
        %dma_start3A_1306 = tpu.memref_squeeze %dma_start3A_1305 : memref<1x224xf32, #tpu.memory_space<hbm>> -> memref<224xf32, #tpu.memory_space<hbm>>
        tpu.enqueue_dma source(%arg10 : memref<224xf32, #tpu.memory_space<vmem>>) target(%dma_start3A_1306 : memref<224xf32, #tpu.memory_space<hbm>>) target_semaphore(%run_scoped3A : memref<!tpu.dma_semaphore, #tpu.memory_space<semaphore_mem>>)
        %dma_wait3A = arith.constant 0 : i32
        %dma_wait3A_1307 = tpu.memref_slice %arg5[%arg1, %dma_wait3A] : memref<16x224xf32, #tpu.memory_space<hbm>> -> memref<1x224xf32, #tpu.memory_space<hbm>>
        %dma_wait3A_1308 = tpu.memref_squeeze %dma_wait3A_1307 : memref<1x224xf32, #tpu.memory_space<hbm>> -> memref<224xf32, #tpu.memory_space<hbm>>
        %dma_wait3A_1309 = arith.constant 0 : i32
        %dma_wait3A_1310 = tpu.memref_slice %arg5[%arg1, %dma_wait3A_1309] : memref<16x224xf32, #tpu.memory_space<hbm>> -> memref<1x224xf32, #tpu.memory_space<hbm>>
        %dma_wait3A_1311 = tpu.memref_squeeze %dma_wait3A_1310 : memref<1x224xf32, #tpu.memory_space<hbm>> -> memref<224xf32, #tpu.memory_space<hbm>>
        tpu.wait_dma2 semaphore(%run_scoped3A : memref<!tpu.dma_semaphore, #tpu.memory_space<semaphore_mem>>) src(%arg10 : memref<224xf32, #tpu.memory_space<vmem>>) dst(%dma_wait3A_1311 : memref<224xf32, #tpu.memory_space<hbm>>)
        tpu.yield
      }) : () -> ()
    } else {
    }
    %barrier3A = arith.constant 0 : index
    tpu.barrier barrier_id(%barrier3A)
    %lt3A = arith.constant 7 : i32
    %lt3A_1296 = arith.cmpi slt, %arg1, %lt3A : i32
    %eq3A_1297 = arith.constant 0 : i32
    %eq3A_1298 = arith.cmpi eq, %arg0, %eq3A_1297 : i32
    %and3A = arith.andi %lt3A_1296, %eq3A_1298 : i1
    %convert_element_type3A_1299 = arith.extui %and3A : i1 to i32
    %cond3A_1300 = arith.constant 0 : i32
    %cond3A_1301 = arith.cmpi ne, %convert_element_type3A_1299, %cond3A_1300 : i32
    scf.if %cond3A_1301 {
      "tpu.region"() ({
        %run_scoped3A = tpu.sem_alloc : memref<!tpu.dma_semaphore, #tpu.memory_space<semaphore_mem>>
        tpu.enqueue_dma source(%arg5 : memref<16x224xf32, #tpu.memory_space<hbm>>) target(%arg12 : memref<16x224xf32, #tpu.memory_space<vmem>>) target_semaphore(%run_scoped3A : memref<!tpu.dma_semaphore, #tpu.memory_space<semaphore_mem>>)
        tpu.wait_dma2 semaphore(%run_scoped3A : memref<!tpu.dma_semaphore, #tpu.memory_space<semaphore_mem>>) src(%arg5 : memref<16x224xf32, #tpu.memory_space<hbm>>) dst(%arg12 : memref<16x224xf32, #tpu.memory_space<vmem>>)
        tpu.yield
      }) : () -> ()
      %broadcast_in_dim3A_1302 = arith.constant 0.000000e+00 : f32
      %broadcast_in_dim3A_1303 = vector.broadcast %broadcast_in_dim3A_1302 : f32 to vector<16xf32>
      %broadcast_in_dim3A_1304 = arith.constant 0.000000e+00 : f32
      %broadcast_in_dim3A_1305 = vector.broadcast %broadcast_in_dim3A_1304 : f32 to vector<16xf32>
      %mul3A_1306 = arith.constant 16 : i32
      %mul3A_1307 = arith.muli %arg1, %mul3A_1306 : i32
      %mul3A_1308 = arith.constant 16 : i32
      %mul3A_1309 = arith.muli %arg1, %mul3A_1308 : i32
      %add3A_1310 = arith.constant 112 : i32
      %add3A_1311 = arith.addi %add3A_1310, %mul3A_1309 : i32
      %get3A_1312 = arith.constant 0 : i64
      %get3A_1313 = arith.index_cast %get3A_1312 : i64 to index
      %get3A_1314 = arith.index_cast %mul3A_1307 : i32 to index
      %get3A_1315 = tpu.vector_load %arg12[%get3A_1313, %get3A_1314] {strides = array<i32>} : memref<16x224xf32, #tpu.memory_space<vmem>>, vector<16xf32>,
      %add3A_1316 = arith.addf %broadcast_in_dim3A_1303, %get3A_1315 : vector<16xf32>
      %get3A_1317 = arith.constant 0 : i64
      %get3A_1318 = arith.index_cast %get3A_1317 : i64 to index
      %get3A_1319 = arith.index_cast %add3A_1311 : i32 to index
      %get3A_1320 = tpu.vector_load %arg12[%get3A_1318, %get3A_1319] {strides = array<i32>} : memref<16x224xf32, #tpu.memory_space<vmem>>, vector<16xf32>,
      %add3A_1321 = arith.addf %broadcast_in_dim3A_1305, %get3A_1320 : vector<16xf32>
      %get3A_1322 = arith.constant 1 : i64
      %get3A_1323 = arith.index_cast %get3A_1322 : i64 to index
      %get3A_1324 = arith.index_cast %mul3A_1307 : i32 to index
      %get3A_1325 = tpu.vector_load %arg12[%get3A_1323, %get3A_1324] {strides = array<i32>} : memref<16x224xf32, #tpu.memory_space<vmem>>, vector<16xf32>,
      %add3A_1326 = arith.addf %add3A_1316, %get3A_1325 : vector<16xf32>
      %get3A_1327 = arith.constant 1 : i64
      %get3A_1328 = arith.index_cast %get3A_1327 : i64 to index
      %get3A_1329 = arith.index_cast %add3A_1311 : i32 to index
      %get3A_1330 = tpu.vector_load %arg12[%get3A_1328, %get3A_1329] {strides = array<i32>} : memref<16x224xf32, #tpu.memory_space<vmem>>, vector<16xf32>,
      %add3A_1331 = arith.addf %add3A_1321, %get3A_1330 : vector<16xf32>
      %get3A_1332 = arith.constant 2 : i64
      %get3A_1333 = arith.index_cast %get3A_1332 : i64 to index
      %get3A_1334 = arith.index_cast %mul3A_1307 : i32 to index
      %get3A_1335 = tpu.vector_load %arg12[%get3A_1333, %get3A_1334] {strides = array<i32>} : memref<16x224xf32, #tpu.memory_space<vmem>>, vector<16xf32>,
      %add3A_1336 = arith.addf %add3A_1326, %get3A_1335 : vector<16xf32>
      %get3A_1337 = arith.constant 2 : i64
      %get3A_1338 = arith.index_cast %get3A_1337 : i64 to index
      %get3A_1339 = arith.index_cast %add3A_1311 : i32 to index
      %get3A_1340 = tpu.vector_load %arg12[%get3A_1338, %get3A_1339] {strides = array<i32>} : memref<16x224xf32, #tpu.memory_space<vmem>>, vector<16xf32>,
      %add3A_1341 = arith.addf %add3A_1331, %get3A_1340 : vector<16xf32>
      %get3A_1342 = arith.constant 3 : i64
      %get3A_1343 = arith.index_cast %get3A_1342 : i64 to index
      %get3A_1344 = arith.index_cast %mul3A_1307 : i32 to index
      %get3A_1345 = tpu.vector_load %arg12[%get3A_1343, %get3A_1344] {strides = array<i32>} : memref<16x224xf32, #tpu.memory_space<vmem>>, vector<16xf32>,
      %add3A_1346 = arith.addf %add3A_1336, %get3A_1345 : vector<16xf32>
      %get3A_1347 = arith.constant 3 : i64
      %get3A_1348 = arith.index_cast %get3A_1347 : i64 to index
      %get3A_1349 = arith.index_cast %add3A_1311 : i32 to index
      %get3A_1350 = tpu.vector_load %arg12[%get3A_1348, %get3A_1349] {strides = array<i32>} : memref<16x224xf32, #tpu.memory_space<vmem>>, vector<16xf32>,
      %add3A_1351 = arith.addf %add3A_1341, %get3A_1350 : vector<16xf32>
      %get3A_1352 = arith.constant 4 : i64
      %get3A_1353 = arith.index_cast %get3A_1352 : i64 to index
      %get3A_1354 = arith.index_cast %mul3A_1307 : i32 to index
      %get3A_1355 = tpu.vector_load %arg12[%get3A_1353, %get3A_1354] {strides = array<i32>} : memref<16x224xf32, #tpu.memory_space<vmem>>, vector<16xf32>,
      %add3A_1356 = arith.addf %add3A_1346, %get3A_1355 : vector<16xf32>
      %get3A_1357 = arith.constant 4 : i64
      %get3A_1358 = arith.index_cast %get3A_1357 : i64 to index
      %get3A_1359 = arith.index_cast %add3A_1311 : i32 to index
      %get3A_1360 = tpu.vector_load %arg12[%get3A_1358, %get3A_1359] {strides = array<i32>} : memref<16x224xf32, #tpu.memory_space<vmem>>, vector<16xf32>,
      %add3A_1361 = arith.addf %add3A_1351, %get3A_1360 : vector<16xf32>
      %get3A_1362 = arith.constant 5 : i64
      %get3A_1363 = arith.index_cast %get3A_1362 : i64 to index
      %get3A_1364 = arith.index_cast %mul3A_1307 : i32 to index
      %get3A_1365 = tpu.vector_load %arg12[%get3A_1363, %get3A_1364] {strides = array<i32>} : memref<16x224xf32, #tpu.memory_space<vmem>>, vector<16xf32>,
      %add3A_1366 = arith.addf %add3A_1356, %get3A_1365 : vector<16xf32>
      %get3A_1367 = arith.constant 5 : i64
      %get3A_1368 = arith.index_cast %get3A_1367 : i64 to index
      %get3A_1369 = arith.index_cast %add3A_1311 : i32 to index
      %get3A_1370 = tpu.vector_load %arg12[%get3A_1368, %get3A_1369] {strides = array<i32>} : memref<16x224xf32, #tpu.memory_space<vmem>>, vector<16xf32>,
      %add3A_1371 = arith.addf %add3A_1361, %get3A_1370 : vector<16xf32>
      %get3A_1372 = arith.constant 6 : i64
      %get3A_1373 = arith.index_cast %get3A_1372 : i64 to index
      %get3A_1374 = arith.index_cast %mul3A_1307 : i32 to index
      %get3A_1375 = tpu.vector_load %arg12[%get3A_1373, %get3A_1374] {strides = array<i32>} : memref<16x224xf32, #tpu.memory_space<vmem>>, vector<16xf32>,
      %add3A_1376 = arith.addf %add3A_1366, %get3A_1375 : vector<16xf32>
      %get3A_1377 = arith.constant 6 : i64
      %get3A_1378 = arith.index_cast %get3A_1377 : i64 to index
      %get3A_1379 = arith.index_cast %add3A_1311 : i32 to index
      %get3A_1380 = tpu.vector_load %arg12[%get3A_1378, %get3A_1379] {strides = array<i32>} : memref<16x224xf32, #tpu.memory_space<vmem>>, vector<16xf32>,
      %add3A_1381 = arith.addf %add3A_1371, %get3A_1380 : vector<16xf32>
      %get3A_1382 = arith.constant 7 : i64
      %get3A_1383 = arith.index_cast %get3A_1382 : i64 to index
      %get3A_1384 = arith.index_cast %mul3A_1307 : i32 to index
      %get3A_1385 = tpu.vector_load %arg12[%get3A_1383, %get3A_1384] {strides = array<i32>} : memref<16x224xf32, #tpu.memory_space<vmem>>, vector<16xf32>,
      %add3A_1386 = arith.addf %add3A_1376, %get3A_1385 : vector<16xf32>
      %get3A_1387 = arith.constant 7 : i64
      %get3A_1388 = arith.index_cast %get3A_1387 : i64 to index
      %get3A_1389 = arith.index_cast %add3A_1311 : i32 to index
      %get3A_1390 = tpu.vector_load %arg12[%get3A_1388, %get3A_1389] {strides = array<i32>} : memref<16x224xf32, #tpu.memory_space<vmem>>, vector<16xf32>,
      %add3A_1391 = arith.addf %add3A_1381, %get3A_1390 : vector<16xf32>
      %get3A_1392 = arith.constant 8 : i64
      %get3A_1393 = arith.index_cast %get3A_1392 : i64 to index
      %get3A_1394 = arith.index_cast %mul3A_1307 : i32 to index
      %get3A_1395 = tpu.vector_load %arg12[%get3A_1393, %get3A_1394] {strides = array<i32>} : memref<16x224xf32, #tpu.memory_space<vmem>>, vector<16xf32>,
      %add3A_1396 = arith.addf %add3A_1386, %get3A_1395 : vector<16xf32>
      %get3A_1397 = arith.constant 8 : i64
      %get3A_1398 = arith.index_cast %get3A_1397 : i64 to index
      %get3A_1399 = arith.index_cast %add3A_1311 : i32 to index
      %get3A_1400 = tpu.vector_load %arg12[%get3A_1398, %get3A_1399] {strides = array<i32>} : memref<16x224xf32, #tpu.memory_space<vmem>>, vector<16xf32>,
      %add3A_1401 = arith.addf %add3A_1391, %get3A_1400 : vector<16xf32>
      %get3A_1402 = arith.constant 9 : i64
      %get3A_1403 = arith.index_cast %get3A_1402 : i64 to index
      %get3A_1404 = arith.index_cast %mul3A_1307 : i32 to index
      %get3A_1405 = tpu.vector_load %arg12[%get3A_1403, %get3A_1404] {strides = array<i32>} : memref<16x224xf32, #tpu.memory_space<vmem>>, vector<16xf32>,
      %add3A_1406 = arith.addf %add3A_1396, %get3A_1405 : vector<16xf32>
      %get3A_1407 = arith.constant 9 : i64
      %get3A_1408 = arith.index_cast %get3A_1407 : i64 to index
      %get3A_1409 = arith.index_cast %add3A_1311 : i32 to index
      %get3A_1410 = tpu.vector_load %arg12[%get3A_1408, %get3A_1409] {strides = array<i32>} : memref<16x224xf32, #tpu.memory_space<vmem>>, vector<16xf32>,
      %add3A_1411 = arith.addf %add3A_1401, %get3A_1410 : vector<16xf32>
      %get3A_1412 = arith.constant 10 : i64
      %get3A_1413 = arith.index_cast %get3A_1412 : i64 to index
      %get3A_1414 = arith.index_cast %mul3A_1307 : i32 to index
      %get3A_1415 = tpu.vector_load %arg12[%get3A_1413, %get3A_1414] {strides = array<i32>} : memref<16x224xf32, #tpu.memory_space<vmem>>, vector<16xf32>,
      %add3A_1416 = arith.addf %add3A_1406, %get3A_1415 : vector<16xf32>
      %get3A_1417 = arith.constant 10 : i64
      %get3A_1418 = arith.index_cast %get3A_1417 : i64 to index
      %get3A_1419 = arith.index_cast %add3A_1311 : i32 to index
      %get3A_1420 = tpu.vector_load %arg12[%get3A_1418, %get3A_1419] {strides = array<i32>} : memref<16x224xf32, #tpu.memory_space<vmem>>, vector<16xf32>,
      %add3A_1421 = arith.addf %add3A_1411, %get3A_1420 : vector<16xf32>
      %get3A_1422 = arith.constant 11 : i64
      %get3A_1423 = arith.index_cast %get3A_1422 : i64 to index
      %get3A_1424 = arith.index_cast %mul3A_1307 : i32 to index
      %get3A_1425 = tpu.vector_load %arg12[%get3A_1423, %get3A_1424] {strides = array<i32>} : memref<16x224xf32, #tpu.memory_space<vmem>>, vector<16xf32>,
      %add3A_1426 = arith.addf %add3A_1416, %get3A_1425 : vector<16xf32>
      %get3A_1427 = arith.constant 11 : i64
      %get3A_1428 = arith.index_cast %get3A_1427 : i64 to index
      %get3A_1429 = arith.index_cast %add3A_1311 : i32 to index
      %get3A_1430 = tpu.vector_load %arg12[%get3A_1428, %get3A_1429] {strides = array<i32>} : memref<16x224xf32, #tpu.memory_space<vmem>>, vector<16xf32>,
      %add3A_1431 = arith.addf %add3A_1421, %get3A_1430 : vector<16xf32>
      %get3A_1432 = arith.constant 12 : i64
      %get3A_1433 = arith.index_cast %get3A_1432 : i64 to index
      %get3A_1434 = arith.index_cast %mul3A_1307 : i32 to index
      %get3A_1435 = tpu.vector_load %arg12[%get3A_1433, %get3A_1434] {strides = array<i32>} : memref<16x224xf32, #tpu.memory_space<vmem>>, vector<16xf32>,
      %add3A_1436 = arith.addf %add3A_1426, %get3A_1435 : vector<16xf32>
      %get3A_1437 = arith.constant 12 : i64
      %get3A_1438 = arith.index_cast %get3A_1437 : i64 to index
      %get3A_1439 = arith.index_cast %add3A_1311 : i32 to index
      %get3A_1440 = tpu.vector_load %arg12[%get3A_1438, %get3A_1439] {strides = array<i32>} : memref<16x224xf32, #tpu.memory_space<vmem>>, vector<16xf32>,
      %add3A_1441 = arith.addf %add3A_1431, %get3A_1440 : vector<16xf32>
      %get3A_1442 = arith.constant 13 : i64
      %get3A_1443 = arith.index_cast %get3A_1442 : i64 to index
      %get3A_1444 = arith.index_cast %mul3A_1307 : i32 to index
      %get3A_1445 = tpu.vector_load %arg12[%get3A_1443, %get3A_1444] {strides = array<i32>} : memref<16x224xf32, #tpu.memory_space<vmem>>, vector<16xf32>,
      %add3A_1446 = arith.addf %add3A_1436, %get3A_1445 : vector<16xf32>
      %get3A_1447 = arith.constant 13 : i64
      %get3A_1448 = arith.index_cast %get3A_1447 : i64 to index
      %get3A_1449 = arith.index_cast %add3A_1311 : i32 to index
      %get3A_1450 = tpu.vector_load %arg12[%get3A_1448, %get3A_1449] {strides = array<i32>} : memref<16x224xf32, #tpu.memory_space<vmem>>, vector<16xf32>,
      %add3A_1451 = arith.addf %add3A_1441, %get3A_1450 : vector<16xf32>
      %get3A_1452 = arith.constant 14 : i64
      %get3A_1453 = arith.index_cast %get3A_1452 : i64 to index
      %get3A_1454 = arith.index_cast %mul3A_1307 : i32 to index
      %get3A_1455 = tpu.vector_load %arg12[%get3A_1453, %get3A_1454] {strides = array<i32>} : memref<16x224xf32, #tpu.memory_space<vmem>>, vector<16xf32>,
      %add3A_1456 = arith.addf %add3A_1446, %get3A_1455 : vector<16xf32>
      %get3A_1457 = arith.constant 14 : i64
      %get3A_1458 = arith.index_cast %get3A_1457 : i64 to index
      %get3A_1459 = arith.index_cast %add3A_1311 : i32 to index
      %get3A_1460 = tpu.vector_load %arg12[%get3A_1458, %get3A_1459] {strides = array<i32>} : memref<16x224xf32, #tpu.memory_space<vmem>>, vector<16xf32>,
      %add3A_1461 = arith.addf %add3A_1451, %get3A_1460 : vector<16xf32>
      %get3A_1462 = arith.constant 15 : i64
      %get3A_1463 = arith.index_cast %get3A_1462 : i64 to index
      %get3A_1464 = arith.index_cast %mul3A_1307 : i32 to index
      %get3A_1465 = tpu.vector_load %arg12[%get3A_1463, %get3A_1464] {strides = array<i32>} : memref<16x224xf32, #tpu.memory_space<vmem>>, vector<16xf32>,
      %add3A_1466 = arith.addf %add3A_1456, %get3A_1465 : vector<16xf32>
      %get3A_1467 = arith.constant 15 : i64
      %get3A_1468 = arith.index_cast %get3A_1467 : i64 to index
      %get3A_1469 = arith.index_cast %add3A_1311 : i32 to index
      %get3A_1470 = tpu.vector_load %arg12[%get3A_1468, %get3A_1469] {strides = array<i32>} : memref<16x224xf32, #tpu.memory_space<vmem>>, vector<16xf32>,
      %add3A_1471 = arith.addf %add3A_1461, %get3A_1470 : vector<16xf32>
      %max3A = arith.constant 1.000000e+00 : f32
      %max3A_1472 = vector.broadcast %max3A : f32 to vector<16xf32>
      %max3A_1473 = arith.maximumf %add3A_1471, %max3A_1472 : vector<16xf32>
      %div3A = arith.divf %add3A_1466, %max3A_1473 : vector<16xf32>
      %swap3A_1474 = arith.constant 0 : index
      %swap3A_1475 = tpu.vector_load %arg11[%swap3A_1474] {strides = array<i32>} : memref<112xf32, #tpu.memory_space<vmem>>, vector<16xf32>,
      tpu.vector_store %arg11[%swap3A_1474], %div3A {strides = array<i32>} : memref<112xf32, #tpu.memory_space<vmem>>, vector<16xf32>,
      "tpu.region"() ({
        %run_scoped3A = tpu.sem_alloc : memref<!tpu.dma_semaphore, #tpu.memory_space<semaphore_mem>>
        %dma_start3A = arith.constant 0 : i32
        %dma_start3A_1476 = tpu.memref_slice %arg11[%dma_start3A] : memref<112xf32, #tpu.memory_space<vmem>> -> memref<16xf32, #tpu.memory_space<vmem>>
        %dma_start3A_1477 = tpu.memref_slice %arg4[%mul3A_1307] : memref<112xf32, #tpu.memory_space<hbm>> -> memref<16xf32, #tpu.memory_space<hbm>>
        %dma_start3A_1478 = tpu.memref_slice %arg4[%mul3A_1307] : memref<112xf32, #tpu.memory_space<hbm>> -> memref<16xf32, #tpu.memory_space<hbm>>
        %dma_start3A_1479 = arith.constant 0 : i32
        %dma_start3A_1480 = tpu.memref_slice %arg11[%dma_start3A_1479] : memref<112xf32, #tpu.memory_space<vmem>> -> memref<16xf32, #tpu.memory_space<vmem>>
        tpu.enqueue_dma source(%dma_start3A_1480 : memref<16xf32, #tpu.memory_space<vmem>>) target(%dma_start3A_1478 : memref<16xf32, #tpu.memory_space<hbm>>) target_semaphore(%run_scoped3A : memref<!tpu.dma_semaphore, #tpu.memory_space<semaphore_mem>>)
        %dma_wait3A = arith.constant 0 : i32
        %dma_wait3A_1481 = tpu.memref_slice %arg11[%dma_wait3A] : memref<112xf32, #tpu.memory_space<vmem>> -> memref<16xf32, #tpu.memory_space<vmem>>
        %dma_wait3A_1482 = tpu.memref_slice %arg4[%mul3A_1307] : memref<112xf32, #tpu.memory_space<hbm>> -> memref<16xf32, #tpu.memory_space<hbm>>
        %dma_wait3A_1483 = tpu.memref_slice %arg4[%mul3A_1307] : memref<112xf32, #tpu.memory_space<hbm>> -> memref<16xf32, #tpu.memory_space<hbm>>
        %dma_wait3A_1484 = arith.constant 0 : i32
        %dma_wait3A_1485 = tpu.memref_slice %arg11[%dma_wait3A_1484] : memref<112xf32, #tpu.memory_space<vmem>> -> memref<16xf32, #tpu.memory_space<vmem>>
        tpu.wait_dma2 semaphore(%run_scoped3A : memref<!tpu.dma_semaphore, #tpu.memory_space<semaphore_mem>>) src(%dma_wait3A_1485 : memref<16xf32, #tpu.memory_space<vmem>>) dst(%dma_wait3A_1483 : memref<16xf32, #tpu.memory_space<hbm>>)
        tpu.yield
      }) : () -> ()
    } else {
    }
    return
  }
}

module attributes {stable_mosaic.version = 14 : i64} {
  func.func @_dense_body(%arg0: i32, %arg1: memref<2000x128xf32, #tpu.memory_space<vmem>>, %arg2: memref<128x32xf32, #tpu.memory_space<vmem>>, %arg3: memref<128x32xf32, #tpu.memory_space<vmem>>, %arg4: memref<128x32xf32, #tpu.memory_space<vmem>>, %arg5: memref<128x32xf32, #tpu.memory_space<vmem>>, %arg6: memref<1x32xf32, #tpu.memory_space<vmem>>, %arg7: memref<1x32xf32, #tpu.memory_space<vmem>>, %arg8: memref<32x1xf32, #tpu.memory_space<vmem>>, %arg9: memref<1x1xf32, #tpu.memory_space<vmem>>, %arg10: memref<2000x1xf32, #tpu.memory_space<vmem>>) attributes {dimension_semantics = [#tpu.dimension_semantics<arbitrary>], iteration_bounds = array<i64: 5>, scalar_prefetch = 0 : i64, scratch_operands = 0 : i64, tpu.core_type = #tpu.core_type<tc>, window_params = [{transform_indices = @transform_0, window_bounds = array<i64: 2000, 128>}, {transform_indices = @transform_1, window_bounds = array<i64: 128, 32>}, {transform_indices = @transform_2, window_bounds = array<i64: 128, 32>}, {transform_indices = @transform_3, window_bounds = array<i64: 128, 32>}, {transform_indices = @transform_4, window_bounds = array<i64: 128, 32>}, {pipeline_mode = #tpu.pipeline_mode<synchronous>, transform_indices = @transform_5, window_bounds = array<i64: 1, 32>}, {pipeline_mode = #tpu.pipeline_mode<synchronous>, transform_indices = @transform_6, window_bounds = array<i64: 1, 32>}, {pipeline_mode = #tpu.pipeline_mode<synchronous>, transform_indices = @transform_7, window_bounds = array<i64: 32, 1>}, {pipeline_mode = #tpu.pipeline_mode<synchronous>, transform_indices = @transform_8, window_bounds = array<i64: 1, 1>}, {transform_indices = @transform_9, window_bounds = array<i64: 2000, 1>}]} {
    %get3A = arith.constant 0 : index
    %get3A_0 = arith.constant 0 : index
    %get3A_1 = vector.load %arg1[%get3A, %get3A_0] : memref<2000x128xf32, #tpu.memory_space<vmem>>, vector<2000x128xf32>
    %get3A_2 = arith.constant 0 : index
    %get3A_3 = arith.constant 0 : index
    %get3A_4 = vector.load %arg2[%get3A_2, %get3A_3] : memref<128x32xf32, #tpu.memory_space<vmem>>, vector<128x32xf32>
    %dot_general3A = arith.constant dense<0.000000e+00> : vector<2000x32xf32>
    %dot_general3A_5 = tpu.matmul %get3A_1, %get3A_4, %dot_general3A {dimension_numbers = #tpu.dot_dimension_numbers<[1], [0], [0], [1], [0, 0, 1, 1], [], []>, transpose_lhs_hint = false} : vector<2000x128xf32>, vector<128x32xf32>, vector<2000x32xf32> -> vector<2000x32xf32>
    %get3A_6 = arith.constant 0 : index
    %get3A_7 = arith.constant 0 : index
    %get3A_8 = vector.load %arg3[%get3A_6, %get3A_7] : memref<128x32xf32, #tpu.memory_space<vmem>>, vector<128x32xf32>
    %dot_general3A_9 = arith.constant dense<0.000000e+00> : vector<2000x32xf32>
    %dot_general3A_10 = tpu.matmul %get3A_1, %get3A_8, %dot_general3A_9 {dimension_numbers = #tpu.dot_dimension_numbers<[1], [0], [0], [1], [0, 0, 1, 1], [], []>, transpose_lhs_hint = false} : vector<2000x128xf32>, vector<128x32xf32>, vector<2000x32xf32> -> vector<2000x32xf32>
    %add3A = arith.addf %dot_general3A_5, %dot_general3A_10 : vector<2000x32xf32>
    %get3A_11 = arith.constant 0 : index
    %get3A_12 = arith.constant 0 : index
    %get3A_13 = vector.load %arg6[%get3A_11, %get3A_12] : memref<1x32xf32, #tpu.memory_space<vmem>>, vector<1x32xf32>
    %add3A_14 = vector.broadcast %get3A_13 : vector<1x32xf32> to vector<2000x32xf32>
    %add3A_15 = arith.addf %add3A, %add3A_14 : vector<2000x32xf32>
    %logistic3A = arith.negf %add3A_15 : vector<2000x32xf32>
    %logistic3A_16 = math.exp %logistic3A : vector<2000x32xf32>
    %logistic3A_17 = arith.constant 1.000000e+00 : f32
    %logistic3A_18 = vector.broadcast %logistic3A_17 : f32 to vector<2000x32xf32>
    %logistic3A_19 = arith.addf %logistic3A_18, %logistic3A_16 : vector<2000x32xf32>
    %logistic3A_20 = arith.divf %logistic3A_18, %logistic3A_19 : vector<2000x32xf32>
    %get3A_21 = arith.constant 0 : index
    %get3A_22 = arith.constant 0 : index
    %get3A_23 = vector.load %arg4[%get3A_21, %get3A_22] : memref<128x32xf32, #tpu.memory_space<vmem>>, vector<128x32xf32>
    %dot_general3A_24 = arith.constant dense<0.000000e+00> : vector<2000x32xf32>
    %dot_general3A_25 = tpu.matmul %get3A_1, %get3A_23, %dot_general3A_24 {dimension_numbers = #tpu.dot_dimension_numbers<[1], [0], [0], [1], [0, 0, 1, 1], [], []>, transpose_lhs_hint = false} : vector<2000x128xf32>, vector<128x32xf32>, vector<2000x32xf32> -> vector<2000x32xf32>
    %get3A_26 = arith.constant 0 : index
    %get3A_27 = arith.constant 0 : index
    %get3A_28 = vector.load %arg5[%get3A_26, %get3A_27] : memref<128x32xf32, #tpu.memory_space<vmem>>, vector<128x32xf32>
    %dot_general3A_29 = arith.constant dense<0.000000e+00> : vector<2000x32xf32>
    %dot_general3A_30 = tpu.matmul %get3A_1, %get3A_28, %dot_general3A_29 {dimension_numbers = #tpu.dot_dimension_numbers<[1], [0], [0], [1], [0, 0, 1, 1], [], []>, transpose_lhs_hint = false} : vector<2000x128xf32>, vector<128x32xf32>, vector<2000x32xf32> -> vector<2000x32xf32>
    %add3A_31 = arith.addf %dot_general3A_25, %dot_general3A_30 : vector<2000x32xf32>
    %get3A_32 = arith.constant 0 : index
    %get3A_33 = arith.constant 0 : index
    %get3A_34 = vector.load %arg7[%get3A_32, %get3A_33] : memref<1x32xf32, #tpu.memory_space<vmem>>, vector<1x32xf32>
    %add3A_35 = vector.broadcast %get3A_34 : vector<1x32xf32> to vector<2000x32xf32>
    %add3A_36 = arith.addf %add3A_31, %add3A_35 : vector<2000x32xf32>
    %tanh3A = math.tanh %add3A_36 : vector<2000x32xf32>
    %sub3A = arith.constant 1.000000e+00 : f32
    %sub3A_37 = vector.broadcast %sub3A : f32 to vector<2000x32xf32>
    %sub3A_38 = arith.subf %sub3A_37, %logistic3A_20 : vector<2000x32xf32>
    %mul3A = arith.mulf %sub3A_38, %tanh3A : vector<2000x32xf32>
    %max3A = arith.constant 0.000000e+00 : f32
    %max3A_39 = vector.broadcast %max3A : f32 to vector<2000x32xf32>
    %max3A_40 = arith.maximumf %mul3A, %max3A_39 : vector<2000x32xf32>
    %get3A_41 = arith.constant 0 : index
    %get3A_42 = arith.constant 0 : index
    %get3A_43 = vector.load %arg8[%get3A_41, %get3A_42] : memref<32x1xf32, #tpu.memory_space<vmem>>, vector<32x1xf32>
    %dot_general3A_44 = arith.constant dense<0.000000e+00> : vector<2000x1xf32>
    %dot_general3A_45 = tpu.matmul %max3A_40, %get3A_43, %dot_general3A_44 {dimension_numbers = #tpu.dot_dimension_numbers<[1], [0], [0], [1], [0, 0, 1, 1], [], []>, transpose_lhs_hint = false} : vector<2000x32xf32>, vector<32x1xf32>, vector<2000x1xf32> -> vector<2000x1xf32>
    %get3A_46 = arith.constant 0 : index
    %get3A_47 = arith.constant 0 : index
    %get3A_48 = vector.load %arg9[%get3A_46, %get3A_47] : memref<1x1xf32, #tpu.memory_space<vmem>>, vector<1x1xf32>
    %add3A_49 = vector.broadcast %get3A_48 : vector<1x1xf32> to vector<2000x1xf32>
    %add3A_50 = arith.addf %dot_general3A_45, %add3A_49 : vector<2000x1xf32>
    %swap3A = arith.constant 0 : index
    %swap3A_51 = arith.constant 0 : index
    %swap3A_52 = vector.load %arg10[%swap3A, %swap3A_51] : memref<2000x1xf32, #tpu.memory_space<vmem>>, vector<2000x1xf32>
    tpu.vector_store %arg10[%swap3A, %swap3A_51], %add3A_50 {strides = array<i32>} : memref<2000x1xf32, #tpu.memory_space<vmem>>, vector<2000x1xf32>,
    return
  }
  func.func @transform_0(%arg0: i32) -> (i32, i32) {
    %c0_i32 = arith.constant 0 : i32
    %c0_i32_0 = arith.constant 0 : i32
    return %arg0, %c0_i32 : i32, i32
  }
  func.func @transform_1(%arg0: i32) -> (i32, i32) {
    %c0_i32 = arith.constant 0 : i32
    %c0_i32_0 = arith.constant 0 : i32
    %c0_i32_1 = arith.constant 0 : i32
    return %c0_i32, %c0_i32_0 : i32, i32
  }
  func.func @transform_2(%arg0: i32) -> (i32, i32) {
    %c0_i32 = arith.constant 0 : i32
    %c0_i32_0 = arith.constant 0 : i32
    %c0_i32_1 = arith.constant 0 : i32
    return %c0_i32, %c0_i32_0 : i32, i32
  }
  func.func @transform_3(%arg0: i32) -> (i32, i32) {
    %c0_i32 = arith.constant 0 : i32
    %c0_i32_0 = arith.constant 0 : i32
    %c0_i32_1 = arith.constant 0 : i32
    return %c0_i32, %c0_i32_0 : i32, i32
  }
  func.func @transform_4(%arg0: i32) -> (i32, i32) {
    %c0_i32 = arith.constant 0 : i32
    %c0_i32_0 = arith.constant 0 : i32
    %c0_i32_1 = arith.constant 0 : i32
    return %c0_i32, %c0_i32_0 : i32, i32
  }
  func.func @transform_5(%arg0: i32) -> (i32, i32) {
    %c0_i32 = arith.constant 0 : i32
    %c0_i32_0 = arith.constant 0 : i32
    %c0_i32_1 = arith.constant 0 : i32
    return %c0_i32, %c0_i32_0 : i32, i32
  }
  func.func @transform_6(%arg0: i32) -> (i32, i32) {
    %c0_i32 = arith.constant 0 : i32
    %c0_i32_0 = arith.constant 0 : i32
    %c0_i32_1 = arith.constant 0 : i32
    return %c0_i32, %c0_i32_0 : i32, i32
  }
  func.func @transform_7(%arg0: i32) -> (i32, i32) {
    %c0_i32 = arith.constant 0 : i32
    %c0_i32_0 = arith.constant 0 : i32
    %c0_i32_1 = arith.constant 0 : i32
    return %c0_i32, %c0_i32_0 : i32, i32
  }
  func.func @transform_8(%arg0: i32) -> (i32, i32) {
    %c0_i32 = arith.constant 0 : i32
    %c0_i32_0 = arith.constant 0 : i32
    %c0_i32_1 = arith.constant 0 : i32
    return %c0_i32, %c0_i32_0 : i32, i32
  }
  func.func @transform_9(%arg0: i32) -> (i32, i32) {
    %c0_i32 = arith.constant 0 : i32
    %c0_i32_0 = arith.constant 0 : i32
    return %arg0, %c0_i32 : i32, i32
  }
}

</mosaic_0001>

<sc_bundles>
// kernel: kernel.4.cloned.1.call-start
scs
__scs_entry_jumppad:
0x0: {  	(pc) =	sbr.rel $0x88, $3  }
0x1: {  	(tag) =	ssettag $0x0;
	lr =	simm.s32 $0x1  }
0x2: {  	[smem:$0x3F97] =	sst lr;
	_ =	strace $0xD0000000  }
0x3: {  	_ = 	snop  }
0x4: {  	_ = 	snop  }
0x5: {  	_ = 	snop  }
0x6: {  	_ = 	snop  }
0x7: {  	_ = 	snop  }
__scs_overlays_trampoline_lowered:
0x8: {  	[smem:$0x3FA6] =	sst s0  }
0x9: {  	[smem:$0x3FA7] =	sst s1  }
0xa: {  	[smem:$0x3FA8] =	sst s2  }
0xb: {  	[smem:$0x3FA9] =	sst s3  }
0xc: {  	[smem:$0x3FAA] =	sst s4  }
0xd: {  	[smem:$0x3FAB] =	sst s5  }
0xe: {  	[smem:$0x3FAC] =	sst s6  }
0xf: {  	[smem:$0x3FAD] =	sst s7  }
0x10: {  	[smem:$0x3FAE] =	sst s8  }
0x11: {  	[smem:$0x3FAF] =	sst s9;
	s0 =	simm.s32 @!p0 $0x0  }
0x12: {  	s1 =	sld [smem:$0x3F95];
	s0 =	simm.s32 @p0 $0x1  }
0x13: {  	[smem:$0x3FB0] =	sst s0;
	s0 =	simm.s32 @!p1 $0x0  }
0x14: {  	s2 =	sld [smem:$0x3F94];
	s0 =	simm.s32 @p1 $0x1  }
0x15: {  	[smem:$0x3FB1] =	sst s0;
	s0 =	simm.s32 @!p2 $0x0  }
0x16: {  	s3 =	sld [smem:$0x3FDB];
	s0 =	simm.s32 @p2 $0x1  }
0x17: {  	s4 =	simm.s32 $0x1BF5;
	[smem:$0x3FB3] =	sst s0  }
0x18: {  	s0 =	sld [smem:$0x3F96];
	_ =	swait.ge [sflag:s4], $0x0  }
0x19: {  	s7 =	sld [smem:$0x3F97]  }
0x1a: {  	s8 =	sadd.s32 $0xFFFFE003, lr  }
0x1b: {  	s9 =	sadd.s32 $0xFFFFFEF7, lr;
	s5 =	simm.s32 $0xFFFFFFFF;
	p2 =	slt.u32 s8, $0xFFFFF086  }
0x1c: {  	p1 =	slt.u32 s9, $0xF7A;
	s5 =	simm.s32 @!p2 $0x0  }
0x1d: {  	s5 =	simm.s32 @p1 $0x1;
	p0 =	seq.s32 s7, s2  }
0x1e: {  	s7 =	smul.u32 @!p0 $0xF7A, s2;
	p2 =	seq.s32 @!p0 s5, $0x0  }
0x1f: {  	s9 =	smul.u32 $0xF7A, s1;
	s8 =	simm.s32 @!p0 $0x1BF5;
	p2 =	por !p2, p0  }
0x20: {  	[sflag:s8] =	ssyncset.s32 @!p0 $0xFFFFF086;
	s6 =	sadd.s32 @!p0 s3, s7;
	s7 =	simm.s32 @!p0 $0x108  }
0x21: {  	s3 =	sadd.s32 s3, s9;
	s6 =	sadd.s32 @!p0 $0x88, s6;
	s7 =	simm.s32 @p2 $0x1082  }
0x22: {  	[simem:s7], [sflag:s8] =	dma.local @!p0 [hbm:s6], $0xF7A  }
0x23: {  	s9 =	sor.u32 $0xD0000000, s2;
	s6 =	simm.s32 $0x108;
	_ =	swait.ge @!p0 [sflag:s8], $0x0  }
0x24: {  	s3 =	sadd.s32 $0x88, s3;
	s6 =	simm.s32 @!p1 $0x1082;
	[sflag:s4] =	ssyncset.s32 $0xFFFFF086  }
0x25: {  	[simem:s6], [sflag:s4] =	dma.local [hbm:s3], $0xF7A  }
0x26: {  	[smem:$0x3F97] =	sst s1;
	(tag) =	ssettag s2;
	_ =	strace s9  }
0x27: {  	s1 =	sld [smem:$0x3FA7]  }
0x28: {  	s2 =	sld [smem:$0x3FA8]  }
0x29: {  	s4 =	sld [smem:$0x3FAA]  }
0x2a: {  	p0 =	seq.s32 s5, $0x0;
	s5 =	sld [smem:$0x3FAB]  }
0x2b: {  	s6 =	sld [smem:$0x3FAC]  }
0x2c: {  	s7 =	sld [smem:$0x3FAD]  }
0x2d: {  	s3 =	simm.s32 $0x108;
	s8 =	sld [smem:$0x3FAE]  }
0x2e: {  	s3 =	simm.s32 @!p0 $0x1082;
	s9 =	sld [smem:$0x3FAF]  }
0x2f: {  	lr =	sadd.s32 s0, s3;
	s0 =	sld [smem:$0x3FA6]  }
0x30: {  	s3 =	sld [smem:$0x3FA9]  }
0x31: {  	[smem:$0x3FB2] =	sst s10  }
0x32: {  	s10 =	sld [smem:$0x3FB0];
	_ =	sdelay $0x3  }
0x33: {  	p0 =	seq.s32 s10, $0x1;
	s10 =	sld [smem:$0x3FB2];
	_ =	sdelay $0x3  }
0x34: {  	[smem:$0x3FB2] =	sst s10  }
0x35: {  	s10 =	sld [smem:$0x3FB1];
	_ =	sdelay $0x3  }
0x36: {  	p1 =	seq.s32 s10, $0x1;
	s10 =	sld [smem:$0x3FB2];
	_ =	sdelay $0x3  }
0x37: {  	[smem:$0x3FB2] =	sst s10  }
0x38: {  	s10 =	sld [smem:$0x3FB3]  }
0x39: {  	_ = 	snop;
	(pc) =	sbr.ind lr, $3  }
0x3a: {  	_ = 	snop  }
0x3b: {  	_ = 	snop  }
0x3c: {  	p2 =	seq.s32 s10, $0x1;
	s10 =	sld [smem:$0x3FB2]  }
0x3d: {  	_ =	shalt  }
0x3e: {  	_ =	shalt  }
0x3f: {  	_ =	shalt  }
0x40: {  	_ =	shalt  }
0x41: {  	_ =	shalt  }
0x42: {  	_ =	shalt  }
0x43: {  	_ =	shalt  }
0x44: {  	_ =	shalt  }
0x45: {  	_ =	shalt  }
0x46: {  	_ =	shalt  }
0x47: {  	_ =	shalt  }
0x48: {  	_ =	shalt  }
0x49: {  	_ =	shalt  }
0x4a: {  	_ =	shalt  }
0x4b: {  	_ =	shalt  }
0x4c: {  	_ =	shalt  }
0x4d: {  	_ =	shalt  }
0x4e: {  	_ =	shalt  }
0x4f: {  	_ =	shalt  }
0x50: {  	_ =	shalt  }
0x51: {  	_ =	shalt  }
0x52: {  	_ =	shalt  }
0x53: {  	_ =	shalt  }
0x54: {  	_ =	shalt  }
0x55: {  	_ =	shalt  }
0x56: {  	_ =	shalt  }
0x57: {  	_ =	shalt  }
0x58: {  	_ =	shalt  }
0x59: {  	_ =	shalt  }
0x5a: {  	_ =	shalt  }
0x5b: {  	_ =	shalt  }
0x5c: {  	_ =	shalt  }
0x5d: {  	_ =	shalt  }
0x5e: {  	_ =	shalt  }
0x5f: {  	_ =	shalt  }
0x60: {  	_ =	shalt  }
0x61: {  	_ =	shalt  }
0x62: {  	_ =	shalt  }
0x63: {  	_ =	shalt  }
0x64: {  	_ =	shalt  }
0x65: {  	_ =	shalt  }
0x66: {  	_ =	shalt  }
0x67: {  	_ =	shalt  }
0x68: {  	_ =	shalt  }
0x69: {  	_ =	shalt  }
0x6a: {  	_ =	shalt  }
0x6b: {  	_ =	shalt  }
0x6c: {  	_ =	shalt  }
0x6d: {  	_ =	shalt  }
0x6e: {  	_ =	shalt  }
0x6f: {  	_ =	shalt  }
0x70: {  	_ =	shalt  }
0x71: {  	_ =	shalt  }
0x72: {  	_ =	shalt  }
0x73: {  	_ =	shalt  }
0x74: {  	_ =	shalt  }
0x75: {  	_ =	shalt  }
0x76: {  	_ =	shalt  }
0x77: {  	_ =	shalt  }
0x78: {  	_ =	shalt  }
0x79: {  	_ =	shalt  }
0x7a: {  	_ =	shalt  }
0x7b: {  	_ =	shalt  }
0x7c: {  	_ =	shalt  }
0x7d: {  	_ =	shalt  }
0x7e: {  	_ =	shalt  }
0x7f: {  	_ =	shalt  }
0x80: {  	_ =	shalt  }
0x81: {  	_ =	shalt  }
0x82: {  	_ =	shalt  }
0x83: {  	_ =	shalt  }
0x84: {  	_ =	shalt  }
0x85: {  	_ =	shalt  }
0x86: {  	_ =	shalt  }
0x87: {  	_ =	shalt  }
.Lfunc_end0:
.L_simem_size_0:
called_computation_lowered:
.L_overlay_start_0:
0x88: {  	s2 =	sld [smem:$0x3FD9]  }
0x89: {  	s3 =	sld [smem:$0x3FFE];
	_ =	sdelay $0x1  }
0x8a: {  	s1 =	srdreg.scid  }
0x8b: {  	s0 =	sand.u32 $0x1, s1  }
0x8c: {  	s16 =	sshll.u32 s0, $0xA;
	s2 =	sadd.s32 s3, s2  }
0x8d: {  	s2 =	sadd.s32 s2, s16  }
0x8e: {  	[smem:$0x3FBE] =	sst s2  }
0x8f: {  	_ = 	snop  }
0x90: {  	(tm) =	ssettm $0x1  }
0x91: {  	s17 =	sld [smem:$0x3FFB];
	_ =	sdelay $0x3  }
0x92: {  	_ =	strace s17  }
0x93: {  	s2 =	sld [smem:$0x3FFC];
	_ =	sdelay $0x3  }
0x94: {  	_ =	strace s2  }
0x95: {  	s2 =	sld [smem:$0x3FFD];
	_ =	sdelay $0x3  }
0x96: {  	_ =	strace s2  }
0x97: {  	_ =	strace $0x8FFFFFFF  }
0x98: {  	s18 =	sld [smem:$0x3FDB];
	_ =	sdelay $0x1  }
0x99: {  	s19 =	simm.s32 $_scs_section_size  }
0x9a: {  	s4 =	simm.s32 $_size__tile_overlayer_lowered;
	s5 =	simm.s32 $_tile_overlayer_lowered  }
0x9b: {  	s22 =	simm.s32 $0x1BFF;
	s21 =	sshll.u32 s5, $0x1;
	s2 =	sadd.s32 s19, s18  }
0x9c: {  	s6 =	simm.s32 $0x0;
	s20 =	sshll.u32 s4, $0x1;
	s4 =	sadd.s32 s21, s2  }
0x9d: {  	[timem:s6], [sflag:s22] =	dma.local [hbm:s4], s20  }
0x9e: {  	_ =	swait.ge [sflag:s22], s20  }
0x9f: {  	s3 =	ssub.s32 $0x0, s20;
	[sflag:s22] =	ssyncset.done $0x0  }
0xa0: {  	[sflag:s22] =	ssyncadd.s32 s3;
	_ =	sdelay $0x1  }
0xa1: {  	s23 =	simm.s32 $0x1B8B  }
0xa2: {  	_ =	swait.ge [sflag:s23], $0x1  }
0xa3: {  	[sflag:s23] =	ssyncset.done $0x0  }
0xa4: {  	s25 =	simm.s32 $0x1B8E;
	s24 =	sld [smem:$0x3FFE];
	[sflag:s23] =	ssyncadd.s32 $0xFFFFFFFF  }
0xa5: {  	s26 =	simm.s32 $execute0_lowered;
	[smem:$0x3FD2] =	sst s25  }
0xa6: {  	s4 =	sshll.u32 s26, $0x1;
	_ =	strace $0x80000046;
	[dreg:$0x1] =	wrdreg $0xFFFFFFFF  }
0xa7: {  	s28 =	simm.s32 $_size_execute0_lowered;
	s2 =	sadd.s32 s2, s4;
	[dreg:$0x0] =	wrdreg $0x0  }
0xa8: {  	s4 =	sshll.u32 s28, $0x1;
	[dreg:$0x2] =	wrdreg s2  }
0xa9: {  	[dreg:$0x3] =	wrdreg s4  }
0xaa: {  	[dreg:$0x4] =	wrdreg $0xC0  }
0xab: {  	_ =	task [dreg:s6], $0x5FFFF  }
0xac: {  	[dreg:$0x1] =	wrdreg $0xFFFFFFFF  }
0xad: {  	[dreg:$0x0] =	wrdreg $0x60  }
0xae: {  	[dreg:$0x2] =	wrdreg s24  }
0xaf: {  	[dreg:$0x3] =	wrdreg $0x9  }
0xb0: {  	_ =	task.clear_ibuf [dreg:s6], $0x4FFFF;
	_ =	strace $0x90000046  }
0xb1: {  	s29 =	simm.s32 $0x9;
	_ =	strace $0x80000048  }
0xb2: {  	_ =	swait.ge [sflag:s29], $0x1  }
0xb3: {  	[sflag:s29] =	ssyncadd.s32 $0xFFFFFFFF  }
0xb4: {  	_ =	strace $0x90000048  }
0xb5: {  	_ =	sfence  }
0xb6: {  	s30 =	sld [smem:$0x0];
	_ =	sdelay $0x2  }
0xb7: {  	s31 =	sshll.u32 s1, $0xD;
	s1 =	sshrl.u32 s1, $0x2  }
0xb8: {  	s3 =	sand.u32 $0x4000, s31;
	s1 =	sadd.s32 s1, s30  }
0xb9: {  	s0 =	sor.u32 s3, s0;
	s1 =	sshll.u32 s1, $0x11  }
0xba: {  	s0 =	sor.u32 s1, s0  }
0xbb: {  	s0 =	sadd.s32 $0x8F2B, s0  }
0xbc: {  	[sflag:s0] =	ssyncadd.remote.s32 $0x1  }
0xbd: {  	_ =	sfence.sel $0xFFFF  }
0xbe: {  	[dreg:$0x0] =	wrdreg $0xFFFFFFFF;
	(pc) =	sbr.abs _section_cstart, $3  }
0xbf: {  	[dreg:$0x1] =	wrdreg $0xFFFFFFFF  }
0xc0: {  	_ =	task.clear_ibuf [dreg:s6], $0x2FFFF;
	_ =	strace $0x9FFFFFFF  }
0xc1: {  	(tm) =	ssettm $0x7FFFFFFF  }
tec
execute0_lowered:
.L_overlay_start_1:
0x0: {  	(tag) =	ssettag $0x1  }
0x1: {  	s9 =	rddreg [dreg:$0x0]  }
0x2: {  	s0 =	rddreg [dreg:$0x1]  }
0x3: {  	s2 =	simm.s32 $0x0;
	s1 =	stileid.u32;
	s4 =	srdreg.scid  }
0x4: {  	s16 =	simm.s32 $0x500;
	s17 =	simm.s32 $0xC00;
	s19 =	simm.s32 $0x400  }
0x5: {  	s20 =	simm.s32 $0x1300;
	s21 =	simm.s32 $0x1;
	s22 =	simm.s32 $0x1480  }
0x6: {  	s23 =	simm.s32 $0x1400;
	[smem:$0x7FF] =	sst s2;
	s3 =	smul.u32 $0x50, s1  }
0x7: {  	s5 =	sshll.u32 s1, $0x1;
	s18 =	sand.u32 $0x1, s4;
	s4 =	sshll.u32 s1, $0x4  }
0x8: {  	s11 =	sshll.u32 s1, $0x5;
	p0 =	seq.s32 s1, $0xF;
	p2 =	sgt.u32 s1, $0x6  }
0x9: {  	_ =	strace $0x80000047;
	s14 =	sadd.s32 s5, s9;
	s29 =	ssub.s32 $0x2, s18  }
0xa: {  	s8 =	sadd.s32 $0x70, s4;
	s12 =	sand.u32 $0x70, s4;
	s30 =	sand.u32 $0x100, s11  }
0xb: {  	p1 =	seq.s32 s18, $0x0;
	s18 =	simm.s32 $0x80;
	s6 =	sadd.s32 s3, s9  }
0xc: {  	s3 =	sadd.s32 $0x1600, s9;
	s7 =	sshrl.u32 s29, $0x1;
	s10 =	sshll.u32 s8, $0x3  }
.Ltmp0:
0xd: {  	s14 =	sadd.s32 $0x1800, s14;
	s15 =	ssub.s32 s29, s7;
	(pc) =	sbr.rel .LBB2_1-.Ltmp0, $4  }
0xe: {  	s5 =	sadd.s32 $0x1000, s6;
	s6 =	sadd.s32 $0xA00, s6;
	s7 =	sadd.s32 $0x14B0, s9  }
0xf: {  	s13 =	sor.u32 s10, s8;
	s31 =	sadd.s32 s3, s12;
	s9 =	sadd.s32 $0xEB0, s9  }
0x10: {  	v1 =	vlaneseq.u32;
	s8 =	sand.u32 $0x470, s13;
	s10 =	sadd.s32 s30, s31;
	s12 =	sor.u32 $0x380, s13  }
0x11: {  	v0 =	vimm.f32 $0.0e+00;
	v62 =	vimm.f32 $1.000000000e+00;
	v1 =	vmul.u32 $0x70, v1;
	s15 =	smax.u32 s15, $0x1;
	s11 =	sadd.s32 $0x1480, s8;
	s13 =	sor.u32 $0x2000, s8  }
.LBB2_4:
0x12: {  	[bflag:$0x0] =	sbarrier.arrive $0xFFFF  }
.LBB2_7:
0x13: {  	s15 =	sadd.s32 $0xFFFFFFFF, s15  }
0x14: {  	p3 =	sne.s32 s15, $0x0  }
.Ltmp1:
0x15: {  	_ = 	snop;
	(pc) =	sbr.rel @!p3 .LBB2_8-.Ltmp1, $1  }
0x16: {  	_ =	sdelay $0x3  }
.LBB2_1:
0x17: {  	s24 =	simm.s32 @p0 $0x0;
	s25 =	simm.s32 @p0 $0x1  }
0x18: {  	[tilespmem:s24], [sflag:$0x1] =	stream.linear.gather @p0 [hbm4b:s7+s24], $0x190, $0x38;
	[tilespmem:$0x2480] =	vst v63  }
0x19: {  	_ =	swait.ge @p0 [sflag:s25], $0x190  }
0x1a: {  	[sflag:s25] =	ssyncset.done @p0 $0x0  }
0x1b: {  	s26 =	simm.s32 @p0 $0x280;
	[sflag:s25] =	ssyncadd.s32 @p0 $0xFFFFFE70  }
0x1c: {  	[tilespmem:s26], [sflag:$0x1] =	stream.linear.gather @p0 [hbm4b:s9+s24], $0x190, $0x38;
	[tilespmem:$0x2480] =	vst v63  }
0x1d: {  	_ =	swait.ge @p0 [sflag:s25], $0x190  }
0x1e: {  	[sflag:s25] =	ssyncset.done @p0 $0x0  }
0x1f: {  	s24 =	simm.s32 @!p0 $0x0;
	[sflag:s25] =	ssyncadd.s32 @p0 $0xFFFFFE70;
	s25 =	simm.s32 @!p0 $0x1  }
0x20: {  	[tilespmem:s24], [sflag:$0x1] =	stream.linear.gather @!p0 [hbm4b:s5+s24], $0x280, $0x38;
	[tilespmem:$0x2480] =	vst v63  }
0x21: {  	_ =	swait.ge @!p0 [sflag:s25], $0x280  }
0x22: {  	[sflag:s25] =	ssyncset.done @!p0 $0x0  }
0x23: {  	s26 =	simm.s32 @!p0 $0x280;
	[sflag:s25] =	ssyncadd.s32 @!p0 $0xFFFFFD80  }
0x24: {  	[tilespmem:s26], [sflag:$0x1] =	stream.linear.gather @!p0 [hbm4b:s6+s24], $0x280, $0x38;
	[tilespmem:$0x2480] =	vst v63  }
0x25: {  	_ =	swait.ge @!p0 [sflag:s25], $0x280  }
0x26: {  	[sflag:s25] =	ssyncset.done @!p0 $0x0  }
0x27: {  	[sflag:s25] =	ssyncadd.s32 @!p0 $0xFFFFFD80  }
0x28: {  	[tilespmem:$0x500] =	vst v0  }
0x29: {  	[tilespmem:$0xC00] =	vst v0  }
0x2a: {  	[tilespmem:$0x510] =	vst v0  }
0x2b: {  	[tilespmem:$0xC10] =	vst v0  }
0x2c: {  	[tilespmem:$0x520] =	vst v0  }
0x2d: {  	[tilespmem:$0xC20] =	vst v0  }
0x2e: {  	[tilespmem:$0x530] =	vst v0  }
0x2f: {  	[tilespmem:$0xC30] =	vst v0  }
0x30: {  	[tilespmem:$0x540] =	vst v0  }
0x31: {  	[tilespmem:$0xC40] =	vst v0  }
0x32: {  	[tilespmem:$0x550] =	vst v0  }
0x33: {  	[tilespmem:$0xC50] =	vst v0  }
0x34: {  	[tilespmem:$0x560] =	vst v0  }
0x35: {  	[tilespmem:$0xC60] =	vst v0  }
0x36: {  	[tilespmem:$0x570] =	vst v0  }
0x37: {  	[tilespmem:$0xC70] =	vst v0  }
0x38: {  	[tilespmem:$0x580] =	vst v0  }
0x39: {  	[tilespmem:$0xC80] =	vst v0  }
0x3a: {  	[tilespmem:$0x590] =	vst v0  }
0x3b: {  	[tilespmem:$0xC90] =	vst v0  }
0x3c: {  	[tilespmem:$0x5A0] =	vst v0  }
0x3d: {  	[tilespmem:$0xCA0] =	vst v0  }
0x3e: {  	[tilespmem:$0x5B0] =	vst v0  }
0x3f: {  	[tilespmem:$0xCB0] =	vst v0  }
0x40: {  	[tilespmem:$0x5C0] =	vst v0  }
0x41: {  	[tilespmem:$0xCC0] =	vst v0  }
0x42: {  	[tilespmem:$0x5D0] =	vst v0  }
0x43: {  	[tilespmem:$0xCD0] =	vst v0  }
0x44: {  	[tilespmem:$0x5E0] =	vst v0  }
0x45: {  	[tilespmem:$0xCE0] =	vst v0  }
0x46: {  	[tilespmem:$0x5F0] =	vst v0  }
0x47: {  	[tilespmem:$0xCF0] =	vst v0  }
0x48: {  	[tilespmem:$0x600] =	vst v0  }
0x49: {  	[tilespmem:$0xD00] =	vst v0  }
0x4a: {  	[tilespmem:$0x610] =	vst v0  }
0x4b: {  	[tilespmem:$0xD10] =	vst v0  }
0x4c: {  	[tilespmem:$0x620] =	vst v0  }
0x4d: {  	[tilespmem:$0xD20] =	vst v0  }
0x4e: {  	[tilespmem:$0x630] =	vst v0  }
0x4f: {  	[tilespmem:$0xD30] =	vst v0  }
0x50: {  	[tilespmem:$0x640] =	vst v0  }
0x51: {  	[tilespmem:$0xD40] =	vst v0  }
0x52: {  	[tilespmem:$0x650] =	vst v0  }
0x53: {  	[tilespmem:$0xD50] =	vst v0  }
0x54: {  	[tilespmem:$0x660] =	vst v0  }
0x55: {  	[tilespmem:$0xD60] =	vst v0  }
0x56: {  	[tilespmem:$0x670] =	vst v0  }
0x57: {  	[tilespmem:$0xD70] =	vst v0  }
0x58: {  	[tilespmem:$0x680] =	vst v0  }
0x59: {  	[tilespmem:$0xD80] =	vst v0  }
0x5a: {  	[tilespmem:$0x690] =	vst v0  }
0x5b: {  	[tilespmem:$0xD90] =	vst v0  }
0x5c: {  	[tilespmem:$0x6A0] =	vst v0  }
0x5d: {  	[tilespmem:$0xDA0] =	vst v0  }
0x5e: {  	[tilespmem:$0x6B0] =	vst v0  }
0x5f: {  	[tilespmem:$0xDB0] =	vst v0  }
0x60: {  	[tilespmem:$0x6C0] =	vst v0  }
0x61: {  	[tilespmem:$0xDC0] =	vst v0  }
0x62: {  	[tilespmem:$0x6D0] =	vst v0  }
0x63: {  	[tilespmem:$0xDD0] =	vst v0  }
0x64: {  	[tilespmem:$0x6E0] =	vst v0  }
0x65: {  	[tilespmem:$0xDE0] =	vst v0  }
0x66: {  	[tilespmem:$0x6F0] =	vst v0  }
0x67: {  	[tilespmem:$0xDF0] =	vst v0  }
0x68: {  	[tilespmem:$0x700] =	vst v0  }
0x69: {  	[tilespmem:$0xE00] =	vst v0  }
0x6a: {  	[tilespmem:$0x710] =	vst v0  }
0x6b: {  	[tilespmem:$0xE10] =	vst v0  }
0x6c: {  	[tilespmem:$0x720] =	vst v0  }
0x6d: {  	[tilespmem:$0xE20] =	vst v0  }
0x6e: {  	[tilespmem:$0x730] =	vst v0  }
0x6f: {  	[tilespmem:$0xE30] =	vst v0  }
0x70: {  	[tilespmem:$0x740] =	vst v0  }
0x71: {  	[tilespmem:$0xE40] =	vst v0  }
0x72: {  	[tilespmem:$0x750] =	vst v0  }
0x73: {  	[tilespmem:$0xE50] =	vst v0  }
0x74: {  	[tilespmem:$0x760] =	vst v0  }
0x75: {  	[tilespmem:$0xE60] =	vst v0  }
0x76: {  	[tilespmem:$0x770] =	vst v0  }
0x77: {  	[tilespmem:$0xE70] =	vst v0  }
0x78: {  	[tilespmem:$0x780] =	vst v0  }
0x79: {  	[tilespmem:$0xE80] =	vst v0  }
0x7a: {  	[tilespmem:$0x790] =	vst v0  }
0x7b: {  	[tilespmem:$0xE90] =	vst v0  }
0x7c: {  	[tilespmem:$0x7A0] =	vst v0  }
0x7d: {  	[tilespmem:$0xEA0] =	vst v0  }
0x7e: {  	[tilespmem:$0x7B0] =	vst v0  }
0x7f: {  	[tilespmem:$0xEB0] =	vst v0  }
0x80: {  	[tilespmem:$0x7C0] =	vst v0  }
0x81: {  	[tilespmem:$0xEC0] =	vst v0  }
0x82: {  	[tilespmem:$0x7D0] =	vst v0  }
0x83: {  	[tilespmem:$0xED0] =	vst v0  }
0x84: {  	[tilespmem:$0x7E0] =	vst v0  }
0x85: {  	[tilespmem:$0xEE0] =	vst v0  }
0x86: {  	[tilespmem:$0x7F0] =	vst v0  }
0x87: {  	[tilespmem:$0xEF0] =	vst v0  }
0x88: {  	[tilespmem:$0x800] =	vst v0  }
0x89: {  	[tilespmem:$0xF00] =	vst v0  }
0x8a: {  	[tilespmem:$0x810] =	vst v0  }
0x8b: {  	[tilespmem:$0xF10] =	vst v0  }
0x8c: {  	[tilespmem:$0x820] =	vst v0  }
0x8d: {  	[tilespmem:$0xF20] =	vst v0  }
0x8e: {  	[tilespmem:$0x830] =	vst v0  }
0x8f: {  	[tilespmem:$0xF30] =	vst v0  }
0x90: {  	[tilespmem:$0x840] =	vst v0  }
0x91: {  	[tilespmem:$0xF40] =	vst v0  }
0x92: {  	[tilespmem:$0x850] =	vst v0  }
0x93: {  	[tilespmem:$0xF50] =	vst v0  }
0x94: {  	[tilespmem:$0x860] =	vst v0  }
0x95: {  	[tilespmem:$0xF60] =	vst v0  }
0x96: {  	[tilespmem:$0x870] =	vst v0  }
0x97: {  	[tilespmem:$0xF70] =	vst v0  }
0x98: {  	[tilespmem:$0x880] =	vst v0  }
0x99: {  	[tilespmem:$0xF80] =	vst v0  }
0x9a: {  	[tilespmem:$0x890] =	vst v0  }
0x9b: {  	[tilespmem:$0xF90] =	vst v0  }
0x9c: {  	[tilespmem:$0x8A0] =	vst v0  }
0x9d: {  	[tilespmem:$0xFA0] =	vst v0  }
0x9e: {  	[tilespmem:$0x8B0] =	vst v0  }
0x9f: {  	[tilespmem:$0xFB0] =	vst v0  }
0xa0: {  	[tilespmem:$0x8C0] =	vst v0  }
0xa1: {  	[tilespmem:$0xFC0] =	vst v0  }
0xa2: {  	[tilespmem:$0x8D0] =	vst v0  }
0xa3: {  	[tilespmem:$0xFD0] =	vst v0  }
0xa4: {  	[tilespmem:$0x8E0] =	vst v0  }
0xa5: {  	[tilespmem:$0xFE0] =	vst v0  }
0xa6: {  	[tilespmem:$0x8F0] =	vst v0  }
0xa7: {  	[tilespmem:$0xFF0] =	vst v0  }
0xa8: {  	[tilespmem:$0x900] =	vst v0  }
0xa9: {  	[tilespmem:$0x1000] =	vst v0  }
0xaa: {  	[tilespmem:$0x910] =	vst v0  }
0xab: {  	[tilespmem:$0x1010] =	vst v0  }
0xac: {  	[tilespmem:$0x920] =	vst v0  }
0xad: {  	[tilespmem:$0x1020] =	vst v0  }
0xae: {  	[tilespmem:$0x930] =	vst v0  }
0xaf: {  	[tilespmem:$0x1030] =	vst v0  }
0xb0: {  	[tilespmem:$0x940] =	vst v0  }
0xb1: {  	[tilespmem:$0x1040] =	vst v0  }
0xb2: {  	[tilespmem:$0x950] =	vst v0  }
0xb3: {  	[tilespmem:$0x1050] =	vst v0  }
0xb4: {  	[tilespmem:$0x960] =	vst v0  }
0xb5: {  	[tilespmem:$0x1060] =	vst v0  }
0xb6: {  	[tilespmem:$0x970] =	vst v0  }
0xb7: {  	[tilespmem:$0x1070] =	vst v0  }
0xb8: {  	[tilespmem:$0x980] =	vst v0  }
0xb9: {  	[tilespmem:$0x1080] =	vst v0  }
0xba: {  	[tilespmem:$0x990] =	vst v0  }
0xbb: {  	[tilespmem:$0x1090] =	vst v0  }
0xbc: {  	[tilespmem:$0x9A0] =	vst v0  }
0xbd: {  	[tilespmem:$0x10A0] =	vst v0  }
0xbe: {  	[tilespmem:$0x9B0] =	vst v0  }
0xbf: {  	[tilespmem:$0x10B0] =	vst v0  }
0xc0: {  	[tilespmem:$0x9C0] =	vst v0  }
0xc1: {  	[tilespmem:$0x10C0] =	vst v0  }
0xc2: {  	[tilespmem:$0x9D0] =	vst v0  }
0xc3: {  	[tilespmem:$0x10D0] =	vst v0  }
0xc4: {  	[tilespmem:$0x9E0] =	vst v0  }
0xc5: {  	[tilespmem:$0x10E0] =	vst v0  }
0xc6: {  	[tilespmem:$0x9F0] =	vst v0  }
0xc7: {  	[tilespmem:$0x10F0] =	vst v0  }
0xc8: {  	[tilespmem:$0xA00] =	vst v0  }
0xc9: {  	[tilespmem:$0x1100] =	vst v0  }
0xca: {  	[tilespmem:$0xA10] =	vst v0  }
0xcb: {  	[tilespmem:$0x1110] =	vst v0  }
0xcc: {  	[tilespmem:$0xA20] =	vst v0  }
0xcd: {  	[tilespmem:$0x1120] =	vst v0  }
0xce: {  	[tilespmem:$0xA30] =	vst v0  }
0xcf: {  	[tilespmem:$0x1130] =	vst v0  }
0xd0: {  	[tilespmem:$0xA40] =	vst v0  }
0xd1: {  	[tilespmem:$0x1140] =	vst v0  }
0xd2: {  	[tilespmem:$0xA50] =	vst v0  }
0xd3: {  	[tilespmem:$0x1150] =	vst v0  }
0xd4: {  	[tilespmem:$0xA60] =	vst v0  }
0xd5: {  	[tilespmem:$0x1160] =	vst v0  }
0xd6: {  	[tilespmem:$0xA70] =	vst v0  }
0xd7: {  	[tilespmem:$0x1170] =	vst v0  }
0xd8: {  	[tilespmem:$0xA80] =	vst v0  }
0xd9: {  	[tilespmem:$0x1180] =	vst v0  }
0xda: {  	[tilespmem:$0xA90] =	vst v0  }
0xdb: {  	[tilespmem:$0x1190] =	vst v0  }
0xdc: {  	[tilespmem:$0xAA0] =	vst v0  }
0xdd: {  	[tilespmem:$0x11A0] =	vst v0  }
0xde: {  	[tilespmem:$0xAB0] =	vst v0  }
0xdf: {  	[tilespmem:$0x11B0] =	vst v0  }
0xe0: {  	[tilespmem:$0xAC0] =	vst v0  }
0xe1: {  	[tilespmem:$0x11C0] =	vst v0  }
0xe2: {  	[tilespmem:$0xAD0] =	vst v0  }
0xe3: {  	[tilespmem:$0x11D0] =	vst v0  }
0xe4: {  	[tilespmem:$0xAE0] =	vst v0  }
0xe5: {  	[tilespmem:$0x11E0] =	vst v0  }
0xe6: {  	[tilespmem:$0xAF0] =	vst v0  }
0xe7: {  	[tilespmem:$0x11F0] =	vst v0  }
0xe8: {  	[tilespmem:$0xB00] =	vst v0  }
0xe9: {  	[tilespmem:$0x1200] =	vst v0  }
0xea: {  	[tilespmem:$0xB10] =	vst v0  }
0xeb: {  	[tilespmem:$0x1210] =	vst v0  }
0xec: {  	[tilespmem:$0xB20] =	vst v0  }
0xed: {  	[tilespmem:$0x1220] =	vst v0  }
0xee: {  	[tilespmem:$0xB30] =	vst v0  }
0xef: {  	[tilespmem:$0x1230] =	vst v0  }
0xf0: {  	[tilespmem:$0xB40] =	vst v0  }
0xf1: {  	[tilespmem:$0x1240] =	vst v0  }
0xf2: {  	[tilespmem:$0xB50] =	vst v0  }
0xf3: {  	[tilespmem:$0x1250] =	vst v0  }
0xf4: {  	[tilespmem:$0xB60] =	vst v0  }
0xf5: {  	[tilespmem:$0x1260] =	vst v0  }
0xf6: {  	[tilespmem:$0xB70] =	vst v0  }
0xf7: {  	[tilespmem:$0x1270] =	vst v0  }
0xf8: {  	[tilespmem:$0xB80] =	vst v0  }
0xf9: {  	[tilespmem:$0x1280] =	vst v0  }
0xfa: {  	[tilespmem:$0xB90] =	vst v0  }
0xfb: {  	[tilespmem:$0x1290] =	vst v0  }
0xfc: {  	[tilespmem:$0xBA0] =	vst v0  }
0xfd: {  	[tilespmem:$0x12A0] =	vst v0  }
0xfe: {  	[tilespmem:$0xBB0] =	vst v0;
	v3 =	vld [tilespmem:$0x280]  }
0xff: {  	[tilespmem:$0x12B0] =	vst v0  }
0x100: {  	[tilespmem:$0xBC0] =	vst v0  }
0x101: {  	[tilespmem:$0x12C0] =	vst v0  }
0x102: {  	[tilespmem:$0xBD0] =	vst v0  }
0x103: {  	[tilespmem:$0x12D0] =	vst v0;
	v4 =	vld [tilespmem:$0x0];
	v3 =	vadd.s32 v1, v3  }
0x104: {  	[tilespmem:$0xBE0] =	vst v0  }
0x105: {  	[tilespmem:$0x12E0] =	vst v0  }
0x106: {  	[tilespmem:$0xBF0] =	vst v0  }
0x107: {  	[tilespmem:$0x12F0] =	vst v0  }
0x108: {  	[tilespmem:v3+s16+$0x0] =	vst.idx.add.f32.msk $0xffff, v4  }
0x109: {  	[tilespmem:v3+s17+$0x0] =	vst.idx.add.f32.msk $0xffff, v62  }
0x10a: {  	v3 =	vld [tilespmem:$0x290];
	_ =	sdelay $0x4  }
0x10b: {  	v4 =	vld [tilespmem:$0x10];
	v3 =	vadd.s32 v1, v3;
	_ =	sdelay $0x4  }
0x10c: {  	[tilespmem:v3+s16+$0x0] =	vst.idx.add.f32.msk $0xffff, v4  }
0x10d: {  	[tilespmem:v3+s17+$0x0] =	vst.idx.add.f32.msk $0xffff, v62  }
0x10e: {  	v3 =	vld [tilespmem:$0x2A0];
	_ =	sdelay $0x4  }
0x10f: {  	v4 =	vld [tilespmem:$0x20];
	v3 =	vadd.s32 v1, v3;
	_ =	sdelay $0x4  }
0x110: {  	[tilespmem:v3+s16+$0x0] =	vst.idx.add.f32.msk $0xffff, v4  }
0x111: {  	[tilespmem:v3+s17+$0x0] =	vst.idx.add.f32.msk $0xffff, v62  }
0x112: {  	v3 =	vld [tilespmem:$0x2B0];
	_ =	sdelay $0x4  }
0x113: {  	v4 =	vld [tilespmem:$0x30];
	v3 =	vadd.s32 v1, v3;
	_ =	sdelay $0x4  }
0x114: {  	[tilespmem:v3+s16+$0x0] =	vst.idx.add.f32.msk $0xffff, v4  }
0x115: {  	[tilespmem:v3+s17+$0x0] =	vst.idx.add.f32.msk $0xffff, v62  }
0x116: {  	v3 =	vld [tilespmem:$0x2C0];
	_ =	sdelay $0x4  }
0x117: {  	v4 =	vld [tilespmem:$0x40];
	v3 =	vadd.s32 v1, v3;
	_ =	sdelay $0x4  }
0x118: {  	[tilespmem:v3+s16+$0x0] =	vst.idx.add.f32.msk $0xffff, v4  }
0x119: {  	[tilespmem:v3+s17+$0x0] =	vst.idx.add.f32.msk $0xffff, v62  }
0x11a: {  	v3 =	vld [tilespmem:$0x2D0];
	_ =	sdelay $0x4  }
0x11b: {  	v4 =	vld [tilespmem:$0x50];
	v3 =	vadd.s32 v1, v3;
	_ =	sdelay $0x4  }
0x11c: {  	[tilespmem:v3+s16+$0x0] =	vst.idx.add.f32.msk $0xffff, v4  }
0x11d: {  	[tilespmem:v3+s17+$0x0] =	vst.idx.add.f32.msk $0xffff, v62  }
0x11e: {  	v3 =	vld [tilespmem:$0x2E0];
	_ =	sdelay $0x4  }
0x11f: {  	v4 =	vld [tilespmem:$0x60];
	v3 =	vadd.s32 v1, v3;
	_ =	sdelay $0x4  }
0x120: {  	[tilespmem:v3+s16+$0x0] =	vst.idx.add.f32.msk $0xffff, v4  }
0x121: {  	[tilespmem:v3+s17+$0x0] =	vst.idx.add.f32.msk $0xffff, v62  }
0x122: {  	v3 =	vld [tilespmem:$0x2F0];
	_ =	sdelay $0x4  }
0x123: {  	v4 =	vld [tilespmem:$0x70];
	v3 =	vadd.s32 v1, v3;
	_ =	sdelay $0x4  }
0x124: {  	[tilespmem:v3+s16+$0x0] =	vst.idx.add.f32.msk $0xffff, v4  }
0x125: {  	[tilespmem:v3+s17+$0x0] =	vst.idx.add.f32.msk $0xffff, v62  }
0x126: {  	v3 =	vld [tilespmem:$0x300];
	_ =	sdelay $0x4  }
0x127: {  	v4 =	vld [tilespmem:$0x80];
	v3 =	vadd.s32 v1, v3;
	_ =	sdelay $0x4  }
0x128: {  	[tilespmem:v3+s16+$0x0] =	vst.idx.add.f32.msk $0xffff, v4  }
0x129: {  	[tilespmem:v3+s17+$0x0] =	vst.idx.add.f32.msk $0xffff, v62  }
0x12a: {  	v3 =	vld [tilespmem:$0x310];
	_ =	sdelay $0x4  }
0x12b: {  	v4 =	vld [tilespmem:$0x90];
	v3 =	vadd.s32 v1, v3;
	_ =	sdelay $0x4  }
0x12c: {  	[tilespmem:v3+s16+$0x0] =	vst.idx.add.f32.msk $0xffff, v4  }
0x12d: {  	[tilespmem:v3+s17+$0x0] =	vst.idx.add.f32.msk $0xffff, v62  }
0x12e: {  	v3 =	vld [tilespmem:$0x320];
	_ =	sdelay $0x4  }
0x12f: {  	v4 =	vld [tilespmem:$0xA0];
	v3 =	vadd.s32 v1, v3;
	_ =	sdelay $0x4  }
0x130: {  	[tilespmem:v3+s16+$0x0] =	vst.idx.add.f32.msk $0xffff, v4  }
0x131: {  	[tilespmem:v3+s17+$0x0] =	vst.idx.add.f32.msk $0xffff, v62  }
0x132: {  	v3 =	vld [tilespmem:$0x330];
	_ =	sdelay $0x4  }
0x133: {  	v4 =	vld [tilespmem:$0xB0];
	v3 =	vadd.s32 v1, v3;
	_ =	sdelay $0x4  }
0x134: {  	[tilespmem:v3+s16+$0x0] =	vst.idx.add.f32.msk $0xffff, v4  }
0x135: {  	[tilespmem:v3+s17+$0x0] =	vst.idx.add.f32.msk $0xffff, v62  }
0x136: {  	v3 =	vld [tilespmem:$0x340];
	_ =	sdelay $0x4  }
0x137: {  	v4 =	vld [tilespmem:$0xC0];
	v3 =	vadd.s32 v1, v3;
	_ =	sdelay $0x4  }
0x138: {  	[tilespmem:v3+s16+$0x0] =	vst.idx.add.f32.msk $0xffff, v4  }
0x139: {  	[tilespmem:v3+s17+$0x0] =	vst.idx.add.f32.msk $0xffff, v62  }
0x13a: {  	v3 =	vld [tilespmem:$0x350];
	_ =	sdelay $0x4  }
0x13b: {  	v4 =	vld [tilespmem:$0xD0];
	v3 =	vadd.s32 v1, v3;
	_ =	sdelay $0x4  }
0x13c: {  	[tilespmem:v3+s16+$0x0] =	vst.idx.add.f32.msk $0xffff, v4  }
0x13d: {  	[tilespmem:v3+s17+$0x0] =	vst.idx.add.f32.msk $0xffff, v62  }
0x13e: {  	v3 =	vld [tilespmem:$0x360];
	_ =	sdelay $0x4  }
0x13f: {  	v4 =	vld [tilespmem:$0xE0];
	v3 =	vadd.s32 v1, v3;
	_ =	sdelay $0x4  }
0x140: {  	[tilespmem:v3+s16+$0x0] =	vst.idx.add.f32.msk $0xffff, v4  }
0x141: {  	[tilespmem:v3+s17+$0x0] =	vst.idx.add.f32.msk $0xffff, v62  }
0x142: {  	v3 =	vld [tilespmem:$0x370];
	_ =	sdelay $0x4  }
0x143: {  	v4 =	vld [tilespmem:$0xF0];
	v3 =	vadd.s32 v1, v3;
	_ =	sdelay $0x4  }
0x144: {  	[tilespmem:v3+s16+$0x0] =	vst.idx.add.f32.msk $0xffff, v4  }
0x145: {  	[tilespmem:v3+s17+$0x0] =	vst.idx.add.f32.msk $0xffff, v62  }
0x146: {  	v3 =	vld [tilespmem:$0x380];
	_ =	sdelay $0x4  }
0x147: {  	v4 =	vld [tilespmem:$0x100];
	v3 =	vadd.s32 v1, v3;
	_ =	sdelay $0x4  }
0x148: {  	[tilespmem:v3+s16+$0x0] =	vst.idx.add.f32.msk $0xffff, v4  }
0x149: {  	[tilespmem:v3+s17+$0x0] =	vst.idx.add.f32.msk $0xffff, v62  }
0x14a: {  	v3 =	vld [tilespmem:$0x390];
	_ =	sdelay $0x4  }
0x14b: {  	v4 =	vld [tilespmem:$0x110];
	v3 =	vadd.s32 v1, v3;
	_ =	sdelay $0x4  }
0x14c: {  	[tilespmem:v3+s16+$0x0] =	vst.idx.add.f32.msk $0xffff, v4  }
0x14d: {  	[tilespmem:v3+s17+$0x0] =	vst.idx.add.f32.msk $0xffff, v62  }
0x14e: {  	v3 =	vld [tilespmem:$0x3A0];
	_ =	sdelay $0x4  }
0x14f: {  	v4 =	vld [tilespmem:$0x120];
	v3 =	vadd.s32 v1, v3;
	_ =	sdelay $0x4  }
0x150: {  	[tilespmem:v3+s16+$0x0] =	vst.idx.add.f32.msk $0xffff, v4  }
0x151: {  	[tilespmem:v3+s17+$0x0] =	vst.idx.add.f32.msk $0xffff, v62  }
0x152: {  	v3 =	vld [tilespmem:$0x3B0];
	_ =	sdelay $0x4  }
0x153: {  	v4 =	vld [tilespmem:$0x130];
	v3 =	vadd.s32 v1, v3;
	_ =	sdelay $0x4  }
0x154: {  	[tilespmem:v3+s16+$0x0] =	vst.idx.add.f32.msk $0xffff, v4  }
0x155: {  	[tilespmem:v3+s17+$0x0] =	vst.idx.add.f32.msk $0xffff, v62  }
0x156: {  	v3 =	vld [tilespmem:$0x3C0];
	_ =	sdelay $0x4  }
0x157: {  	v4 =	vld [tilespmem:$0x140];
	v3 =	vadd.s32 v1, v3;
	_ =	sdelay $0x4  }
0x158: {  	[tilespmem:v3+s16+$0x0] =	vst.idx.add.f32.msk $0xffff, v4  }
0x159: {  	[tilespmem:v3+s17+$0x0] =	vst.idx.add.f32.msk $0xffff, v62  }
0x15a: {  	v3 =	vld [tilespmem:$0x3D0];
	_ =	sdelay $0x4  }
0x15b: {  	v4 =	vld [tilespmem:$0x150];
	v3 =	vadd.s32 v1, v3;
	_ =	sdelay $0x4  }
0x15c: {  	[tilespmem:v3+s16+$0x0] =	vst.idx.add.f32.msk $0xffff, v4  }
0x15d: {  	[tilespmem:v3+s17+$0x0] =	vst.idx.add.f32.msk $0xffff, v62  }
0x15e: {  	v3 =	vld [tilespmem:$0x3E0];
	_ =	sdelay $0x4  }
0x15f: {  	v4 =	vld [tilespmem:$0x160];
	v3 =	vadd.s32 v1, v3;
	_ =	sdelay $0x4  }
0x160: {  	[tilespmem:v3+s16+$0x0] =	vst.idx.add.f32.msk $0xffff, v4  }
0x161: {  	[tilespmem:v3+s17+$0x0] =	vst.idx.add.f32.msk $0xffff, v62  }
0x162: {  	v3 =	vld [tilespmem:$0x3F0];
	_ =	sdelay $0x4  }
0x163: {  	v4 =	vld [tilespmem:$0x170];
	v3 =	vadd.s32 v1, v3;
	_ =	sdelay $0x4  }
0x164: {  	[tilespmem:v3+s16+$0x0] =	vst.idx.add.f32.msk $0xffff, v4  }
0x165: {  	[tilespmem:v3+s17+$0x0] =	vst.idx.add.f32.msk $0xffff, v62  }
0x166: {  	v3 =	vld [tilespmem:$0x400];
	_ =	sdelay $0x4  }
0x167: {  	v4 =	vld [tilespmem:$0x180];
	v3 =	vadd.s32 v1, v3;
	_ =	sdelay $0x1  }
.Ltmp2:
0x168: {  	_ = 	snop;
	(pc) =	sbr.rel @p0 .LBB2_3-.Ltmp2, $3  }
0x169: {  	_ =	sdelay $0x1  }
0x16a: {  	[tilespmem:v3+s16+$0x0] =	vst.idx.add.f32.msk $0xffff, v4  }
0x16b: {  	[tilespmem:v3+s17+$0x0] =	vst.idx.add.f32.msk $0xffff, v62  }
0x16c: {  	v3 =	vld [tilespmem:$0x410];
	_ =	sdelay $0x4  }
0x16d: {  	v4 =	vld [tilespmem:$0x190];
	v3 =	vadd.s32 v1, v3;
	_ =	sdelay $0x4  }
0x16e: {  	[tilespmem:v3+s16+$0x0] =	vst.idx.add.f32.msk $0xffff, v4  }
0x16f: {  	[tilespmem:v3+s17+$0x0] =	vst.idx.add.f32.msk $0xffff, v62  }
0x170: {  	v3 =	vld [tilespmem:$0x420];
	_ =	sdelay $0x4  }
0x171: {  	v4 =	vld [tilespmem:$0x1A0];
	v3 =	vadd.s32 v1, v3;
	_ =	sdelay $0x4  }
0x172: {  	[tilespmem:v3+s16+$0x0] =	vst.idx.add.f32.msk $0xffff, v4  }
0x173: {  	[tilespmem:v3+s17+$0x0] =	vst.idx.add.f32.msk $0xffff, v62  }
0x174: {  	v3 =	vld [tilespmem:$0x430];
	_ =	sdelay $0x4  }
0x175: {  	v4 =	vld [tilespmem:$0x1B0];
	v3 =	vadd.s32 v1, v3;
	_ =	sdelay $0x4  }
0x176: {  	[tilespmem:v3+s16+$0x0] =	vst.idx.add.f32.msk $0xffff, v4  }
0x177: {  	[tilespmem:v3+s17+$0x0] =	vst.idx.add.f32.msk $0xffff, v62  }
0x178: {  	v3 =	vld [tilespmem:$0x440];
	_ =	sdelay $0x4  }
0x179: {  	v4 =	vld [tilespmem:$0x1C0];
	v3 =	vadd.s32 v1, v3;
	_ =	sdelay $0x4  }
0x17a: {  	[tilespmem:v3+s16+$0x0] =	vst.idx.add.f32.msk $0xffff, v4  }
0x17b: {  	[tilespmem:v3+s17+$0x0] =	vst.idx.add.f32.msk $0xffff, v62  }
0x17c: {  	v3 =	vld [tilespmem:$0x450];
	_ =	sdelay $0x4  }
0x17d: {  	v4 =	vld [tilespmem:$0x1D0];
	v3 =	vadd.s32 v1, v3;
	_ =	sdelay $0x4  }
0x17e: {  	[tilespmem:v3+s16+$0x0] =	vst.idx.add.f32.msk $0xffff, v4  }
0x17f: {  	[tilespmem:v3+s17+$0x0] =	vst.idx.add.f32.msk $0xffff, v62  }
0x180: {  	v3 =	vld [tilespmem:$0x460];
	_ =	sdelay $0x4  }
0x181: {  	v4 =	vld [tilespmem:$0x1E0];
	v3 =	vadd.s32 v1, v3;
	_ =	sdelay $0x4  }
0x182: {  	[tilespmem:v3+s16+$0x0] =	vst.idx.add.f32.msk $0xffff, v4  }
0x183: {  	[tilespmem:v3+s17+$0x0] =	vst.idx.add.f32.msk $0xffff, v62  }
0x184: {  	v3 =	vld [tilespmem:$0x470];
	_ =	sdelay $0x4  }
0x185: {  	v4 =	vld [tilespmem:$0x1F0];
	v3 =	vadd.s32 v1, v3;
	_ =	sdelay $0x4  }
0x186: {  	[tilespmem:v3+s16+$0x0] =	vst.idx.add.f32.msk $0xffff, v4  }
0x187: {  	[tilespmem:v3+s17+$0x0] =	vst.idx.add.f32.msk $0xffff, v62  }
0x188: {  	v3 =	vld [tilespmem:$0x480];
	_ =	sdelay $0x4  }
0x189: {  	v4 =	vld [tilespmem:$0x200];
	v3 =	vadd.s32 v1, v3;
	_ =	sdelay $0x4  }
0x18a: {  	[tilespmem:v3+s16+$0x0] =	vst.idx.add.f32.msk $0xffff, v4  }
0x18b: {  	[tilespmem:v3+s17+$0x0] =	vst.idx.add.f32.msk $0xffff, v62  }
0x18c: {  	v3 =	vld [tilespmem:$0x490];
	_ =	sdelay $0x4  }
0x18d: {  	v4 =	vld [tilespmem:$0x210];
	v3 =	vadd.s32 v1, v3;
	_ =	sdelay $0x4  }
0x18e: {  	[tilespmem:v3+s16+$0x0] =	vst.idx.add.f32.msk $0xffff, v4  }
0x18f: {  	[tilespmem:v3+s17+$0x0] =	vst.idx.add.f32.msk $0xffff, v62  }
0x190: {  	v3 =	vld [tilespmem:$0x4A0];
	_ =	sdelay $0x4  }
0x191: {  	v4 =	vld [tilespmem:$0x220];
	v3 =	vadd.s32 v1, v3;
	_ =	sdelay $0x4  }
0x192: {  	[tilespmem:v3+s16+$0x0] =	vst.idx.add.f32.msk $0xffff, v4  }
0x193: {  	[tilespmem:v3+s17+$0x0] =	vst.idx.add.f32.msk $0xffff, v62  }
0x194: {  	v3 =	vld [tilespmem:$0x4B0];
	_ =	sdelay $0x4  }
0x195: {  	v4 =	vld [tilespmem:$0x230];
	v3 =	vadd.s32 v1, v3;
	_ =	sdelay $0x4  }
0x196: {  	[tilespmem:v3+s16+$0x0] =	vst.idx.add.f32.msk $0xffff, v4  }
0x197: {  	[tilespmem:v3+s17+$0x0] =	vst.idx.add.f32.msk $0xffff, v62  }
0x198: {  	v3 =	vld [tilespmem:$0x4C0];
	_ =	sdelay $0x4  }
0x199: {  	v4 =	vld [tilespmem:$0x240];
	v3 =	vadd.s32 v1, v3;
	_ =	sdelay $0x4  }
0x19a: {  	[tilespmem:v3+s16+$0x0] =	vst.idx.add.f32.msk $0xffff, v4  }
0x19b: {  	[tilespmem:v3+s17+$0x0] =	vst.idx.add.f32.msk $0xffff, v62  }
0x19c: {  	v3 =	vld [tilespmem:$0x4D0];
	_ =	sdelay $0x4  }
0x19d: {  	v4 =	vld [tilespmem:$0x250];
	v3 =	vadd.s32 v1, v3;
	_ =	sdelay $0x4  }
0x19e: {  	[tilespmem:v3+s16+$0x0] =	vst.idx.add.f32.msk $0xffff, v4  }
0x19f: {  	[tilespmem:v3+s17+$0x0] =	vst.idx.add.f32.msk $0xffff, v62  }
0x1a0: {  	v3 =	vld [tilespmem:$0x4E0];
	_ =	sdelay $0x4  }
0x1a1: {  	v4 =	vld [tilespmem:$0x260];
	v3 =	vadd.s32 v1, v3;
	_ =	sdelay $0x4  }
0x1a2: {  	[tilespmem:v3+s16+$0x0] =	vst.idx.add.f32.msk $0xffff, v4  }
0x1a3: {  	[tilespmem:v3+s17+$0x0] =	vst.idx.add.f32.msk $0xffff, v62  }
0x1a4: {  	v3 =	vld [tilespmem:$0x4F0];
	_ =	sdelay $0x4  }
0x1a5: {  	v4 =	vld [tilespmem:$0x270];
	v3 =	vadd.s32 v1, v3;
	_ =	sdelay $0x4  }
0x1a6: {  	[tilespmem:v3+s16+$0x0] =	vst.idx.add.f32.msk $0xffff, v4  }
0x1a7: {  	[tilespmem:v3+s17+$0x0] =	vst.idx.add.f32.msk $0xffff, v62  }
.LBB2_3:
0x1a8: {  	v2 =	vld [tilespmem:$0xD60];
	_ =	sdelay $0x4  }
0x1a9: {  	[tilespmem:$0x1FC10] =	vst v2;
	v2 =	vld [tilespmem:$0x6D0];
	_ =	sdelay $0x4  }
0x1aa: {  	[tilespmem:$0x1FC20] =	vst v2;
	v2 =	vld [tilespmem:$0xDD0];
	_ =	sdelay $0x4  }
0x1ab: {  	[tilespmem:$0x1FC30] =	vst v2;
	v2 =	vld [tilespmem:$0x740];
	_ =	sdelay $0x4  }
0x1ac: {  	[tilespmem:$0x1FC40] =	vst v2;
	v2 =	vld [tilespmem:$0xE40];
	_ =	sdelay $0x4  }
0x1ad: {  	[tilespmem:$0x1FC50] =	vst v2;
	v2 =	vld [tilespmem:$0x7B0];
	_ =	sdelay $0x4  }
0x1ae: {  	[tilespmem:$0x1FC60] =	vst v2;
	v2 =	vld [tilespmem:$0xEB0];
	_ =	sdelay $0x4  }
0x1af: {  	[tilespmem:$0x1FC70] =	vst v2;
	v2 =	vld [tilespmem:$0x820];
	_ =	sdelay $0x4  }
0x1b0: {  	[tilespmem:$0x1FC80] =	vst v2;
	v2 =	vld [tilespmem:$0xF20];
	_ =	sdelay $0x4  }
0x1b1: {  	[tilespmem:$0x1FC90] =	vst v2;
	v2 =	vld [tilespmem:$0x890];
	_ =	sdelay $0x4  }
0x1b2: {  	[tilespmem:$0x1FCA0] =	vst v2;
	v2 =	vld [tilespmem:$0xF90];
	_ =	sdelay $0x4  }
0x1b3: {  	[tilespmem:$0x1FCB0] =	vst v2;
	v2 =	vld [tilespmem:$0x900];
	_ =	sdelay $0x4  }
0x1b4: {  	[tilespmem:$0x1FCC0] =	vst v2;
	v2 =	vld [tilespmem:$0x1000];
	_ =	sdelay $0x4  }
0x1b5: {  	[tilespmem:$0x1FCD0] =	vst v2;
	v2 =	vld [tilespmem:$0x970];
	_ =	sdelay $0x4  }
0x1b6: {  	[tilespmem:$0x1FCE0] =	vst v2;
	v2 =	vld [tilespmem:$0x1070];
	_ =	sdelay $0x4  }
0x1b7: {  	[tilespmem:$0x1FCF0] =	vst v2;
	v2 =	vld [tilespmem:$0x9E0];
	_ =	sdelay $0x4  }
0x1b8: {  	[tilespmem:$0x1FD00] =	vst v2;
	v2 =	vld [tilespmem:$0x10E0];
	_ =	sdelay $0x1  }
0x1b9: {  	v32 =	vld [tilespmem:$0x500]  }
0x1ba: {  	v33 =	vld [tilespmem:$0xC00]  }
0x1bb: {  	v35 =	vld [tilespmem:$0x570]  }
0x1bc: {  	[tilespmem:$0x1FD20] =	vst v2;
	v2 =	vld [tilespmem:$0xA50]  }
0x1bd: {  	v36 =	vld [tilespmem:$0xC70]  }
0x1be: {  	v4 =	vld [tilespmem:$0x5E0]  }
0x1bf: {  	v5 =	vld [tilespmem:$0xCE0]  }
0x1c0: {  	v7 =	vld [tilespmem:$0x650]  }
0x1c1: {  	[tilespmem:$0x1FD40] =	vst v2;
	v2 =	vld [tilespmem:$0x1150]  }
0x1c2: {  	v8 =	vld [tilespmem:$0xD50]  }
0x1c3: {  	v10 =	vld [tilespmem:$0x6C0]  }
0x1c4: {  	v11 =	vld [tilespmem:$0xDC0]  }
0x1c5: {  	v13 =	vld [tilespmem:$0x730]  }
0x1c6: {  	[tilespmem:$0x1FD60] =	vst v2;
	v2 =	vld [tilespmem:$0xAC0]  }
0x1c7: {  	v14 =	vld [tilespmem:$0xE30]  }
0x1c8: {  	v16 =	vld [tilespmem:$0x7A0]  }
0x1c9: {  	v17 =	vld [tilespmem:$0xEA0]  }
0x1ca: {  	v19 =	vld [tilespmem:$0x810]  }
0x1cb: {  	[tilespmem:$0x1FD80] =	vst v2;
	v2 =	vld [tilespmem:$0x11C0]  }
0x1cc: {  	v20 =	vld [tilespmem:$0xF10]  }
0x1cd: {  	v22 =	vld [tilespmem:$0x880]  }
0x1ce: {  	v23 =	vld [tilespmem:$0xF80]  }
0x1cf: {  	v25 =	vld [tilespmem:$0x8F0]  }
0x1d0: {  	[tilespmem:$0x1FDA0] =	vst v2;
	v2 =	vld [tilespmem:$0xB30]  }
0x1d1: {  	v26 =	vld [tilespmem:$0xFF0]  }
0x1d2: {  	v28 =	vld [tilespmem:$0x960]  }
0x1d3: {  	v29 =	vld [tilespmem:$0x1060]  }
0x1d4: {  	v31 =	vld [tilespmem:$0x9D0]  }
0x1d5: {  	[tilespmem:$0x1FDC0] =	vst v2;
	v2 =	vld [tilespmem:$0x1230]  }
0x1d6: {  	v34 =	vld [tilespmem:$0x10D0]  }
0x1d7: {  	v38 =	vld [tilespmem:$0xA40]  }
0x1d8: {  	v39 =	vld [tilespmem:$0x1140]  }
0x1d9: {  	v41 =	vld [tilespmem:$0xAB0]  }
0x1da: {  	[tilespmem:$0x1FDE0] =	vst v2;
	v2 =	vld [tilespmem:$0xBA0]  }
0x1db: {  	v42 =	vld [tilespmem:$0x11B0]  }
0x1dc: {  	v44 =	vld [tilespmem:$0xB20]  }
0x1dd: {  	v46 =	vld [tilespmem:$0x1220]  }
0x1de: {  	v48 =	vld [tilespmem:$0xB90]  }
0x1df: {  	[tilespmem:$0x1FE00] =	vst v2;
	v2 =	vld [tilespmem:$0x12A0]  }
0x1e0: {  	v51 =	vld [tilespmem:$0x1290]  }
0x1e1: {  	v47 =	vld [tilespmem:$0x510]  }
0x1e2: {  	v49 =	vld [tilespmem:$0xC10]  }
0x1e3: {  	v52 =	vld [tilespmem:$0x580]  }
0x1e4: {  	[tilespmem:$0x1FE20] =	vst v2;
	v2 =	vld [tilespmem:$0x980]  }
0x1e5: {  	v54 =	vld [tilespmem:$0xC80]  }
0x1e6: {  	v56 =	vld [tilespmem:$0x5F0]  }
0x1e7: {  	v58 =	vld [tilespmem:$0xCF0]  }
0x1e8: {  	v60 =	vld [tilespmem:$0x660]  }
0x1e9: {  	[tilespmem:$0x1FD10] =	vst v2;
	v2 =	vld [tilespmem:$0x1080]  }
0x1ea: {  	v3 =	vld [tilespmem:$0x520]  }
0x1eb: {  	v6 =	vld [tilespmem:$0xC20]  }
0x1ec: {  	v9 =	vld [tilespmem:$0x590]  }
0x1ed: {  	v12 =	vld [tilespmem:$0xC90]  }
0x1ee: {  	[tilespmem:$0x1FD30] =	vst v2;
	v2 =	vld [tilespmem:$0x9F0]  }
0x1ef: {  	v15 =	vld [tilespmem:$0x600]  }
0x1f0: {  	v18 =	vld [tilespmem:$0xD00]  }
0x1f1: {  	v21 =	vld [tilespmem:$0x670]  }
0x1f2: {  	v24 =	vld [tilespmem:$0xD70]  }
0x1f3: {  	[tilespmem:$0x1FD50] =	vst v2;
	v2 =	vld [tilespmem:$0x10F0]  }
0x1f4: {  	v27 =	vld [tilespmem:$0x6E0]  }
0x1f5: {  	v30 =	vld [tilespmem:$0xDE0]  }
0x1f6: {  	v37 =	vld [tilespmem:$0x750]  }
0x1f7: {  	v40 =	vld [tilespmem:$0xE50]  }
0x1f8: {  	[tilespmem:$0x1FD70] =	vst v2;
	v2 =	vld [tilespmem:$0xA60]  }
0x1f9: {  	v43 =	vld [tilespmem:$0x7C0]  }
0x1fa: {  	v45 =	vld [tilespmem:$0xEC0]  }
0x1fb: {  	v50 =	vld [tilespmem:$0x830]  }
0x1fc: {  	v53 =	vld [tilespmem:$0xF30]  }
0x1fd: {  	[tilespmem:$0x1FD90] =	vst v2;
	v2 =	vld [tilespmem:$0x1160]  }
0x1fe: {  	v55 =	vld [tilespmem:$0x8A0]  }
0x1ff: {  	v57 =	vld [tilespmem:$0xFA0]  }
0x200: {  	v59 =	vld [tilespmem:$0x910]  }
0x201: {  	v61 =	vld [tilespmem:$0x1010]  }
0x202: {  	v63 =	vadd.f32 $0.0e+00, v33;
	[tilespmem:$0x1FDB0] =	vst v2;
	v2 =	vld [tilespmem:$0xAD0]  }
0x203: {  	v33 =	vld [tilespmem:$0x680];
	v3 =	vadd.f32 $0.0e+00, v3  }
0x204: {  	v6 =	vadd.f32 $0.0e+00, v6;
	v63 =	vadd.f32 v36, v63;
	v36 =	vld [tilespmem:$0x6F0]  }
0x205: {  	v3 =	vadd.f32 v9, v3;
	v9 =	vld [tilespmem:$0xD90]  }
0x206: {  	v6 =	vadd.f32 v12, v6;
	v12 =	vld [tilespmem:$0x700]  }
0x207: {  	[tilespmem:$0x1FDD0] =	vst v2;
	v2 =	vld [tilespmem:$0x11D0]  }
0x208: {  	v63 =	vadd.f32 v5, v63;
	v5 =	vld [tilespmem:$0xE60]  }
0x209: {  	v3 =	vadd.f32 v15, v3;
	v15 =	vld [tilespmem:$0xE00]  }
0x20a: {  	v6 =	vadd.f32 v18, v6;
	v18 =	vld [tilespmem:$0x770]  }
0x20b: {  	v8 =	vadd.f32 v8, v63;
	v63 =	vld [tilespmem:$0xED0]  }
0x20c: {  	[tilespmem:$0x1FDF0] =	vst v2;
	v2 =	vld [tilespmem:$0xB40]  }
0x20d: {  	v3 =	vadd.f32 v21, v3;
	v21 =	vld [tilespmem:$0xE70]  }
0x20e: {  	v6 =	vadd.f32 v24, v6;
	v24 =	vld [tilespmem:$0x7E0]  }
0x20f: {  	v8 =	vadd.f32 v11, v8;
	v11 =	vld [tilespmem:$0x540]  }
0x210: {  	v3 =	vadd.f32 v27, v3;
	v27 =	vld [tilespmem:$0x850]  }
0x211: {  	[tilespmem:$0x1FE10] =	vst v2;
	v2 =	vld [tilespmem:$0x1240]  }
0x212: {  	v6 =	vadd.f32 v30, v6;
	v30 =	vld [tilespmem:$0xFC0]  }
0x213: {  	v8 =	vadd.f32 v14, v8;
	v14 =	vld [tilespmem:$0x8B0]  }
0x214: {  	v3 =	vadd.f32 v37, v3;
	v37 =	vld [tilespmem:$0x9A0]  }
0x215: {  	v6 =	vadd.f32 v40, v6;
	v40 =	vld [tilespmem:$0x1110]  }
0x216: {  	[tilespmem:$0x1FE30] =	vst v2;
	v2 =	vld [tilespmem:$0xBB0]  }
0x217: {  	[tilespmem:$0x1FEC0] =	vst v63;
	v63 =	vld [tilespmem:$0x840]  }
0x218: {  	v8 =	vadd.f32 v17, v8;
	v17 =	vld [tilespmem:$0x920]  }
0x219: {  	v3 =	vadd.f32 v43, v3;
	v43 =	vld [tilespmem:$0xAF0]  }
0x21a: {  	v6 =	vadd.f32 v45, v6;
	v45 =	vld [tilespmem:$0xB60]  }
0x21b: {  	[tilespmem:$0x1FE40] =	vst v2;
	v2 =	vld [tilespmem:$0x12B0]  }
0x21c: {  	v8 =	vadd.f32 v20, v8;
	v20 =	vld [tilespmem:$0x1170]  }
0x21d: {  	[tilespmem:$0x1FEF0] =	vst v14;
	v14 =	vld [tilespmem:$0x1090]  }
0x21e: {  	[tilespmem:$0x1FED0] =	vst v63;
	v63 =	vld [tilespmem:$0x1020]  }
0x21f: {  	v8 =	vadd.f32 v23, v8;
	v23 =	vld [tilespmem:$0x11E0]  }
0x220: {  	[tilespmem:$0x1FE60] =	vst v2;
	v2 =	vld [tilespmem:$0x530]  }
0x221: {  	[tilespmem:$0x1FF10] =	vst v17;
	v17 =	vld [tilespmem:$0x1100]  }
0x222: {  	v8 =	vadd.f32 v26, v8;
	v26 =	vld [tilespmem:$0x1250]  }
0x223: {  	[tilespmem:$0x1FF80] =	vst v20;
	v20 =	vld [tilespmem:$0xCB0]  }
0x224: {  	v8 =	vadd.f32 v29, v8;
	v29 =	vld [tilespmem:$0x12C0]  }
0x225: {  	[tilespmem:$0x1FE50] =	vst v2;
	v2 =	vld [tilespmem:$0xC30]  }
0x226: {  	[tilespmem:$0x1FF40] =	vst v14;
	v14 =	vld [tilespmem:$0xC40]  }
0x227: {  	[tilespmem:$0x1FFA0] =	vst v23;
	v23 =	vld [tilespmem:$0xD20]  }
0x228: {  	[tilespmem:$0x1FF60] =	vst v17;
	v17 =	vld [tilespmem:$0x5B0]  }
0x229: {  	v8 =	vadd.f32 v34, v8;
	v34 =	vld [tilespmem:$0x1FC10]  }
0x22a: {  	[tilespmem:$0x1FE70] =	vst v2;
	v2 =	vld [tilespmem:$0x5A0]  }
0x22b: {  	[tilespmem:$0x1FFC0] =	vst v26;
	v26 =	vld [tilespmem:$0xEE0]  }
0x22c: {  	v8 =	vadd.f32 v39, v8;
	v39 =	vld [tilespmem:$0x1FC30]  }
0x22d: {  	v11 =	vadd.f32 $0.0e+00, v11;
	[tilespmem:$0x1FFE0] =	vst v29;
	v29 =	vld [tilespmem:$0x8C0]  }
0x22e: {  	v14 =	vadd.f32 $0.0e+00, v14;
	v8 =	vadd.f32 v42, v8;
	v42 =	vld [tilespmem:$0x1FC50]  }
0x22f: {  	[tilespmem:$0x1FE80] =	vst v2;
	v2 =	vld [tilespmem:$0xCA0]  }
0x230: {  	v11 =	vadd.f32 v17, v11;
	v17 =	vld [tilespmem:$0xDA0];
	v14 =	vadd.f32 v20, v14  }
0x231: {  	v20 =	vld [tilespmem:$0x710]  }
0x232: {  	v14 =	vadd.f32 v23, v14;
	v23 =	vld [tilespmem:$0x780]  }
0x233: {  	v8 =	vadd.f32 v46, v8;
	v46 =	vld [tilespmem:$0x1FC70]  }
0x234: {  	[tilespmem:$0x1FE90] =	vst v2;
	v2 =	vld [tilespmem:$0x610]  }
0x235: {  	v3 =	vadd.f32 v50, v3;
	v9 =	vadd.f32 v9, v14;
	v14 =	vld [tilespmem:$0x7F0]  }
0x236: {  	v6 =	vadd.f32 v53, v6;
	[tilespmem:$0x1FF20] =	vst v63;
	v63 =	vadd.f32 v51, v8;
	v51 =	vld [tilespmem:$0x1FCB0]  }
0x237: {  	v3 =	vadd.f32 v55, v3;
	v53 =	vld [tilespmem:$0x1FCD0]  }
0x238: {  	v6 =	vadd.f32 v57, v6;
	v57 =	vld [tilespmem:$0x1FD10]  }
0x239: {  	v3 =	vadd.f32 v59, v3;
	v59 =	vld [tilespmem:$0x1FD30];
	[tilespmem:$0x1FEA0] =	vst v2;
	v2 =	vadd.f32 $0.0e+00, v32  }
0x23a: {  	v55 =	vld [tilespmem:$0x1FCF0]  }
0x23b: {  	v6 =	vadd.f32 v61, v6;
	v61 =	vld [tilespmem:$0x1FD50];
	v2 =	vadd.f32 v35, v2  }
0x23c: {  	v50 =	vld [tilespmem:$0x1FDD0]  }
0x23d: {  	v3 =	vadd.f32 v57, v3;
	v57 =	vld [tilespmem:$0x1FE60];
	v2 =	vadd.f32 v4, v2  }
0x23e: {  	v6 =	vadd.f32 v59, v6;
	v59 =	vld [tilespmem:$0x1FE80]  }
0x23f: {  	v32 =	vld [tilespmem:$0xD10];
	v2 =	vadd.f32 v7, v2  }
0x240: {  	v3 =	vadd.f32 v61, v3;
	v61 =	vld [tilespmem:$0x1FEA0]  }
0x241: {  	v4 =	vld [tilespmem:$0xDF0];
	v2 =	vadd.f32 v10, v2  }
0x242: {  	v35 =	vld [tilespmem:$0xD80]  }
0x243: {  	v2 =	vadd.f32 v13, v2;
	v13 =	vld [tilespmem:$0xF40]  }
0x244: {  	v7 =	vld [tilespmem:$0x7D0]  }
0x245: {  	v2 =	vadd.f32 v16, v2;
	v16 =	vld [tilespmem:$0xFB0]  }
0x246: {  	[tilespmem:$0x1FEB0] =	vst v4;
	v4 =	vld [tilespmem:$0x760]  }
0x247: {  	v2 =	vadd.f32 v19, v2;
	v19 =	vld [tilespmem:$0xA70]  }
0x248: {  	[tilespmem:$0x1FEE0] =	vst v13;
	v13 =	vld [tilespmem:$0x990]  }
0x249: {  	v2 =	vadd.f32 v22, v2;
	v22 =	vld [tilespmem:$0xAE0]  }
0x24a: {  	[tilespmem:$0x1FF00] =	vst v16;
	v16 =	vld [tilespmem:$0xA00]  }
0x24b: {  	v2 =	vadd.f32 v25, v2;
	v25 =	vld [tilespmem:$0xB50]  }
0x24c: {  	[tilespmem:$0x1FF70] =	vst v19;
	v19 =	vld [tilespmem:$0x1FD80]  }
0x24d: {  	v2 =	vadd.f32 v28, v2;
	v28 =	vld [tilespmem:$0xBC0]  }
0x24e: {  	[tilespmem:$0x1FF30] =	vst v13;
	v13 =	vld [tilespmem:$0x1FD60]  }
0x24f: {  	[tilespmem:$0x1FF90] =	vst v22;
	v22 =	vld [tilespmem:$0x620]  }
0x250: {  	v2 =	vadd.f32 v31, v2;
	v31 =	vadd.f32 $0.0e+00, v49;
	v49 =	vld [tilespmem:$0x1FCA0]  }
0x251: {  	[tilespmem:$0x1FF50] =	vst v16;
	v16 =	vld [tilespmem:$0x1FD70]  }
0x252: {  	[tilespmem:$0x1FFB0] =	vst v25;
	v25 =	vld [tilespmem:$0x690]  }
0x253: {  	v2 =	vadd.f32 v38, v2;
	v38 =	vld [tilespmem:$0x1FC20]  }
0x254: {  	v8 =	vadd.f32 v54, v31;
	v31 =	vld [tilespmem:$0x930]  }
0x255: {  	v54 =	vld [tilespmem:$0x1FCE0]  }
0x256: {  	[tilespmem:$0x1FFD0] =	vst v28;
	v28 =	vld [tilespmem:$0xF50]  }
0x257: {  	v2 =	vadd.f32 v41, v2;
	v41 =	vld [tilespmem:$0x1FC40]  }
0x258: {  	v8 =	vadd.f32 v58, v8;
	v58 =	vld [tilespmem:$0x1FD20]  }
0x259: {  	v11 =	vadd.f32 v22, v11;
	v22 =	vld [tilespmem:$0xE10]  }
0x25a: {  	v2 =	vadd.f32 v44, v2;
	v44 =	vld [tilespmem:$0x1FC60]  }
0x25b: {  	v8 =	vadd.f32 v34, v8;
	v34 =	vld [tilespmem:$0x1030]  }
0x25c: {  	v11 =	vadd.f32 v25, v11;
	v25 =	vld [tilespmem:$0xE80]  }
0x25d: {  	v2 =	vadd.f32 v48, v2;
	v48 =	vld [tilespmem:$0x1FC90]  }
0x25e: {  	v8 =	vadd.f32 v39, v8;
	v39 =	vld [tilespmem:$0xA10]  }
0x25f: {  	[tilespmem:$0x1FFF0] =	vst v2;
	v2 =	vadd.f32 $0.0e+00, v47;
	v47 =	vld [tilespmem:$0x1FC80]  }
0x260: {  	v8 =	vadd.f32 v42, v8;
	v42 =	vld [tilespmem:$0x1180]  }
0x261: {  	v2 =	vadd.f32 v52, v2;
	v52 =	vld [tilespmem:$0x1FCC0]  }
0x262: {  	v8 =	vadd.f32 v46, v8;
	v46 =	vld [tilespmem:$0x1FD90]  }
0x263: {  	v2 =	vadd.f32 v56, v2;
	v56 =	vld [tilespmem:$0x1FD00]  }
0x264: {  	v8 =	vadd.f32 v48, v8;
	v48 =	vld [tilespmem:$0x1FDB0]  }
0x265: {  	v2 =	vadd.f32 v60, v2;
	v60 =	vld [tilespmem:$0x1FD40]  }
0x266: {  	v8 =	vadd.f32 v51, v8;
	v51 =	vld [tilespmem:$0x1FDE0]  }
0x267: {  	v3 =	vadd.f32 v46, v3;
	v46 =	vld [tilespmem:$0x1260]  }
0x268: {  	v6 =	vadd.f32 v16, v6;
	v2 =	vadd.f32 v38, v2;
	v38 =	vld [tilespmem:$0x10A0]  }
0x269: {  	v8 =	vadd.f32 v53, v8;
	v53 =	vld [tilespmem:$0x1FE00]  }
0x26a: {  	v6 =	vadd.f32 v48, v6;
	v48 =	vld [tilespmem:$0x12D0];
	v2 =	vadd.f32 v41, v2  }
0x26b: {  	v3 =	vadd.f32 v50, v3;
	v50 =	vld [tilespmem:$0xCC0]  }
0x26c: {  	v41 =	vld [tilespmem:$0xA80];
	v2 =	vadd.f32 v44, v2  }
0x26d: {  	v8 =	vadd.f32 v55, v8;
	v55 =	vld [tilespmem:$0x1FE30]  }
0x26e: {  	v2 =	vadd.f32 v47, v2;
	v47 =	vld [tilespmem:$0x1FDA0]  }
0x26f: {  	v8 =	vadd.f32 v58, v8;
	v44 =	vld [tilespmem:$0x11F0]  }
0x270: {  	v58 =	vld [tilespmem:$0x1FE70];
	v2 =	vadd.f32 v49, v2  }
0x271: {  	v8 =	vadd.f32 v13, v8;
	v49 =	vld [tilespmem:$0x1FDC0]  }
0x272: {  	v2 =	vadd.f32 v52, v2;
	v52 =	vld [tilespmem:$0x1FDF0]  }
0x273: {  	v8 =	vadd.f32 v47, v8;
	v47 =	vld [tilespmem:$0xBD0]  }
0x274: {  	v2 =	vadd.f32 v54, v2;
	v54 =	vld [tilespmem:$0x1FE20]  }
0x275: {  	v8 =	vadd.f32 v51, v8;
	v51 =	vld [tilespmem:$0x630]  }
0x276: {  	v2 =	vadd.f32 v56, v2;
	v56 =	vld [tilespmem:$0x1FE40]  }
0x277: {  	v6 =	vadd.f32 v52, v6;
	v52 =	vld [tilespmem:$0xD30]  }
0x278: {  	v2 =	vadd.f32 v60, v2;
	v60 =	vld [tilespmem:$0x1FE90]  }
0x279: {  	v16 =	vadd.f32 v54, v8;
	v8 =	vld [tilespmem:$0x5C0]  }
0x27a: {  	v54 =	vld [tilespmem:$0x1FEB0]  }
0x27b: {  	v6 =	vadd.f32 v55, v6;
	v55 =	vadd.f32 v12, v11;
	v11 =	vld [tilespmem:$0xEF0]  }
0x27c: {  	v12 =	vld [tilespmem:$0x8D0];
	v2 =	vadd.f32 v19, v2  }
0x27d: {  	v10 =	vadd.f32 v57, v6;
	v57 =	vld [tilespmem:$0x1FEC0]  }
0x27e: {  	v6 =	vadd.f32 $0.0e+00, v58;
	v58 =	vld [tilespmem:$0x1FED0];
	v2 =	vadd.f32 v49, v2  }
0x27f: {  	v49 =	vld [tilespmem:$0x550]  }
0x280: {  	v6 =	vadd.f32 v60, v6;
	v19 =	vadd.f32 v53, v2;
	v2 =	vld [tilespmem:$0x1FE10]  }
0x281: {  	v60 =	vld [tilespmem:$0x1FEF0]  }
0x282: {  	v53 =	vld [tilespmem:$0x6A0];
	v6 =	vadd.f32 v32, v6  }
0x283: {  	v32 =	vld [tilespmem:$0x1FF20]  }
0x284: {  	v6 =	vadd.f32 v35, v6;
	v35 =	vld [tilespmem:$0x1FF40]  }
0x285: {  	v2 =	vadd.f32 v2, v3;
	v3 =	vld [tilespmem:$0xC50]  }
0x286: {  	v6 =	vadd.f32 v54, v6;
	v54 =	vld [tilespmem:$0x1FF80]  }
0x287: {  	v13 =	vadd.f32 v56, v2;
	v2 =	vld [tilespmem:$0x1FE50]  }
0x288: {  	v56 =	vadd.f32 v15, v9;
	v9 =	vld [tilespmem:$0x860]  }
0x289: {  	v5 =	vadd.f32 v5, v6;
	v15 =	vld [tilespmem:$0xFD0]  }
0x28a: {  	v6 =	vadd.f32 v21, v56;
	v21 =	vld [tilespmem:$0x1040]  }
0x28b: {  	v5 =	vadd.f32 v57, v5;
	v56 =	vld [tilespmem:$0x1FFA0]  }
0x28c: {  	v57 =	vld [tilespmem:$0x1FFB0];
	v3 =	vadd.f32 $0.0e+00, v3;
	v2 =	vadd.f32 $0.0e+00, v2  }
0x28d: {  	v6 =	vadd.f32 v26, v6;
	v26 =	vld [tilespmem:$0x10B0]  }
0x28e: {  	v3 =	vadd.f32 v50, v3;
	v50 =	vld [tilespmem:$0x6B0];
	v2 =	vadd.f32 v59, v2  }
0x28f: {  	v6 =	vadd.f32 v28, v6;
	v28 =	vld [tilespmem:$0x1FF10]  }
0x290: {  	v59 =	vld [tilespmem:$0x1FEE0];
	v2 =	vadd.f32 v61, v2  }
0x291: {  	v3 =	vadd.f32 v52, v3;
	v52 =	vld [tilespmem:$0x720];
	v6 =	vadd.f32 v30, v6  }
0x292: {  	v30 =	vld [tilespmem:$0x1190];
	v2 =	vadd.f32 v33, v2  }
0x293: {  	v61 =	vld [tilespmem:$0x1FF00];
	v6 =	vadd.f32 v34, v6  }
0x294: {  	v34 =	vld [tilespmem:$0x1270];
	v2 =	vadd.f32 v36, v2  }
0x295: {  	v33 =	vld [tilespmem:$0x1FF30];
	v6 =	vadd.f32 v38, v6  }
0x296: {  	v38 =	vld [tilespmem:$0x1FF70];
	v2 =	vadd.f32 v4, v2;
	v4 =	vadd.f32 v18, v55  }
0x297: {  	v5 =	vadd.f32 v59, v5;
	v59 =	vld [tilespmem:$0x560]  }
0x298: {  	v36 =	vld [tilespmem:$0x1FF50];
	v4 =	vadd.f32 v24, v4  }
0x299: {  	v5 =	vadd.f32 v61, v5;
	v61 =	vld [tilespmem:$0xC60]  }
0x29a: {  	v18 =	vld [tilespmem:$0x940];
	v4 =	vadd.f32 v27, v4  }
0x29b: {  	v6 =	vadd.f32 v40, v6;
	v55 =	vld [tilespmem:$0x1FF90]  }
0x29c: {  	v5 =	vadd.f32 v32, v5;
	v32 =	vld [tilespmem:$0x1200];
	v4 =	vadd.f32 v29, v4  }
0x29d: {  	v2 =	vadd.f32 v7, v2;
	v7 =	vld [tilespmem:$0xF60]  }
0x29e: {  	v6 =	vadd.f32 v42, v6;
	v24 =	vld [tilespmem:$0x9B0];
	v4 =	vadd.f32 v31, v4  }
0x29f: {  	v5 =	vadd.f32 v35, v5;
	v35 =	vld [tilespmem:$0xBE0]  }
0x2a0: {  	v6 =	vadd.f32 v44, v6;
	v44 =	vld [tilespmem:$0x1FFE0];
	v4 =	vadd.f32 v37, v4  }
0x2a1: {  	v3 =	vadd.f32 v17, v3;
	v27 =	vld [tilespmem:$0xA20]  }
0x2a2: {  	v2 =	vadd.f32 v58, v2;
	v58 =	vld [tilespmem:$0x1FFC0];
	v4 =	vadd.f32 v39, v4  }
0x2a3: {  	v6 =	vadd.f32 v46, v6;
	v46 =	vadd.f32 $0.0e+00, v49;
	v49 =	vld [tilespmem:$0xD40]  }
0x2a4: {  	v3 =	vadd.f32 v22, v3;
	v29 =	vld [tilespmem:$0xA90];
	v4 =	vadd.f32 v41, v4  }
0x2a5: {  	v2 =	vadd.f32 v60, v2;
	v60 =	vld [tilespmem:$0x1FFD0];
	v8 =	vadd.f32 v8, v46  }
0x2a6: {  	v6 =	vadd.f32 v48, v6;
	v48 =	vld [tilespmem:$0x640];
	v4 =	vadd.f32 v43, v4  }
0x2a7: {  	v2 =	vadd.f32 v28, v2;
	v8 =	vadd.f32 v51, v8;
	v37 =	vld [tilespmem:$0x1FF60]  }
0x2a8: {  	v3 =	vadd.f32 v25, v3;
	v46 =	vld [tilespmem:$0x1050];
	v4 =	vadd.f32 v45, v4  }
0x2a9: {  	v2 =	vadd.f32 v33, v2;
	v8 =	vadd.f32 v53, v8;
	v45 =	vld [tilespmem:$0x5D0]  }
0x2aa: {  	v3 =	vadd.f32 v11, v3;
	v4 =	vadd.f32 v47, v4;
	v47 =	vld [tilespmem:$0xCD0]  }
0x2ab: {  	v28 =	vld [tilespmem:$0x1120];
	v2 =	vadd.f32 v36, v2;
	v8 =	vadd.f32 v20, v8  }
0x2ac: {  	v31 =	vld [tilespmem:$0xB00];
	v5 =	vadd.f32 v37, v5;
	v37 =	vadd.f32 $0.0e+00, v59  }
0x2ad: {  	v51 =	vld [tilespmem:$0xDB0];
	v2 =	vadd.f32 v38, v2;
	v38 =	vadd.f32 $0.0e+00, v61  }
0x2ae: {  	v33 =	vld [tilespmem:$0xB70];
	v5 =	vadd.f32 v54, v5;
	v37 =	vadd.f32 v45, v37  }
0x2af: {  	v53 =	vld [tilespmem:$0x11A0];
	v2 =	vadd.f32 v55, v2;
	v38 =	vadd.f32 v47, v38  }
0x2b0: {  	v54 =	vld [tilespmem:$0xE20];
	v5 =	vadd.f32 v56, v5;
	v37 =	vadd.f32 v48, v37  }
0x2b1: {  	v2 =	vadd.f32 v57, v2;
	v56 =	vld [tilespmem:$0x790];
	v55 =	vadd.f32 v49, v38  }
0x2b2: {  	v5 =	vadd.f32 v58, v5;
	v58 =	vld [tilespmem:$0xE90];
	v57 =	vadd.f32 v50, v37  }
0x2b3: {  	v59 =	vld [tilespmem:$0x800];
	v8 =	vadd.f32 v23, v8;
	v17 =	vadd.f32 v51, v55  }
0x2b4: {  	v2 =	vadd.f32 v60, v2;
	v60 =	vld [tilespmem:$0xF00];
	v20 =	vadd.f32 v52, v57  }
0x2b5: {  	v3 =	vadd.f32 v7, v3;
	v61 =	vld [tilespmem:$0x870];
	v17 =	vadd.f32 v54, v17  }
0x2b6: {  	v39 =	vld [tilespmem:$0xF70];
	v8 =	vadd.f32 v14, v8;
	v38 =	vadd.f32 v56, v20  }
0x2b7: {  	v3 =	vadd.f32 v15, v3;
	v41 =	vld [tilespmem:$0x8E0];
	v40 =	vadd.f32 v58, v17  }
0x2b8: {  	v43 =	vld [tilespmem:$0xFE0];
	v8 =	vadd.f32 v9, v8;
	v42 =	vadd.f32 v59, v38  }
0x2b9: {  	v5 =	vadd.f32 v44, v5;
	v45 =	vld [tilespmem:$0x950];
	v44 =	vadd.f32 v60, v40  }
0x2ba: {  	v36 =	vld [tilespmem:$0x12E0];
	v8 =	vadd.f32 v12, v8;
	v9 =	vadd.f32 v61, v42  }
0x2bb: {  	v3 =	vadd.f32 v21, v3;
	v47 =	vld [tilespmem:$0x9C0];
	v7 =	vadd.f32 v39, v44  }
0x2bc: {  	v8 =	vadd.f32 v18, v8;
	v48 =	vld [tilespmem:$0x10C0];
	v9 =	vadd.f32 v41, v9  }
0x2bd: {  	v3 =	vadd.f32 v26, v3;
	v49 =	vld [tilespmem:$0xA30];
	v7 =	vadd.f32 v43, v7  }
0x2be: {  	v8 =	vadd.f32 v24, v8;
	v50 =	vld [tilespmem:$0x1130];
	v9 =	vadd.f32 v45, v9  }
0x2bf: {  	v3 =	vadd.f32 v28, v3;
	v51 =	vld [tilespmem:$0xAA0];
	v7 =	vadd.f32 v46, v7  }
0x2c0: {  	[tilespmem:$0x1370] =	vst v63;
	v8 =	vadd.f32 v27, v8;
	v52 =	vld [tilespmem:$0x1FFF0];
	v9 =	vadd.f32 v47, v9  }
0x2c1: {  	[tilespmem:$0x1380] =	vst v16;
	v3 =	vadd.f32 v30, v3;
	v54 =	vld [tilespmem:$0xB10];
	v7 =	vadd.f32 v48, v7  }
0x2c2: {  	[tilespmem:$0x1390] =	vst v10;
	v8 =	vadd.f32 v29, v8;
	v55 =	vld [tilespmem:$0x1210];
	v9 =	vadd.f32 v49, v9  }
0x2c3: {  	[tilespmem:$0x1310] =	vst v19;
	v3 =	vadd.f32 v32, v3;
	v56 =	vld [tilespmem:$0xB80];
	v7 =	vadd.f32 v50, v7  }
0x2c4: {  	[tilespmem:$0x1320] =	vst v13;
	v57 =	vld [tilespmem:$0x1280];
	v8 =	vadd.f32 v31, v8;
	v9 =	vadd.f32 v51, v9  }
0x2c5: {  	[tilespmem:$0x13B0] =	vst v6;
	v3 =	vadd.f32 v34, v3;
	v58 =	vld [tilespmem:$0xBF0];
	v7 =	vadd.f32 v53, v7  }
0x2c6: {  	[tilespmem:$0x1330] =	vst v2;
	v2 =	vadd.f32 v33, v8;
	v60 =	vld [tilespmem:$0x12F0];
	v59 =	vadd.f32 v54, v9  }
0x2c7: {  	[tilespmem:$0x1340] =	vst v4;
	v3 =	vadd.f32 v36, v3;
	v61 =	vadd.f32 v55, v7  }
0x2c8: {  	[tilespmem:$0x13A0] =	vst v5;
	v2 =	vadd.f32 v35, v2;
	v63 =	vadd.f32 v56, v59  }
.Ltmp3:
0x2c9: {  	[tilespmem:$0x13C0] =	vst v3;
	v5 =	vadd.f32 v57, v61;
	(pc) =	sbr.rel @!p1 .LBB2_4-.Ltmp3, $4  }
0x2ca: {  	[tilespmem:$0x1350] =	vst v2;
	v2 =	vadd.f32 v58, v63  }
0x2cb: {  	[tilespmem:$0x1300] =	vst v52;
	v3 =	vadd.f32 v60, v5  }
0x2cc: {  	[tilespmem:$0x1360] =	vst v2  }
0x2cd: {  	[tilespmem:$0x13D0] =	vst v3  }
0x2ce: {  	[hbm4b:s10+s18] =	stream.strided.scatter [tilespmem:s20], [sflag:$0x1], $0x100, s19, s18, $0x38;
	[tilespmem:$0x2480] =	vst v63  }
.Ltmp4:
0x2cf: {  	_ =	swait.ge [sflag:s21], $0x100;
	(pc) =	sbr.rel @p2 .LBB2_7-.Ltmp4, $3  }
0x2d0: {  	[sflag:s21] =	ssyncset.done $0x0  }
0x2d1: {  	[sflag:s21] =	ssyncadd.s32 $0xFFFFFF00  }
0x2d2: {  	[bflag:$0x0] =	sbarrier.arrive $0xFFFF;
	_ =	sdelay $0x1  }
0x2d3: {  	[tilespmem:s22], [sflag:$0x1] =	stream.linear.gather [hbm4b:s3+s2], $0x1000, $0x38;
	[tilespmem:$0x2480] =	vst v63  }
0x2d4: {  	_ =	swait.ge [sflag:s21], $0x1000  }
0x2d5: {  	[sflag:s21] =	ssyncset.done $0x0  }
0x2d6: {  	[sflag:s21] =	ssyncadd.s32 $0xFFFFF000  }
0x2d7: {  	v2 =	vld [tilespmem:s8+$0x1480];
	_ =	sdelay $0x1  }
0x2d8: {  	v3 =	vld [tilespmem:s11+$0x80];
	_ =	sdelay $0x1  }
0x2d9: {  	v4 =	vld [tilespmem:s11+$0x100]  }
0x2da: {  	v2 =	vadd.f32 $0.0e+00, v2  }
0x2db: {  	v5 =	vld [tilespmem:s11+$0x180]  }
0x2dc: {  	v2 =	vadd.f32 v3, v2  }
0x2dd: {  	v3 =	vld [tilespmem:s11+$0x200]  }
0x2de: {  	v2 =	vadd.f32 v4, v2  }
0x2df: {  	v41 =	vld [tilespmem:s11+$0x280]  }
0x2e0: {  	v6 =	vld [tilespmem:s4+$0x1480];
	v2 =	vadd.f32 v5, v2  }
0x2e1: {  	v42 =	vld [tilespmem:s11+$0x300]  }
0x2e2: {  	v7 =	vld [tilespmem:s4+$0x1500];
	v2 =	vadd.f32 v3, v2  }
0x2e3: {  	v3 =	vld [tilespmem:s12+$0x1480]  }
0x2e4: {  	v8 =	vld [tilespmem:s4+$0x1580];
	v2 =	vadd.f32 v41, v2  }
0x2e5: {  	v44 =	vld [tilespmem:s8+$0x1C80];
	v43 =	vadd.f32 $0.0e+00, v6  }
0x2e6: {  	v45 =	vld [tilespmem:s4+$0x1600];
	v2 =	vadd.f32 v42, v2  }
0x2e7: {  	v46 =	vld [tilespmem:s8+$0x1D00];
	v4 =	vadd.f32 v7, v43  }
0x2e8: {  	v2 =	vadd.f32 v3, v2;
	v3 =	vld [tilespmem:s4+$0x1680]  }
0x2e9: {  	v47 =	vld [tilespmem:s8+$0x1D80];
	v4 =	vadd.f32 v8, v4  }
0x2ea: {  	v48 =	vld [tilespmem:s4+$0x1700];
	v2 =	vadd.f32 v44, v2  }
0x2eb: {  	v49 =	vld [tilespmem:s8+$0x1E00];
	v4 =	vadd.f32 v45, v4  }
0x2ec: {  	v50 =	vld [tilespmem:s4+$0x1780];
	v2 =	vadd.f32 v46, v2  }
0x2ed: {  	v51 =	vld [tilespmem:s8+$0x1E80];
	v3 =	vadd.f32 v3, v4  }
0x2ee: {  	v52 =	vld [tilespmem:s4+$0x1800];
	v2 =	vadd.f32 v47, v2  }
0x2ef: {  	v53 =	vld [tilespmem:s8+$0x1F00];
	v3 =	vadd.f32 v48, v3  }
0x2f0: {  	v54 =	vld [tilespmem:s4+$0x1C80];
	v2 =	vadd.f32 v49, v2  }
0x2f1: {  	v55 =	vld [tilespmem:s8+$0x1F80];
	v3 =	vadd.f32 v50, v3  }
0x2f2: {  	v56 =	vld [tilespmem:s4+$0x1D00];
	v2 =	vadd.f32 v51, v2  }
0x2f3: {  	v57 =	vld [tilespmem:s13+$0x0];
	v3 =	vadd.f32 v52, v3  }
0x2f4: {  	v58 =	vld [tilespmem:s4+$0x1D80];
	v2 =	vadd.f32 v53, v2  }
0x2f5: {  	v3 =	vadd.f32 v54, v3  }
0x2f6: {  	v59 =	vld [tilespmem:s4+$0x1E00];
	v2 =	vadd.f32 v55, v2  }
0x2f7: {  	v3 =	vadd.f32 v56, v3  }
0x2f8: {  	v60 =	vld [tilespmem:s4+$0x1E80];
	v2 =	vadd.f32 v57, v2  }
0x2f9: {  	v3 =	vadd.f32 v58, v3  }
0x2fa: {  	v61 =	vld [tilespmem:s4+$0x1F00];
	v2 =	vmax.f32 v2, $1.000000000e+00  }
0x2fb: {  	v3 =	vadd.f32 v59, v3;
	(erf) = vrcp.f32 v2  }
0x2fc: {  	v2 =	vld [tilespmem:s4+$0x1F80]  }
0x2fd: {  	v3 =	vadd.f32 v60, v3  }
0x2fe: {  	v63 =	vld [tilespmem:s4+$0x2000]  }
0x2ff: {  	v3 =	vadd.f32 v61, v3;
	_ =	sdelay $0x1  }
0x300: {  	v2 =	vadd.f32 v2, v3;
	_ =	sdelay $0x1  }
0x301: {  	v2 =	vadd.f32 v63, v2  }
0x302: {  	v3 =	vpop (erf)  }
0x303: {  	v2 =	vmul.f32 v3, v2;
	_ =	sdelay $0x1  }
.Ltmp5:
0x304: {  	[tilespmem:$0x1400] =	vst v2;
	(pc) =	sbr.rel .LBB2_7-.Ltmp5, $4  }
0x305: {  	[hbm4b:s14+s2] =	stream.linear.scatter [tilespmem:s23], [sflag:$0x1], $0x10, $0x38;
	[tilespmem:$0x2480] =	vst v63  }
0x306: {  	_ =	swait.ge [sflag:s21], $0x10  }
0x307: {  	[sflag:s21] =	ssyncset.done $0x0  }
0x308: {  	[sflag:s21] =	ssyncadd.s32 $0xFFFFFFF0  }
.LBB2_8:
0x309: {  	_ =	sfence.sel $0x180000  }
0x30a: {  	[bflag:$0x0] =	sbarrier.arrive $0xFFFF  }
0x30b: {  	p0 =	sne.s32 s1, $0x0;
	_ =	strace $0x90000047  }
0x30c: {  	s0 =	sadd.s32 @!p0 $0x100000, s0;
	[bflag:$0x2] =	sbarrier.arrive $0xFFFF  }
0x30d: {  	[sflag:s0] =	ssyncadd.tile.s32 @!p0 $0x1;
	_ =	shalt  }
.Lfunc_end2:
_tile_overlayer_lowered:
.L_overlay_start_2:
0x30e: {  	(tag) =	ssettag $0x2  }
0x30f: {  	s0 =	rddreg [dreg:$0x0];
	s2 =	stileid.u32  }
0x310: {  	s1 =	rddreg [dreg:$0x1];
	p0 =	sne.s32 s2, $0x0  }
0x311: {  	s3 =	rddreg [dreg:$0x2];
	[bflag:$0x3] =	sbarrier.arrive $0xFFFF;
	s2 =	simm.s32 @!p0 $0x1C01  }
0x312: {  	[timem:s3], [sflag:s2] =	dma.local @!p0 [hbm:s0], s1  }
0x313: {  	s0 =	simm.s32 @!p0 $0x1  }
0x314: {  	_ =	swait.ge @!p0 [sflag:s0], s1  }
0x315: {  	s1 =	ssub.s32 @!p0 $0x0, s1;
	[sflag:s0] =	ssyncset.done @!p0 $0x0  }
0x316: {  	[sflag:s0] =	ssyncadd.s32 @!p0 s1  }
0x317: {  	[bflag:$0x3] =	sbarrier.arrive $0xFFFF  }
0x318: {  	_ =	shalt  }

</sc_bundles>
